<compile_context>
chip_gen: v7x
topology: tpu7x:2x2x1
jax: 0.10.2.dev20260603
libtpu: 0.0.44.dev20260713+nightly
codegen_flags: <defaults>
</compile_context>

<pallas_src>
import functools

import jax
import jax.numpy as jnp
from jax import lax
from jax.experimental import pallas as pl
from jax.experimental.pallas import tpu as pltpu
from jax.experimental.pallas import tpu_sc as plsc

_NC = 2
_NS = 16
_CH = 64
_DEGW = 8


def _make_edge_agg(d, n_acc, e_pad):
  steps = e_pad // (_NC * _NS * _CH)
  rows_per_tile = n_acc // _NS
  zrows = rows_per_tile // 2
  zfull = rows_per_tile // _CH
  zrem = rows_per_tile - zfull * _CH
  dpg = d // 16

  mesh = plsc.VectorSubcoreMesh(core_axis_name="c", subcore_axis_name="s",
                                num_cores=_NC, num_subcores=_NS)
  out_type = (
      jax.ShapeDtypeStruct((_NC, n_acc, d), jnp.float32),
      jax.ShapeDtypeStruct((_NC, n_acc, d), jnp.float32),
      jax.ShapeDtypeStruct((_NC, n_acc, _DEGW), jnp.float32),
  )
  scratch = (
      pltpu.VMEM((16,), jnp.int32),
      pltpu.VMEM((steps, _CH), jnp.int32),
      pltpu.VMEM((steps, _CH), jnp.int32),
      pltpu.VMEM((_CH, d), jnp.float32),
      pltpu.VMEM((_CH, d), jnp.float32),
      pltpu.VMEM((_CH, d), jnp.float32),
      pltpu.VMEM((_CH, d), jnp.float32),
      pltpu.VMEM((_CH, d), jnp.float32),
      pltpu.VMEM((_CH, _DEGW), jnp.float32),
      pltpu.VMEM_SHARED((n_acc, d), jnp.float32),
      pltpu.VMEM_SHARED((n_acc, d), jnp.float32),
      pltpu.VMEM_SHARED((n_acc, _DEGW), jnp.float32),
      pltpu.SemaphoreType.DMA,
      pltpu.SemaphoreType.DMA,
      pltpu.SemaphoreType.DMA,
      pltpu.SemaphoreType.DMA,
  )

  def body(ta, tb, srci, dsti, flags, consts, outa, outb, degout,
           flagv, srcv, dstv, zbuf, ga0, ga1, gb0, gb1, onesv,
           acca, accb, degacc, sa0, sa1, sb0, sb1):
    c = lax.axis_index("c")
    s = lax.axis_index("s")
    wid = c * _NS + s
    row0 = s * rows_per_tile

    pltpu.sync_copy(flags, flagv)
    full = flagv[...][0] > 0

    def zstore(i, _):
      zbuf[i // dpg, pl.ds((i % dpg) * 16, 16)] = jnp.zeros((16,), jnp.float32)
      return 0
    lax.fori_loop(0, _CH * dpg, zstore, 0)

    def zcopy(k, _):
      pltpu.sync_copy(zbuf, acca.at[pl.ds(row0 + k * _CH, _CH)])
      return 0
    lax.fori_loop(0, zfull, zcopy, 0)
    if zrem:
      pltpu.sync_copy(zbuf.at[pl.ds(0, zrem)],
                      acca.at[pl.ds(row0 + zfull * _CH, zrem)])

    @pl.when(full)
    def _():
      def zcopyb(k, _):
        pltpu.sync_copy(zbuf, accb.at[pl.ds(row0 + k * _CH, _CH)])
        return 0
      lax.fori_loop(0, zfull, zcopyb, 0)
      if zrem:
        pltpu.sync_copy(zbuf.at[pl.ds(0, zrem)],
                        accb.at[pl.ds(row0 + zfull * _CH, zrem)])
      pltpu.sync_copy(consts.at[0], onesv)
      def zdeg(k, _):
        pltpu.sync_copy(onesv, degacc.at[pl.ds(row0 + k * _CH, _CH)])
        return 0
      lax.fori_loop(0, zfull, zdeg, 0)
      if zrem:
        pltpu.sync_copy(onesv.at[pl.ds(0, zrem)],
                        degacc.at[pl.ds(row0 + zfull * _CH, zrem)])
      pltpu.sync_copy(consts.at[1], onesv)

    plsc.subcore_barrier()

    base = wid * steps
    pltpu.sync_copy(srci.at[pl.ds(base, steps)], srcv)
    pltpu.sync_copy(dsti.at[pl.ds(base, steps)], dstv)

    def start_a(j, buf, sem):
      pltpu.make_async_copy(ta.at[srcv.at[j]], buf, sem).start()

    def start_b(j, buf, sem):
      @pl.when(full)
      def _():
        pltpu.make_async_copy(tb.at[srcv.at[j]], buf, sem).start()

    def drain_scatter(j, bufa, sema, bufb, semb):
      pltpu.make_async_copy(ta.at[srcv.at[j]], bufa, sema).wait()
      pltpu.sync_copy(bufa, acca.at[dstv.at[j]], add=True)
      @pl.when(full)
      def _():
        pltpu.make_async_copy(tb.at[srcv.at[j]], bufb, semb).wait()
        pltpu.sync_copy(bufb, accb.at[dstv.at[j]], add=True)
        pltpu.sync_copy(onesv, degacc.at[dstv.at[j]], add=True)

    start_a(0, ga0, sa0)
    start_b(0, gb0, sb0)

    def pair(it, _):
      j0 = 2 * it
      start_a(j0 + 1, ga1, sa1)
      start_b(j0 + 1, gb1, sb1)
      drain_scatter(j0, ga0, sa0, gb0, sb0)

      @pl.when(it + 1 < steps // 2)
      def _():
        start_a(j0 + 2, ga0, sa0)
        start_b(j0 + 2, gb0, sb0)

      drain_scatter(j0 + 1, ga1, sa1, gb1, sb1)
      return 0
    lax.fori_loop(0, steps // 2, pair, 0)

    plsc.subcore_barrier()

    def ocopy(k, _):
      r = row0 + k * _CH
      pltpu.sync_copy(acca.at[pl.ds(r, _CH)], outa.at[c, pl.ds(r, _CH)])
      return 0
    lax.fori_loop(0, zfull, ocopy, 0)
    if zrem:
      r1 = row0 + zfull * _CH
      pltpu.sync_copy(acca.at[pl.ds(r1, zrem)], outa.at[c, pl.ds(r1, zrem)])

    @pl.when(full)
    def _():
      def ocopyb(k, _):
        r = row0 + k * _CH
        pltpu.sync_copy(accb.at[pl.ds(r, _CH)], outb.at[c, pl.ds(r, _CH)])
        return 0
      lax.fori_loop(0, zfull, ocopyb, 0)
      if zrem:
        r2 = row0 + zfull * _CH
        pltpu.sync_copy(accb.at[pl.ds(r2, zrem)], outb.at[c, pl.ds(r2, zrem)])
      pltpu.sync_copy(degacc.at[pl.ds(row0, rows_per_tile)],
                      degout.at[c, pl.ds(row0, rows_per_tile)])

  return pl.kernel(body, out_type=out_type, mesh=mesh,
                   scratch_types=scratch,
                   compiler_params=pltpu.CompilerParams(
                       use_tc_tiling_on_sc=False))


def _tc_layer1(pa, pb, degp, x, wl1t_a, wl1t_b, bl1, wr1t, wl2t, wr2t, n, blk):
  d = x.shape[1]
  dh = d // 2
  h2 = wl2t.shape[1]
  grid = (n // blk,)

  def body(pa_ref, pb_ref, deg_ref, x_ref, wl1a_ref, wl1b_ref, bl1_ref,
           wr1_ref, wl2_ref, wr2_ref, hl_ref, hr_ref):
    agg_a = pa_ref[0] + pa_ref[1]
    agg_b = pb_ref[0] + pb_ref[1]
    dg = deg_ref[0, :, 0:1] + deg_ref[1, :, 0:1]
    rdeg = 1.0 / jnp.maximum(dg, 1.0)
    h = (jnp.dot(agg_a * rdeg, wl1a_ref[...], preferred_element_type=jnp.float32)
         + jnp.dot(agg_b * rdeg, wl1b_ref[...], preferred_element_type=jnp.float32)
         + bl1_ref[...]
         + jnp.dot(x_ref[...], wr1_ref[...], preferred_element_type=jnp.float32))
    h = jnp.maximum(h, 0.0)
    hl_ref[...] = jnp.dot(h, wl2_ref[...], preferred_element_type=jnp.float32)
    hr_ref[...] = jnp.dot(h, wr2_ref[...], preferred_element_type=jnp.float32)

  return pl.pallas_call(
      body,
      grid=grid,
      in_specs=[
          pl.BlockSpec((_NC, blk, dh), lambda i: (0, i, 0)),
          pl.BlockSpec((_NC, blk, dh), lambda i: (0, i, 0)),
          pl.BlockSpec((_NC, blk, _DEGW), lambda i: (0, i, 0)),
          pl.BlockSpec((blk, d), lambda i: (i, 0)),
          pl.BlockSpec((dh, d), lambda i: (0, 0)),
          pl.BlockSpec((dh, d), lambda i: (0, 0)),
          pl.BlockSpec((1, d), lambda i: (0, 0)),
          pl.BlockSpec((d, d), lambda i: (0, 0)),
          pl.BlockSpec((d, h2), lambda i: (0, 0)),
          pl.BlockSpec((d, h2), lambda i: (0, 0)),
      ],
      out_specs=[
          pl.BlockSpec((blk, h2), lambda i: (i, 0)),
          pl.BlockSpec((blk, h2), lambda i: (i, 0)),
      ],
      out_shape=[
          jax.ShapeDtypeStruct((n, h2), jnp.float32),
          jax.ShapeDtypeStruct((n, h2), jnp.float32),
      ],
  )(pa, pb, degp, x, wl1t_a, wl1t_b, bl1, wr1t, wl2t, wr2t)


def _tc_layer2(q, degp, hr, bl2, n, blk):
  c = hr.shape[1]
  grid = (n // blk,)

  def body(q_ref, deg_ref, hr_ref, bl2_ref, o_ref):
    agg = q_ref[0] + q_ref[1]
    dg = deg_ref[0, :, 0:1] + deg_ref[1, :, 0:1]
    rdeg = 1.0 / jnp.maximum(dg, 1.0)
    o = agg * rdeg + bl2_ref[...] + hr_ref[...]
    o_ref[...] = jax.nn.sigmoid(o)

  return pl.pallas_call(
      body,
      grid=grid,
      in_specs=[
          pl.BlockSpec((_NC, blk, c), lambda i: (0, i, 0)),
          pl.BlockSpec((_NC, blk, _DEGW), lambda i: (0, i, 0)),
          pl.BlockSpec((blk, c), lambda i: (i, 0)),
          pl.BlockSpec((1, c), lambda i: (0, 0)),
      ],
      out_specs=pl.BlockSpec((blk, c), lambda i: (i, 0)),
      out_shape=jax.ShapeDtypeStruct((n, c), jnp.float32),
  )(q, degp, hr, bl2)


def kernel(x, edge_index, Wl1, bl1, Wr1, Wl2, bl2, Wr2):
  n, d = x.shape
  dh = d // 2
  h2 = Wl2.shape[0]
  e = edge_index.shape[1]

  egrain = _NC * _NS * _CH * 2
  e_pad = -(-e // egrain) * egrain
  n_acc = -(-(n + 1) // (2 * _NS)) * (2 * _NS)
  n_dump = n_acc - n

  src = edge_index[0]
  dst = edge_index[1]
  pad = e_pad - e
  pad_iota = jnp.arange(pad, dtype=jnp.int32)
  src_p = jnp.concatenate([src, pad_iota % n]).reshape(e_pad // _CH, _CH)
  dst_p = jnp.concatenate([dst, n + pad_iota % n_dump]).reshape(
      e_pad // _CH, _CH)

  consts = jnp.stack([jnp.zeros((_CH, _DEGW), jnp.float32),
                      jnp.ones((_CH, _DEGW), jnp.float32)])

  agg = _make_edge_agg(dh, n_acc, e_pad)

  flags_on = jnp.ones((16,), jnp.int32)
  flags_off = jnp.zeros((16,), jnp.int32)

  pa, pb, degp = agg(x[:, :dh], x[:, dh:], src_p, dst_p, flags_on, consts)

  blk = 2000 if n % 2000 == 0 else 8 * (n // 8)
  hl, hr = _tc_layer1(pa, pb, degp, x, Wl1.T[:dh], Wl1.T[dh:],
                      bl1.reshape(1, -1), Wr1.T, Wl2.T, Wr2.T, n, blk)

  q, _, _ = agg(hl, hl, src_p, dst_p, flags_off, consts)

  return _tc_layer2(q, degp, hr, bl2.reshape(1, -1), n, blk)

# --- scband reference (transcript-rebuilt; emitter-appended) ---
"""Pipeline reference for scband-sage-sup-1168231104598 (READ-ONLY COPY).

The authoritative reference and input builder live on the scoring server;
editing this copy changes nothing except your own understanding.
"""

import jax, jax.numpy as jnp
import numpy as np

N, E, D, H, C = 10000, 320000, 128, 128, 64


def setup_inputs(seed: int = 0) -> dict:
    key = jax.random.key(seed)
    ks = jax.random.split(key, 9)
    x = jax.random.normal(ks[0], (N, D), dtype=jnp.float32)
    edge_index = jax.random.randint(ks[1], (2, E), 0, N, dtype=jnp.int32)
    # SAGEConv layer 1: lin_l (neighbor aggr, with bias), lin_r (root, no bias)
    s1 = 1.0 / np.sqrt(D)
    Wl1 = jax.random.uniform(ks[2], (H, D), jnp.float32, -s1, s1)
    bl1 = jax.random.uniform(ks[3], (H,), jnp.float32, -s1, s1)
    Wr1 = jax.random.uniform(ks[4], (H, D), jnp.float32, -s1, s1)
    # SAGEConv layer 2
    s2 = 1.0 / np.sqrt(H)
    Wl2 = jax.random.uniform(ks[5], (C, H), jnp.float32, -s2, s2)
    bl2 = jax.random.uniform(ks[6], (C,), jnp.float32, -s2, s2)
    Wr2 = jax.random.uniform(ks[7], (C, H), jnp.float32, -s2, s2)
    return {"x": x, "edge_index": edge_index, "Wl1": Wl1, "bl1": bl1, "Wr1": Wr1, "Wl2": Wl2, "bl2": bl2, "Wr2": Wr2}


def _sage_conv(x, edge_index, Wl, bl, Wr):
    # PyG SAGEConv with mean aggregation:
    # out = lin_l(mean_{j in N(i)} x_j) + lin_r(x_i)
    src = edge_index[0]
    dst = edge_index[1]
    n = x.shape[0]
    msgs = jnp.take(x, src, axis=0)                      # gather
    aggr = jax.ops.segment_sum(msgs, dst, num_segments=n)  # scatter-add
    deg = jax.ops.segment_sum(jnp.ones((src.shape[0],), x.dtype), dst, num_segments=n)
    aggr = aggr / jnp.clip(deg, 1.0, None)[:, None]
    return aggr @ Wl.T + bl + x @ Wr.T


def reference(x, edge_index, Wl1, bl1, Wr1, Wl2, bl2, Wr2):
    h = _sage_conv(x, edge_index, Wl1, bl1, Wr1)
    h = jax.nn.relu(h)
    # dropout(p=0.5) is identity in eval mode
    out = _sage_conv(h, edge_index, Wl2, bl2, Wr2)
    return jax.nn.sigmoid(out)

if __name__ == "__main__":
    import jax
    _d = setup_inputs()
    print(jax.jit(kernel)(*tuple(_d.values())))

</pallas_src>

<mosaic_0001>
#map = affine_map<(d0, d1) -> (0, 0)>
#map1 = affine_map<(d0, d1) -> (0)>
#map2 = affine_map<(d0, d1) -> (0, 0, 0)>
module attributes {stable_mosaic.version = 14 : i64} {
  func.func @body(%arg0: i32, %arg1: i32, %arg2: memref<10000x64xf32, #tpu.memory_space<hbm>>, %arg3: memref<10000x64xf32, #tpu.memory_space<hbm>>, %arg4: memref<5056x64xi32, #tpu.memory_space<hbm>>, %arg5: memref<5056x64xi32, #tpu.memory_space<hbm>>, %arg6: memref<16xi32, #tpu.memory_space<hbm>>, %arg7: memref<2x64x8xf32, #tpu.memory_space<hbm>>, %arg8: memref<2x10016x64xf32, #tpu.memory_space<hbm>>, %arg9: memref<2x10016x64xf32, #tpu.memory_space<hbm>>, %arg10: memref<2x10016x8xf32, #tpu.memory_space<hbm>>, %arg11: memref<16xi32, #tpu.memory_space<vmem>>, %arg12: memref<158x64xi32, #tpu.memory_space<vmem>>, %arg13: memref<158x64xi32, #tpu.memory_space<vmem>>, %arg14: memref<64x64xf32, #tpu.memory_space<vmem>>, %arg15: memref<64x64xf32, #tpu.memory_space<vmem>>, %arg16: memref<64x64xf32, #tpu.memory_space<vmem>>, %arg17: memref<64x64xf32, #tpu.memory_space<vmem>>, %arg18: memref<64x64xf32, #tpu.memory_space<vmem>>, %arg19: memref<64x8xf32, #tpu.memory_space<vmem>>, %arg20: memref<10016x64xf32, #tpu.memory_space<vmem_shared>>, %arg21: memref<10016x64xf32, #tpu.memory_space<vmem_shared>>, %arg22: memref<10016x8xf32, #tpu.memory_space<vmem_shared>>, %arg23: memref<!tpu.dma_semaphore, #tpu.memory_space<semaphore_mem>>, %arg24: memref<!tpu.dma_semaphore, #tpu.memory_space<semaphore_mem>>, %arg25: memref<!tpu.dma_semaphore, #tpu.memory_space<semaphore_mem>>, %arg26: memref<!tpu.dma_semaphore, #tpu.memory_space<semaphore_mem>>) attributes {dimension_semantics = [#tpu.dimension_semantics<core_parallel>, #tpu.dimension_semantics<subcore_parallel>], iteration_bounds = array<i64: 2, 16>, scalar_prefetch = 0 : i64, scratch_operands = 16 : i64, tpu.core_type = #tpu.core_type<sc_vector_subcore>, window_params = [{transform_indices = #map}, {transform_indices = #map}, {transform_indices = #map}, {transform_indices = #map}, {transform_indices = #map1}, {transform_indices = #map2}, {transform_indices = #map2}, {transform_indices = #map2}, {transform_indices = #map2}]} {
    %mul3A = arith.constant 16 : i32
    %mul3A_0 = arith.muli %arg0, %mul3A : i32
    %add3A = arith.addi %mul3A_0, %arg1 : i32
    %mul3A_1 = arith.constant 626 : i32
    %mul3A_2 = arith.muli %arg1, %mul3A_1 : i32
    "tpu.region"() ({
      %run_scoped3A = tpu.sem_alloc : memref<!tpu.dma_semaphore, #tpu.memory_space<semaphore_mem>>
      tpu.enqueue_dma source(%arg6 : memref<16xi32, #tpu.memory_space<hbm>>) target(%arg11 : memref<16xi32, #tpu.memory_space<vmem>>) target_semaphore(%run_scoped3A : memref<!tpu.dma_semaphore, #tpu.memory_space<semaphore_mem>>)
      tpu.wait_dma2 semaphore(%run_scoped3A : memref<!tpu.dma_semaphore, #tpu.memory_space<semaphore_mem>>) src(%arg6 : memref<16xi32, #tpu.memory_space<hbm>>) dst(%arg11 : memref<16xi32, #tpu.memory_space<vmem>>)
      tpu.yield
    }) : () -> ()
    %get3A = arith.constant 0 : index
    %get3A_3 = tpu.vector_load %arg11[%get3A] {strides = array<i32>} : memref<16xi32, #tpu.memory_space<vmem>>, vector<16xi32>,
    %get3A_4 = vector.shape_cast %get3A_3 : vector<16xi32> to vector<16xi32>
    %slice3A = vector.extract_strided_slice %get3A_4 {offsets = [0], sizes = [1], strides = [1]} : vector<16xi32> to vector<1xi32>
    %squeeze3A = vector.extract %slice3A[0] : i32 from vector<1xi32>
    %gt3A = arith.constant 0 : i32
    %gt3A_5 = arith.cmpi sgt, %squeeze3A, %gt3A : i32
    %scan3A = arith.constant 0 : i32
    %scan3A_6 = arith.constant 0 : i32
    %scan3A_7 = arith.constant 256 : i32
    %scan3A_8 = arith.addi %scan3A_6, %scan3A_7 : i32
    %scan3A_9 = arith.constant 1 : i32
    %scan3A_10 = scf.for %scan3A_53 = %scan3A_6 to %scan3A_8 step %scan3A_9 iter_args(%scan3A_54 = %scan3A) -> (i32)  : i32 {
      %broadcast_in_dim3A = arith.constant 0.000000e+00 : f32
      %broadcast_in_dim3A_55 = vector.broadcast %broadcast_in_dim3A : f32 to vector<16xf32>
      %jit3A = arith.constant 4 : i32
      %div3A = arith.divsi %scan3A_53, %jit3A : i32
      %sign3A = arith.constant 0 : i32
      %sign3A_56 = arith.cmpi sgt, %scan3A_53, %sign3A : i32
      %sign3A_57 = arith.extui %sign3A_56 : i1 to i32
      %sign3A_58 = arith.constant 0 : i32
      %sign3A_59 = arith.cmpi slt, %scan3A_53, %sign3A_58 : i32
      %sign3A_60 = arith.extui %sign3A_59 : i1 to i32
      %sign3A_61 = arith.subi %sign3A_57, %sign3A_60 : i32
      %sign3A_62 = arith.constant 0 : i32
      %sign3A_63 = arith.cmpi sgt, %jit3A, %sign3A_62 : i32
      %sign3A_64 = arith.extui %sign3A_63 : i1 to i32
      %sign3A_65 = arith.constant 0 : i32
      %sign3A_66 = arith.cmpi slt, %jit3A, %sign3A_65 : i32
      %sign3A_67 = arith.extui %sign3A_66 : i1 to i32
      %sign3A_68 = arith.subi %sign3A_64, %sign3A_67 : i32
      %ne3A = arith.cmpi ne, %sign3A_61, %sign3A_68 : i32
      %rem3A = arith.remsi %scan3A_53, %jit3A : i32
      %ne3A_69 = arith.constant 0 : i32
      %ne3A_70 = arith.cmpi ne, %rem3A, %ne3A_69 : i32
      %and3A = arith.andi %ne3A, %ne3A_70 : i1
      %sub3A = arith.constant 1 : i32
      %sub3A_71 = arith.subi %div3A, %sub3A : i32
      %select_n3A = arith.select %and3A, %sub3A_71, %div3A : i32
      %jit3A_72 = arith.constant 4 : i32
      %eq3A = arith.constant 0 : i32
      %eq3A_73 = arith.cmpi eq, %jit3A_72, %eq3A : i32
      %jit3A_74 = arith.constant 1 : i32
      %select_n3A_75 = arith.select %eq3A_73, %jit3A_74, %jit3A_72 : i32
      %rem3A_76 = arith.remsi %scan3A_53, %select_n3A_75 : i32
      %ne3A_77 = arith.constant 0 : i32
      %ne3A_78 = arith.cmpi ne, %rem3A_76, %ne3A_77 : i32
      %lt3A = arith.constant 0 : i32
      %lt3A_79 = arith.cmpi slt, %rem3A_76, %lt3A : i32
      %lt3A_80 = arith.constant 0 : i32
      %lt3A_81 = arith.cmpi slt, %select_n3A_75, %lt3A_80 : i32
      %ne3A_82 = arith.xori %lt3A_79, %lt3A_81 : i1
      %and3A_83 = arith.andi %ne3A_82, %ne3A_78 : i1
      %add3A_84 = arith.addi %rem3A_76, %select_n3A_75 : i32
      %select_n3A_85 = arith.select %and3A_83, %add3A_84, %rem3A_76 : i32
      %mul3A_86 = arith.constant 16 : i32
      %mul3A_87 = arith.muli %select_n3A_85, %mul3A_86 : i32
      %swap3A = arith.index_cast %select_n3A : i32 to index
      %swap3A_88 = arith.index_cast %mul3A_87 : i32 to index
      %swap3A_89 = tpu.vector_load %arg14[%swap3A, %swap3A_88] {strides = array<i32>} : memref<64x64xf32, #tpu.memory_space<vmem>>, vector<1x16xf32>,
      %swap3A_90 = vector.shape_cast %swap3A_89 : vector<1x16xf32> to vector<16xf32>
      %swap3A_91 = vector.shape_cast %broadcast_in_dim3A_55 : vector<16xf32> to vector<1x16xf32>
      tpu.vector_store %arg14[%swap3A, %swap3A_88], %swap3A_91 {strides = array<i32>} : memref<64x64xf32, #tpu.memory_space<vmem>>, vector<1x16xf32>,
      %scan3A_92 = arith.constant 0 : i32
      scf.yield %scan3A_92 : i32
    }
    %scan3A_11 = arith.constant 256 : i32
    %scan3A_12 = arith.constant 0 : i32
    %scan3A_13 = arith.constant 0 : i32
    %scan3A_14 = arith.constant 9 : i32
    %scan3A_15 = arith.addi %scan3A_13, %scan3A_14 : i32
    %scan3A_16 = arith.constant 1 : i32
    %scan3A_17 = scf.for %scan3A_53 = %scan3A_13 to %scan3A_15 step %scan3A_16 iter_args(%scan3A_54 = %scan3A_12) -> (i32)  : i32 {
      %mul3A_55 = arith.constant 64 : i32
      %mul3A_56 = arith.muli %scan3A_53, %mul3A_55 : i32
      %add3A_57 = arith.addi %mul3A_2, %mul3A_56 : i32
      "tpu.region"() ({
        %run_scoped3A = tpu.sem_alloc : memref<!tpu.dma_semaphore, #tpu.memory_space<semaphore_mem>>
        %dma_start3A_59 = arith.constant 0 : i32
        %dma_start3A_60 = tpu.memref_slice %arg20[%add3A_57, %dma_start3A_59] : memref<10016x64xf32, #tpu.memory_space<vmem_shared>> -> memref<64x64xf32, #tpu.memory_space<vmem_shared>>
        %dma_start3A_61 = arith.constant 0 : i32
        %dma_start3A_62 = tpu.memref_slice %arg20[%add3A_57, %dma_start3A_61] : memref<10016x64xf32, #tpu.memory_space<vmem_shared>> -> memref<64x64xf32, #tpu.memory_space<vmem_shared>>
        tpu.enqueue_dma source(%arg14 : memref<64x64xf32, #tpu.memory_space<vmem>>) target(%dma_start3A_62 : memref<64x64xf32, #tpu.memory_space<vmem_shared>>) target_semaphore(%run_scoped3A : memref<!tpu.dma_semaphore, #tpu.memory_space<semaphore_mem>>)
        %dma_wait3A = arith.constant 0 : i32
        %dma_wait3A_63 = tpu.memref_slice %arg20[%add3A_57, %dma_wait3A] : memref<10016x64xf32, #tpu.memory_space<vmem_shared>> -> memref<64x64xf32, #tpu.memory_space<vmem_shared>>
        %dma_wait3A_64 = arith.constant 0 : i32
        %dma_wait3A_65 = tpu.memref_slice %arg20[%add3A_57, %dma_wait3A_64] : memref<10016x64xf32, #tpu.memory_space<vmem_shared>> -> memref<64x64xf32, #tpu.memory_space<vmem_shared>>
        tpu.wait_dma2 semaphore(%run_scoped3A : memref<!tpu.dma_semaphore, #tpu.memory_space<semaphore_mem>>) src(%arg14 : memref<64x64xf32, #tpu.memory_space<vmem>>) dst(%dma_wait3A_65 : memref<64x64xf32, #tpu.memory_space<vmem_shared>>)
        tpu.yield
      }) : () -> ()
      %scan3A_58 = arith.constant 0 : i32
      scf.yield %scan3A_58 : i32
    }
    %scan3A_18 = arith.constant 9 : i32
    %add3A_19 = arith.constant 576 : i32
    %add3A_20 = arith.addi %mul3A_2, %add3A_19 : i32
    "tpu.region"() ({
      %run_scoped3A = tpu.sem_alloc : memref<!tpu.dma_semaphore, #tpu.memory_space<semaphore_mem>>
      %dma_start3A_53 = arith.constant 0 : i32
      %dma_start3A_54 = arith.constant 0 : i32
      %dma_start3A_55 = tpu.memref_slice %arg14[%dma_start3A_53, %dma_start3A_54] : memref<64x64xf32, #tpu.memory_space<vmem>> -> memref<50x64xf32, #tpu.memory_space<vmem>>
      %dma_start3A_56 = arith.constant 0 : i32
      %dma_start3A_57 = tpu.memref_slice %arg20[%add3A_20, %dma_start3A_56] : memref<10016x64xf32, #tpu.memory_space<vmem_shared>> -> memref<50x64xf32, #tpu.memory_space<vmem_shared>>
      %dma_start3A_58 = arith.constant 0 : i32
      %dma_start3A_59 = tpu.memref_slice %arg20[%add3A_20, %dma_start3A_58] : memref<10016x64xf32, #tpu.memory_space<vmem_shared>> -> memref<50x64xf32, #tpu.memory_space<vmem_shared>>
      %dma_start3A_60 = arith.constant 0 : i32
      %dma_start3A_61 = arith.constant 0 : i32
      %dma_start3A_62 = tpu.memref_slice %arg14[%dma_start3A_60, %dma_start3A_61] : memref<64x64xf32, #tpu.memory_space<vmem>> -> memref<50x64xf32, #tpu.memory_space<vmem>>
      tpu.enqueue_dma source(%dma_start3A_62 : memref<50x64xf32, #tpu.memory_space<vmem>>) target(%dma_start3A_59 : memref<50x64xf32, #tpu.memory_space<vmem_shared>>) target_semaphore(%run_scoped3A : memref<!tpu.dma_semaphore, #tpu.memory_space<semaphore_mem>>)
      %dma_wait3A = arith.constant 0 : i32
      %dma_wait3A_63 = arith.constant 0 : i32
      %dma_wait3A_64 = tpu.memref_slice %arg14[%dma_wait3A, %dma_wait3A_63] : memref<64x64xf32, #tpu.memory_space<vmem>> -> memref<50x64xf32, #tpu.memory_space<vmem>>
      %dma_wait3A_65 = arith.constant 0 : i32
      %dma_wait3A_66 = tpu.memref_slice %arg20[%add3A_20, %dma_wait3A_65] : memref<10016x64xf32, #tpu.memory_space<vmem_shared>> -> memref<50x64xf32, #tpu.memory_space<vmem_shared>>
      %dma_wait3A_67 = arith.constant 0 : i32
      %dma_wait3A_68 = tpu.memref_slice %arg20[%add3A_20, %dma_wait3A_67] : memref<10016x64xf32, #tpu.memory_space<vmem_shared>> -> memref<50x64xf32, #tpu.memory_space<vmem_shared>>
      %dma_wait3A_69 = arith.constant 0 : i32
      %dma_wait3A_70 = arith.constant 0 : i32
      %dma_wait3A_71 = tpu.memref_slice %arg14[%dma_wait3A_69, %dma_wait3A_70] : memref<64x64xf32, #tpu.memory_space<vmem>> -> memref<50x64xf32, #tpu.memory_space<vmem>>
      tpu.wait_dma2 semaphore(%run_scoped3A : memref<!tpu.dma_semaphore, #tpu.memory_space<semaphore_mem>>) src(%dma_wait3A_71 : memref<50x64xf32, #tpu.memory_space<vmem>>) dst(%dma_wait3A_68 : memref<50x64xf32, #tpu.memory_space<vmem_shared>>)
      tpu.yield
    }) : () -> ()
    %convert_element_type3A = arith.extui %gt3A_5 : i1 to i32
    %cond3A = arith.constant 0 : i32
    %cond3A_21 = arith.cmpi ne, %convert_element_type3A, %cond3A : i32
    scf.if %cond3A_21 {
      %scan3A_53 = arith.constant 0 : i32
      %scan3A_54 = arith.constant 0 : i32
      %scan3A_55 = arith.constant 9 : i32
      %scan3A_56 = arith.addi %scan3A_54, %scan3A_55 : i32
      %scan3A_57 = arith.constant 1 : i32
      %scan3A_58 = scf.for %scan3A_72 = %scan3A_54 to %scan3A_56 step %scan3A_57 iter_args(%scan3A_73 = %scan3A_53) -> (i32)  : i32 {
        %mul3A_74 = arith.constant 64 : i32
        %mul3A_75 = arith.muli %scan3A_72, %mul3A_74 : i32
        %add3A_76 = arith.addi %mul3A_2, %mul3A_75 : i32
        "tpu.region"() ({
          %run_scoped3A_78 = tpu.sem_alloc : memref<!tpu.dma_semaphore, #tpu.memory_space<semaphore_mem>>
          %dma_start3A_79 = arith.constant 0 : i32
          %dma_start3A_80 = tpu.memref_slice %arg21[%add3A_76, %dma_start3A_79] : memref<10016x64xf32, #tpu.memory_space<vmem_shared>> -> memref<64x64xf32, #tpu.memory_space<vmem_shared>>
          %dma_start3A_81 = arith.constant 0 : i32
          %dma_start3A_82 = tpu.memref_slice %arg21[%add3A_76, %dma_start3A_81] : memref<10016x64xf32, #tpu.memory_space<vmem_shared>> -> memref<64x64xf32, #tpu.memory_space<vmem_shared>>
          tpu.enqueue_dma source(%arg14 : memref<64x64xf32, #tpu.memory_space<vmem>>) target(%dma_start3A_82 : memref<64x64xf32, #tpu.memory_space<vmem_shared>>) target_semaphore(%run_scoped3A_78 : memref<!tpu.dma_semaphore, #tpu.memory_space<semaphore_mem>>)
          %dma_wait3A = arith.constant 0 : i32
          %dma_wait3A_83 = tpu.memref_slice %arg21[%add3A_76, %dma_wait3A] : memref<10016x64xf32, #tpu.memory_space<vmem_shared>> -> memref<64x64xf32, #tpu.memory_space<vmem_shared>>
          %dma_wait3A_84 = arith.constant 0 : i32
          %dma_wait3A_85 = tpu.memref_slice %arg21[%add3A_76, %dma_wait3A_84] : memref<10016x64xf32, #tpu.memory_space<vmem_shared>> -> memref<64x64xf32, #tpu.memory_space<vmem_shared>>
          tpu.wait_dma2 semaphore(%run_scoped3A_78 : memref<!tpu.dma_semaphore, #tpu.memory_space<semaphore_mem>>) src(%arg14 : memref<64x64xf32, #tpu.memory_space<vmem>>) dst(%dma_wait3A_85 : memref<64x64xf32, #tpu.memory_space<vmem_shared>>)
          tpu.yield
        }) : () -> ()
        %scan3A_77 = arith.constant 0 : i32
        scf.yield %scan3A_77 : i32
      }
      %scan3A_59 = arith.constant 9 : i32
      %add3A_60 = arith.constant 576 : i32
      %add3A_61 = arith.addi %mul3A_2, %add3A_60 : i32
      "tpu.region"() ({
        %run_scoped3A_72 = tpu.sem_alloc : memref<!tpu.dma_semaphore, #tpu.memory_space<semaphore_mem>>
        %dma_start3A_73 = arith.constant 0 : i32
        %dma_start3A_74 = arith.constant 0 : i32
        %dma_start3A_75 = tpu.memref_slice %arg14[%dma_start3A_73, %dma_start3A_74] : memref<64x64xf32, #tpu.memory_space<vmem>> -> memref<50x64xf32, #tpu.memory_space<vmem>>
        %dma_start3A_76 = arith.constant 0 : i32
        %dma_start3A_77 = tpu.memref_slice %arg21[%add3A_61, %dma_start3A_76] : memref<10016x64xf32, #tpu.memory_space<vmem_shared>> -> memref<50x64xf32, #tpu.memory_space<vmem_shared>>
        %dma_start3A_78 = arith.constant 0 : i32
        %dma_start3A_79 = tpu.memref_slice %arg21[%add3A_61, %dma_start3A_78] : memref<10016x64xf32, #tpu.memory_space<vmem_shared>> -> memref<50x64xf32, #tpu.memory_space<vmem_shared>>
        %dma_start3A_80 = arith.constant 0 : i32
        %dma_start3A_81 = arith.constant 0 : i32
        %dma_start3A_82 = tpu.memref_slice %arg14[%dma_start3A_80, %dma_start3A_81] : memref<64x64xf32, #tpu.memory_space<vmem>> -> memref<50x64xf32, #tpu.memory_space<vmem>>
        tpu.enqueue_dma source(%dma_start3A_82 : memref<50x64xf32, #tpu.memory_space<vmem>>) target(%dma_start3A_79 : memref<50x64xf32, #tpu.memory_space<vmem_shared>>) target_semaphore(%run_scoped3A_72 : memref<!tpu.dma_semaphore, #tpu.memory_space<semaphore_mem>>)
        %dma_wait3A = arith.constant 0 : i32
        %dma_wait3A_83 = arith.constant 0 : i32
        %dma_wait3A_84 = tpu.memref_slice %arg14[%dma_wait3A, %dma_wait3A_83] : memref<64x64xf32, #tpu.memory_space<vmem>> -> memref<50x64xf32, #tpu.memory_space<vmem>>
        %dma_wait3A_85 = arith.constant 0 : i32
        %dma_wait3A_86 = tpu.memref_slice %arg21[%add3A_61, %dma_wait3A_85] : memref<10016x64xf32, #tpu.memory_space<vmem_shared>> -> memref<50x64xf32, #tpu.memory_space<vmem_shared>>
        %dma_wait3A_87 = arith.constant 0 : i32
        %dma_wait3A_88 = tpu.memref_slice %arg21[%add3A_61, %dma_wait3A_87] : memref<10016x64xf32, #tpu.memory_space<vmem_shared>> -> memref<50x64xf32, #tpu.memory_space<vmem_shared>>
        %dma_wait3A_89 = arith.constant 0 : i32
        %dma_wait3A_90 = arith.constant 0 : i32
        %dma_wait3A_91 = tpu.memref_slice %arg14[%dma_wait3A_89, %dma_wait3A_90] : memref<64x64xf32, #tpu.memory_space<vmem>> -> memref<50x64xf32, #tpu.memory_space<vmem>>
        tpu.wait_dma2 semaphore(%run_scoped3A_72 : memref<!tpu.dma_semaphore, #tpu.memory_space<semaphore_mem>>) src(%dma_wait3A_91 : memref<50x64xf32, #tpu.memory_space<vmem>>) dst(%dma_wait3A_88 : memref<50x64xf32, #tpu.memory_space<vmem_shared>>)
        tpu.yield
      }) : () -> ()
      %run_scoped3A = arith.constant 0 : i32
      "tpu.region"() ({
        %run_scoped3A_72 = tpu.sem_alloc : memref<!tpu.dma_semaphore, #tpu.memory_space<semaphore_mem>>
        %dma_start3A_73 = arith.constant 0 : i32
        %dma_start3A_74 = arith.constant 0 : i32
        %dma_start3A_75 = tpu.memref_slice %arg7[%run_scoped3A, %dma_start3A_73, %dma_start3A_74] : memref<2x64x8xf32, #tpu.memory_space<hbm>> -> memref<1x64x8xf32, #tpu.memory_space<hbm>>
        %dma_start3A_76 = tpu.memref_squeeze %dma_start3A_75 : memref<1x64x8xf32, #tpu.memory_space<hbm>> -> memref<64x8xf32, #tpu.memory_space<hbm>>
        %dma_start3A_77 = arith.constant 0 : i32
        %dma_start3A_78 = arith.constant 0 : i32
        %dma_start3A_79 = tpu.memref_slice %arg7[%run_scoped3A, %dma_start3A_77, %dma_start3A_78] : memref<2x64x8xf32, #tpu.memory_space<hbm>> -> memref<1x64x8xf32, #tpu.memory_space<hbm>>
        %dma_start3A_80 = tpu.memref_squeeze %dma_start3A_79 : memref<1x64x8xf32, #tpu.memory_space<hbm>> -> memref<64x8xf32, #tpu.memory_space<hbm>>
        tpu.enqueue_dma source(%dma_start3A_80 : memref<64x8xf32, #tpu.memory_space<hbm>>) target(%arg19 : memref<64x8xf32, #tpu.memory_space<vmem>>) target_semaphore(%run_scoped3A_72 : memref<!tpu.dma_semaphore, #tpu.memory_space<semaphore_mem>>)
        %dma_wait3A = arith.constant 0 : i32
        %dma_wait3A_81 = arith.constant 0 : i32
        %dma_wait3A_82 = tpu.memref_slice %arg7[%run_scoped3A, %dma_wait3A, %dma_wait3A_81] : memref<2x64x8xf32, #tpu.memory_space<hbm>> -> memref<1x64x8xf32, #tpu.memory_space<hbm>>
        %dma_wait3A_83 = tpu.memref_squeeze %dma_wait3A_82 : memref<1x64x8xf32, #tpu.memory_space<hbm>> -> memref<64x8xf32, #tpu.memory_space<hbm>>
        %dma_wait3A_84 = arith.constant 0 : i32
        %dma_wait3A_85 = arith.constant 0 : i32
        %dma_wait3A_86 = tpu.memref_slice %arg7[%run_scoped3A, %dma_wait3A_84, %dma_wait3A_85] : memref<2x64x8xf32, #tpu.memory_space<hbm>> -> memref<1x64x8xf32, #tpu.memory_space<hbm>>
        %dma_wait3A_87 = tpu.memref_squeeze %dma_wait3A_86 : memref<1x64x8xf32, #tpu.memory_space<hbm>> -> memref<64x8xf32, #tpu.memory_space<hbm>>
        tpu.wait_dma2 semaphore(%run_scoped3A_72 : memref<!tpu.dma_semaphore, #tpu.memory_space<semaphore_mem>>) src(%dma_wait3A_87 : memref<64x8xf32, #tpu.memory_space<hbm>>) dst(%arg19 : memref<64x8xf32, #tpu.memory_space<vmem>>)
        tpu.yield
      }) : () -> ()
      %scan3A_62 = arith.constant 0 : i32
      %scan3A_63 = arith.constant 0 : i32
      %scan3A_64 = arith.constant 9 : i32
      %scan3A_65 = arith.addi %scan3A_63, %scan3A_64 : i32
      %scan3A_66 = arith.constant 1 : i32
      %scan3A_67 = scf.for %scan3A_72 = %scan3A_63 to %scan3A_65 step %scan3A_66 iter_args(%scan3A_73 = %scan3A_62) -> (i32)  : i32 {
        %mul3A_74 = arith.constant 64 : i32
        %mul3A_75 = arith.muli %scan3A_72, %mul3A_74 : i32
        %add3A_76 = arith.addi %mul3A_2, %mul3A_75 : i32
        "tpu.region"() ({
          %run_scoped3A_78 = tpu.sem_alloc : memref<!tpu.dma_semaphore, #tpu.memory_space<semaphore_mem>>
          %dma_start3A_79 = arith.constant 0 : i32
          %dma_start3A_80 = tpu.memref_slice %arg22[%add3A_76, %dma_start3A_79] : memref<10016x8xf32, #tpu.memory_space<vmem_shared>> -> memref<64x8xf32, #tpu.memory_space<vmem_shared>>
          %dma_start3A_81 = arith.constant 0 : i32
          %dma_start3A_82 = tpu.memref_slice %arg22[%add3A_76, %dma_start3A_81] : memref<10016x8xf32, #tpu.memory_space<vmem_shared>> -> memref<64x8xf32, #tpu.memory_space<vmem_shared>>
          tpu.enqueue_dma source(%arg19 : memref<64x8xf32, #tpu.memory_space<vmem>>) target(%dma_start3A_82 : memref<64x8xf32, #tpu.memory_space<vmem_shared>>) target_semaphore(%run_scoped3A_78 : memref<!tpu.dma_semaphore, #tpu.memory_space<semaphore_mem>>)
          %dma_wait3A = arith.constant 0 : i32
          %dma_wait3A_83 = tpu.memref_slice %arg22[%add3A_76, %dma_wait3A] : memref<10016x8xf32, #tpu.memory_space<vmem_shared>> -> memref<64x8xf32, #tpu.memory_space<vmem_shared>>
          %dma_wait3A_84 = arith.constant 0 : i32
          %dma_wait3A_85 = tpu.memref_slice %arg22[%add3A_76, %dma_wait3A_84] : memref<10016x8xf32, #tpu.memory_space<vmem_shared>> -> memref<64x8xf32, #tpu.memory_space<vmem_shared>>
          tpu.wait_dma2 semaphore(%run_scoped3A_78 : memref<!tpu.dma_semaphore, #tpu.memory_space<semaphore_mem>>) src(%arg19 : memref<64x8xf32, #tpu.memory_space<vmem>>) dst(%dma_wait3A_85 : memref<64x8xf32, #tpu.memory_space<vmem_shared>>)
          tpu.yield
        }) : () -> ()
        %scan3A_77 = arith.constant 0 : i32
        scf.yield %scan3A_77 : i32
      }
      %scan3A_68 = arith.constant 9 : i32
      %add3A_69 = arith.constant 576 : i32
      %add3A_70 = arith.addi %mul3A_2, %add3A_69 : i32
      "tpu.region"() ({
        %run_scoped3A_72 = tpu.sem_alloc : memref<!tpu.dma_semaphore, #tpu.memory_space<semaphore_mem>>
        %dma_start3A_73 = arith.constant 0 : i32
        %dma_start3A_74 = arith.constant 0 : i32
        %dma_start3A_75 = tpu.memref_slice %arg19[%dma_start3A_73, %dma_start3A_74] : memref<64x8xf32, #tpu.memory_space<vmem>> -> memref<50x8xf32, #tpu.memory_space<vmem>>
        %dma_start3A_76 = arith.constant 0 : i32
        %dma_start3A_77 = tpu.memref_slice %arg22[%add3A_70, %dma_start3A_76] : memref<10016x8xf32, #tpu.memory_space<vmem_shared>> -> memref<50x8xf32, #tpu.memory_space<vmem_shared>>
        %dma_start3A_78 = arith.constant 0 : i32
        %dma_start3A_79 = tpu.memref_slice %arg22[%add3A_70, %dma_start3A_78] : memref<10016x8xf32, #tpu.memory_space<vmem_shared>> -> memref<50x8xf32, #tpu.memory_space<vmem_shared>>
        %dma_start3A_80 = arith.constant 0 : i32
        %dma_start3A_81 = arith.constant 0 : i32
        %dma_start3A_82 = tpu.memref_slice %arg19[%dma_start3A_80, %dma_start3A_81] : memref<64x8xf32, #tpu.memory_space<vmem>> -> memref<50x8xf32, #tpu.memory_space<vmem>>
        tpu.enqueue_dma source(%dma_start3A_82 : memref<50x8xf32, #tpu.memory_space<vmem>>) target(%dma_start3A_79 : memref<50x8xf32, #tpu.memory_space<vmem_shared>>) target_semaphore(%run_scoped3A_72 : memref<!tpu.dma_semaphore, #tpu.memory_space<semaphore_mem>>)
        %dma_wait3A = arith.constant 0 : i32
        %dma_wait3A_83 = arith.constant 0 : i32
        %dma_wait3A_84 = tpu.memref_slice %arg19[%dma_wait3A, %dma_wait3A_83] : memref<64x8xf32, #tpu.memory_space<vmem>> -> memref<50x8xf32, #tpu.memory_space<vmem>>
        %dma_wait3A_85 = arith.constant 0 : i32
        %dma_wait3A_86 = tpu.memref_slice %arg22[%add3A_70, %dma_wait3A_85] : memref<10016x8xf32, #tpu.memory_space<vmem_shared>> -> memref<50x8xf32, #tpu.memory_space<vmem_shared>>
        %dma_wait3A_87 = arith.constant 0 : i32
        %dma_wait3A_88 = tpu.memref_slice %arg22[%add3A_70, %dma_wait3A_87] : memref<10016x8xf32, #tpu.memory_space<vmem_shared>> -> memref<50x8xf32, #tpu.memory_space<vmem_shared>>
        %dma_wait3A_89 = arith.constant 0 : i32
        %dma_wait3A_90 = arith.constant 0 : i32
        %dma_wait3A_91 = tpu.memref_slice %arg19[%dma_wait3A_89, %dma_wait3A_90] : memref<64x8xf32, #tpu.memory_space<vmem>> -> memref<50x8xf32, #tpu.memory_space<vmem>>
        tpu.wait_dma2 semaphore(%run_scoped3A_72 : memref<!tpu.dma_semaphore, #tpu.memory_space<semaphore_mem>>) src(%dma_wait3A_91 : memref<50x8xf32, #tpu.memory_space<vmem>>) dst(%dma_wait3A_88 : memref<50x8xf32, #tpu.memory_space<vmem_shared>>)
        tpu.yield
      }) : () -> ()
      %run_scoped3A_71 = arith.constant 1 : i32
      "tpu.region"() ({
        %run_scoped3A_72 = tpu.sem_alloc : memref<!tpu.dma_semaphore, #tpu.memory_space<semaphore_mem>>
        %dma_start3A_73 = arith.constant 0 : i32
        %dma_start3A_74 = arith.constant 0 : i32
        %dma_start3A_75 = tpu.memref_slice %arg7[%run_scoped3A_71, %dma_start3A_73, %dma_start3A_74] : memref<2x64x8xf32, #tpu.memory_space<hbm>> -> memref<1x64x8xf32, #tpu.memory_space<hbm>>
        %dma_start3A_76 = tpu.memref_squeeze %dma_start3A_75 : memref<1x64x8xf32, #tpu.memory_space<hbm>> -> memref<64x8xf32, #tpu.memory_space<hbm>>
        %dma_start3A_77 = arith.constant 0 : i32
        %dma_start3A_78 = arith.constant 0 : i32
        %dma_start3A_79 = tpu.memref_slice %arg7[%run_scoped3A_71, %dma_start3A_77, %dma_start3A_78] : memref<2x64x8xf32, #tpu.memory_space<hbm>> -> memref<1x64x8xf32, #tpu.memory_space<hbm>>
        %dma_start3A_80 = tpu.memref_squeeze %dma_start3A_79 : memref<1x64x8xf32, #tpu.memory_space<hbm>> -> memref<64x8xf32, #tpu.memory_space<hbm>>
        tpu.enqueue_dma source(%dma_start3A_80 : memref<64x8xf32, #tpu.memory_space<hbm>>) target(%arg19 : memref<64x8xf32, #tpu.memory_space<vmem>>) target_semaphore(%run_scoped3A_72 : memref<!tpu.dma_semaphore, #tpu.memory_space<semaphore_mem>>)
        %dma_wait3A = arith.constant 0 : i32
        %dma_wait3A_81 = arith.constant 0 : i32
        %dma_wait3A_82 = tpu.memref_slice %arg7[%run_scoped3A_71, %dma_wait3A, %dma_wait3A_81] : memref<2x64x8xf32, #tpu.memory_space<hbm>> -> memref<1x64x8xf32, #tpu.memory_space<hbm>>
        %dma_wait3A_83 = tpu.memref_squeeze %dma_wait3A_82 : memref<1x64x8xf32, #tpu.memory_space<hbm>> -> memref<64x8xf32, #tpu.memory_space<hbm>>
        %dma_wait3A_84 = arith.constant 0 : i32
        %dma_wait3A_85 = arith.constant 0 : i32
        %dma_wait3A_86 = tpu.memref_slice %arg7[%run_scoped3A_71, %dma_wait3A_84, %dma_wait3A_85] : memref<2x64x8xf32, #tpu.memory_space<hbm>> -> memref<1x64x8xf32, #tpu.memory_space<hbm>>
        %dma_wait3A_87 = tpu.memref_squeeze %dma_wait3A_86 : memref<1x64x8xf32, #tpu.memory_space<hbm>> -> memref<64x8xf32, #tpu.memory_space<hbm>>
        tpu.wait_dma2 semaphore(%run_scoped3A_72 : memref<!tpu.dma_semaphore, #tpu.memory_space<semaphore_mem>>) src(%dma_wait3A_87 : memref<64x8xf32, #tpu.memory_space<hbm>>) dst(%arg19 : memref<64x8xf32, #tpu.memory_space<vmem>>)
        tpu.yield
      }) : () -> ()
    } else {
    }
    %barrier3A = arith.constant 0 : index
    tpu.barrier barrier_id(%barrier3A)
    %mul3A_22 = arith.constant 158 : i32
    %mul3A_23 = arith.muli %add3A, %mul3A_22 : i32
    "tpu.region"() ({
      %run_scoped3A = tpu.sem_alloc : memref<!tpu.dma_semaphore, #tpu.memory_space<semaphore_mem>>
      %dma_start3A_53 = arith.constant 0 : i32
      %dma_start3A_54 = tpu.memref_slice %arg4[%mul3A_23, %dma_start3A_53] : memref<5056x64xi32, #tpu.memory_space<hbm>> -> memref<158x64xi32, #tpu.memory_space<hbm>>
      %dma_start3A_55 = arith.constant 0 : i32
      %dma_start3A_56 = tpu.memref_slice %arg4[%mul3A_23, %dma_start3A_55] : memref<5056x64xi32, #tpu.memory_space<hbm>> -> memref<158x64xi32, #tpu.memory_space<hbm>>
      tpu.enqueue_dma source(%dma_start3A_56 : memref<158x64xi32, #tpu.memory_space<hbm>>) target(%arg12 : memref<158x64xi32, #tpu.memory_space<vmem>>) target_semaphore(%run_scoped3A : memref<!tpu.dma_semaphore, #tpu.memory_space<semaphore_mem>>)
      %dma_wait3A = arith.constant 0 : i32
      %dma_wait3A_57 = tpu.memref_slice %arg4[%mul3A_23, %dma_wait3A] : memref<5056x64xi32, #tpu.memory_space<hbm>> -> memref<158x64xi32, #tpu.memory_space<hbm>>
      %dma_wait3A_58 = arith.constant 0 : i32
      %dma_wait3A_59 = tpu.memref_slice %arg4[%mul3A_23, %dma_wait3A_58] : memref<5056x64xi32, #tpu.memory_space<hbm>> -> memref<158x64xi32, #tpu.memory_space<hbm>>
      tpu.wait_dma2 semaphore(%run_scoped3A : memref<!tpu.dma_semaphore, #tpu.memory_space<semaphore_mem>>) src(%dma_wait3A_59 : memref<158x64xi32, #tpu.memory_space<hbm>>) dst(%arg12 : memref<158x64xi32, #tpu.memory_space<vmem>>)
      tpu.yield
    }) : () -> ()
    "tpu.region"() ({
      %run_scoped3A = tpu.sem_alloc : memref<!tpu.dma_semaphore, #tpu.memory_space<semaphore_mem>>
      %dma_start3A_53 = arith.constant 0 : i32
      %dma_start3A_54 = tpu.memref_slice %arg5[%mul3A_23, %dma_start3A_53] : memref<5056x64xi32, #tpu.memory_space<hbm>> -> memref<158x64xi32, #tpu.memory_space<hbm>>
      %dma_start3A_55 = arith.constant 0 : i32
      %dma_start3A_56 = tpu.memref_slice %arg5[%mul3A_23, %dma_start3A_55] : memref<5056x64xi32, #tpu.memory_space<hbm>> -> memref<158x64xi32, #tpu.memory_space<hbm>>
      tpu.enqueue_dma source(%dma_start3A_56 : memref<158x64xi32, #tpu.memory_space<hbm>>) target(%arg13 : memref<158x64xi32, #tpu.memory_space<vmem>>) target_semaphore(%run_scoped3A : memref<!tpu.dma_semaphore, #tpu.memory_space<semaphore_mem>>)
      %dma_wait3A = arith.constant 0 : i32
      %dma_wait3A_57 = tpu.memref_slice %arg5[%mul3A_23, %dma_wait3A] : memref<5056x64xi32, #tpu.memory_space<hbm>> -> memref<158x64xi32, #tpu.memory_space<hbm>>
      %dma_wait3A_58 = arith.constant 0 : i32
      %dma_wait3A_59 = tpu.memref_slice %arg5[%mul3A_23, %dma_wait3A_58] : memref<5056x64xi32, #tpu.memory_space<hbm>> -> memref<158x64xi32, #tpu.memory_space<hbm>>
      tpu.wait_dma2 semaphore(%run_scoped3A : memref<!tpu.dma_semaphore, #tpu.memory_space<semaphore_mem>>) src(%dma_wait3A_59 : memref<158x64xi32, #tpu.memory_space<hbm>>) dst(%arg13 : memref<158x64xi32, #tpu.memory_space<vmem>>)
      tpu.yield
    }) : () -> ()
    %dma_start3A = arith.constant 0 : i32
    %dma_start3A_24 = arith.constant 0 : i32
    %dma_start3A_25 = tpu.memref_slice %arg12[%dma_start3A, %dma_start3A_24] : memref<158x64xi32, #tpu.memory_space<vmem>> -> memref<1x64xi32, #tpu.memory_space<vmem>>
    %dma_start3A_26 = tpu.memref_squeeze %dma_start3A_25 : memref<1x64xi32, #tpu.memory_space<vmem>> -> memref<64xi32, #tpu.memory_space<vmem>>
    %dma_start3A_27 = arith.constant 0 : i32
    %dma_start3A_28 = arith.constant 0 : i32
    %dma_start3A_29 = tpu.memref_slice %arg2[%dma_start3A_27, %dma_start3A_28] : memref<10000x64xf32, #tpu.memory_space<hbm>> -> memref<10000x64xf32, #tpu.memory_space<hbm>>
    tpu.enqueue_indirect_dma source(%dma_start3A_29 : memref<10000x64xf32, #tpu.memory_space<hbm>>) target(%arg15 : memref<64x64xf32, #tpu.memory_space<vmem>>) offsets(%dma_start3A_26 : memref<64xi32, #tpu.memory_space<vmem>>) semaphore(%arg23 : memref<!tpu.dma_semaphore, #tpu.memory_space<semaphore_mem>>)
    %convert_element_type3A_30 = arith.extui %gt3A_5 : i1 to i32
    %cond3A_31 = arith.constant 0 : i32
    %cond3A_32 = arith.cmpi ne, %convert_element_type3A_30, %cond3A_31 : i32
    scf.if %cond3A_32 {
      %dma_start3A_53 = arith.constant 0 : i32
      %dma_start3A_54 = arith.constant 0 : i32
      %dma_start3A_55 = tpu.memref_slice %arg12[%dma_start3A_53, %dma_start3A_54] : memref<158x64xi32, #tpu.memory_space<vmem>> -> memref<1x64xi32, #tpu.memory_space<vmem>>
      %dma_start3A_56 = tpu.memref_squeeze %dma_start3A_55 : memref<1x64xi32, #tpu.memory_space<vmem>> -> memref<64xi32, #tpu.memory_space<vmem>>
      %dma_start3A_57 = arith.constant 0 : i32
      %dma_start3A_58 = arith.constant 0 : i32
      %dma_start3A_59 = tpu.memref_slice %arg3[%dma_start3A_57, %dma_start3A_58] : memref<10000x64xf32, #tpu.memory_space<hbm>> -> memref<10000x64xf32, #tpu.memory_space<hbm>>
      tpu.enqueue_indirect_dma source(%dma_start3A_59 : memref<10000x64xf32, #tpu.memory_space<hbm>>) target(%arg17 : memref<64x64xf32, #tpu.memory_space<vmem>>) offsets(%dma_start3A_56 : memref<64xi32, #tpu.memory_space<vmem>>) semaphore(%arg25 : memref<!tpu.dma_semaphore, #tpu.memory_space<semaphore_mem>>)
    } else {
    }
    %scan3A_33 = arith.constant 0 : i32
    %scan3A_34 = arith.constant 0 : i32
    %scan3A_35 = arith.constant 79 : i32
    %scan3A_36 = arith.addi %scan3A_34, %scan3A_35 : i32
    %scan3A_37 = arith.constant 1 : i32
    %scan3A_38 = scf.for %scan3A_53 = %scan3A_34 to %scan3A_36 step %scan3A_37 iter_args(%scan3A_54 = %scan3A_33) -> (i32)  : i32 {
      %mul3A_55 = arith.constant 2 : i32
      %mul3A_56 = arith.muli %mul3A_55, %scan3A_53 : i32
      %add3A_57 = arith.constant 1 : i32
      %add3A_58 = arith.addi %mul3A_56, %add3A_57 : i32
      %dma_start3A_59 = arith.constant 0 : i32
      %dma_start3A_60 = tpu.memref_slice %arg12[%add3A_58, %dma_start3A_59] : memref<158x64xi32, #tpu.memory_space<vmem>> -> memref<1x64xi32, #tpu.memory_space<vmem>>
      %dma_start3A_61 = tpu.memref_squeeze %dma_start3A_60 : memref<1x64xi32, #tpu.memory_space<vmem>> -> memref<64xi32, #tpu.memory_space<vmem>>
      %dma_start3A_62 = arith.constant 0 : i32
      %dma_start3A_63 = arith.constant 0 : i32
      %dma_start3A_64 = tpu.memref_slice %arg2[%dma_start3A_62, %dma_start3A_63] : memref<10000x64xf32, #tpu.memory_space<hbm>> -> memref<10000x64xf32, #tpu.memory_space<hbm>>
      tpu.enqueue_indirect_dma source(%dma_start3A_64 : memref<10000x64xf32, #tpu.memory_space<hbm>>) target(%arg16 : memref<64x64xf32, #tpu.memory_space<vmem>>) offsets(%dma_start3A_61 : memref<64xi32, #tpu.memory_space<vmem>>) semaphore(%arg24 : memref<!tpu.dma_semaphore, #tpu.memory_space<semaphore_mem>>)
      %add3A_65 = arith.constant 1 : i32
      %add3A_66 = arith.addi %mul3A_56, %add3A_65 : i32
      %convert_element_type3A_67 = arith.extui %gt3A_5 : i1 to i32
      %cond3A_68 = arith.constant 0 : i32
      %cond3A_69 = arith.cmpi ne, %convert_element_type3A_67, %cond3A_68 : i32
      scf.if %cond3A_69 {
        %dma_start3A_96 = arith.constant 0 : i32
        %dma_start3A_97 = tpu.memref_slice %arg12[%add3A_66, %dma_start3A_96] : memref<158x64xi32, #tpu.memory_space<vmem>> -> memref<1x64xi32, #tpu.memory_space<vmem>>
        %dma_start3A_98 = tpu.memref_squeeze %dma_start3A_97 : memref<1x64xi32, #tpu.memory_space<vmem>> -> memref<64xi32, #tpu.memory_space<vmem>>
        %dma_start3A_99 = arith.constant 0 : i32
        %dma_start3A_100 = arith.constant 0 : i32
        %dma_start3A_101 = tpu.memref_slice %arg3[%dma_start3A_99, %dma_start3A_100] : memref<10000x64xf32, #tpu.memory_space<hbm>> -> memref<10000x64xf32, #tpu.memory_space<hbm>>
        tpu.enqueue_indirect_dma source(%dma_start3A_101 : memref<10000x64xf32, #tpu.memory_space<hbm>>) target(%arg18 : memref<64x64xf32, #tpu.memory_space<vmem>>) offsets(%dma_start3A_98 : memref<64xi32, #tpu.memory_space<vmem>>) semaphore(%arg26 : memref<!tpu.dma_semaphore, #tpu.memory_space<semaphore_mem>>)
      } else {
      }
      %dma_wait3A = arith.constant 0 : i32
      %dma_wait3A_70 = tpu.memref_slice %arg12[%mul3A_56, %dma_wait3A] : memref<158x64xi32, #tpu.memory_space<vmem>> -> memref<1x64xi32, #tpu.memory_space<vmem>>
      %dma_wait3A_71 = tpu.memref_squeeze %dma_wait3A_70 : memref<1x64xi32, #tpu.memory_space<vmem>> -> memref<64xi32, #tpu.memory_space<vmem>>
      %dma_wait3A_72 = arith.constant 0 : i32
      %dma_wait3A_73 = arith.constant 0 : i32
      %dma_wait3A_74 = tpu.memref_slice %arg2[%dma_wait3A_72, %dma_wait3A_73] : memref<10000x64xf32, #tpu.memory_space<hbm>> -> memref<10000x64xf32, #tpu.memory_space<hbm>>
      tpu.wait_indirect_dma semaphore(%arg23 : memref<!tpu.dma_semaphore, #tpu.memory_space<semaphore_mem>>) src(%dma_wait3A_74 : memref<10000x64xf32, #tpu.memory_space<hbm>>) dst(%arg15 : memref<64x64xf32, #tpu.memory_space<vmem>>)
      "tpu.region"() ({
        %run_scoped3A = tpu.sem_alloc : memref<!tpu.dma_semaphore, #tpu.memory_space<semaphore_mem>>
        %dma_start3A_96 = arith.constant 0 : i32
        %dma_start3A_97 = tpu.memref_slice %arg13[%mul3A_56, %dma_start3A_96] : memref<158x64xi32, #tpu.memory_space<vmem>> -> memref<1x64xi32, #tpu.memory_space<vmem>>
        %dma_start3A_98 = tpu.memref_squeeze %dma_start3A_97 : memref<1x64xi32, #tpu.memory_space<vmem>> -> memref<64xi32, #tpu.memory_space<vmem>>
        %dma_start3A_99 = arith.constant 0 : i32
        %dma_start3A_100 = arith.constant 0 : i32
        %dma_start3A_101 = tpu.memref_slice %arg20[%dma_start3A_99, %dma_start3A_100] : memref<10016x64xf32, #tpu.memory_space<vmem_shared>> -> memref<10016x64xf32, #tpu.memory_space<vmem_shared>>
        tpu.enqueue_indirect_dma source(%arg15 : memref<64x64xf32, #tpu.memory_space<vmem>>) target(%dma_start3A_101 : memref<10016x64xf32, #tpu.memory_space<vmem_shared>>) offsets(%dma_start3A_98 : memref<64xi32, #tpu.memory_space<vmem>>) semaphore(%run_scoped3A : memref<!tpu.dma_semaphore, #tpu.memory_space<semaphore_mem>>) {add = true}
        %dma_wait3A_102 = arith.constant 0 : i32
        %dma_wait3A_103 = tpu.memref_slice %arg13[%mul3A_56, %dma_wait3A_102] : memref<158x64xi32, #tpu.memory_space<vmem>> -> memref<1x64xi32, #tpu.memory_space<vmem>>
        %dma_wait3A_104 = tpu.memref_squeeze %dma_wait3A_103 : memref<1x64xi32, #tpu.memory_space<vmem>> -> memref<64xi32, #tpu.memory_space<vmem>>
        %dma_wait3A_105 = arith.constant 0 : i32
        %dma_wait3A_106 = arith.constant 0 : i32
        %dma_wait3A_107 = tpu.memref_slice %arg20[%dma_wait3A_105, %dma_wait3A_106] : memref<10016x64xf32, #tpu.memory_space<vmem_shared>> -> memref<10016x64xf32, #tpu.memory_space<vmem_shared>>
        tpu.wait_indirect_dma semaphore(%run_scoped3A : memref<!tpu.dma_semaphore, #tpu.memory_space<semaphore_mem>>) src(%arg15 : memref<64x64xf32, #tpu.memory_space<vmem>>) dst(%dma_wait3A_107 : memref<10016x64xf32, #tpu.memory_space<vmem_shared>>)
        tpu.yield
      }) : () -> ()
      %convert_element_type3A_75 = arith.extui %gt3A_5 : i1 to i32
      %cond3A_76 = arith.constant 0 : i32
      %cond3A_77 = arith.cmpi ne, %convert_element_type3A_75, %cond3A_76 : i32
      scf.if %cond3A_77 {
        %dma_wait3A_96 = arith.constant 0 : i32
        %dma_wait3A_97 = tpu.memref_slice %arg12[%mul3A_56, %dma_wait3A_96] : memref<158x64xi32, #tpu.memory_space<vmem>> -> memref<1x64xi32, #tpu.memory_space<vmem>>
        %dma_wait3A_98 = tpu.memref_squeeze %dma_wait3A_97 : memref<1x64xi32, #tpu.memory_space<vmem>> -> memref<64xi32, #tpu.memory_space<vmem>>
        %dma_wait3A_99 = arith.constant 0 : i32
        %dma_wait3A_100 = arith.constant 0 : i32
        %dma_wait3A_101 = tpu.memref_slice %arg3[%dma_wait3A_99, %dma_wait3A_100] : memref<10000x64xf32, #tpu.memory_space<hbm>> -> memref<10000x64xf32, #tpu.memory_space<hbm>>
        tpu.wait_indirect_dma semaphore(%arg25 : memref<!tpu.dma_semaphore, #tpu.memory_space<semaphore_mem>>) src(%dma_wait3A_101 : memref<10000x64xf32, #tpu.memory_space<hbm>>) dst(%arg17 : memref<64x64xf32, #tpu.memory_space<vmem>>)
        "tpu.region"() ({
          %run_scoped3A = tpu.sem_alloc : memref<!tpu.dma_semaphore, #tpu.memory_space<semaphore_mem>>
          %dma_start3A_102 = arith.constant 0 : i32
          %dma_start3A_103 = tpu.memref_slice %arg13[%mul3A_56, %dma_start3A_102] : memref<158x64xi32, #tpu.memory_space<vmem>> -> memref<1x64xi32, #tpu.memory_space<vmem>>
          %dma_start3A_104 = tpu.memref_squeeze %dma_start3A_103 : memref<1x64xi32, #tpu.memory_space<vmem>> -> memref<64xi32, #tpu.memory_space<vmem>>
          %dma_start3A_105 = arith.constant 0 : i32
          %dma_start3A_106 = arith.constant 0 : i32
          %dma_start3A_107 = tpu.memref_slice %arg21[%dma_start3A_105, %dma_start3A_106] : memref<10016x64xf32, #tpu.memory_space<vmem_shared>> -> memref<10016x64xf32, #tpu.memory_space<vmem_shared>>
          tpu.enqueue_indirect_dma source(%arg17 : memref<64x64xf32, #tpu.memory_space<vmem>>) target(%dma_start3A_107 : memref<10016x64xf32, #tpu.memory_space<vmem_shared>>) offsets(%dma_start3A_104 : memref<64xi32, #tpu.memory_space<vmem>>) semaphore(%run_scoped3A : memref<!tpu.dma_semaphore, #tpu.memory_space<semaphore_mem>>) {add = true}
          %dma_wait3A_108 = arith.constant 0 : i32
          %dma_wait3A_109 = tpu.memref_slice %arg13[%mul3A_56, %dma_wait3A_108] : memref<158x64xi32, #tpu.memory_space<vmem>> -> memref<1x64xi32, #tpu.memory_space<vmem>>
          %dma_wait3A_110 = tpu.memref_squeeze %dma_wait3A_109 : memref<1x64xi32, #tpu.memory_space<vmem>> -> memref<64xi32, #tpu.memory_space<vmem>>
          %dma_wait3A_111 = arith.constant 0 : i32
          %dma_wait3A_112 = arith.constant 0 : i32
          %dma_wait3A_113 = tpu.memref_slice %arg21[%dma_wait3A_111, %dma_wait3A_112] : memref<10016x64xf32, #tpu.memory_space<vmem_shared>> -> memref<10016x64xf32, #tpu.memory_space<vmem_shared>>
          tpu.wait_indirect_dma semaphore(%run_scoped3A : memref<!tpu.dma_semaphore, #tpu.memory_space<semaphore_mem>>) src(%arg17 : memref<64x64xf32, #tpu.memory_space<vmem>>) dst(%dma_wait3A_113 : memref<10016x64xf32, #tpu.memory_space<vmem_shared>>)
          tpu.yield
        }) : () -> ()
        "tpu.region"() ({
          %run_scoped3A = tpu.sem_alloc : memref<!tpu.dma_semaphore, #tpu.memory_space<semaphore_mem>>
          %dma_start3A_102 = arith.constant 0 : i32
          %dma_start3A_103 = tpu.memref_slice %arg13[%mul3A_56, %dma_start3A_102] : memref<158x64xi32, #tpu.memory_space<vmem>> -> memref<1x64xi32, #tpu.memory_space<vmem>>
          %dma_start3A_104 = tpu.memref_squeeze %dma_start3A_103 : memref<1x64xi32, #tpu.memory_space<vmem>> -> memref<64xi32, #tpu.memory_space<vmem>>
          %dma_start3A_105 = arith.constant 0 : i32
          %dma_start3A_106 = arith.constant 0 : i32
          %dma_start3A_107 = tpu.memref_slice %arg22[%dma_start3A_105, %dma_start3A_106] : memref<10016x8xf32, #tpu.memory_space<vmem_shared>> -> memref<10016x8xf32, #tpu.memory_space<vmem_shared>>
          tpu.enqueue_indirect_dma source(%arg19 : memref<64x8xf32, #tpu.memory_space<vmem>>) target(%dma_start3A_107 : memref<10016x8xf32, #tpu.memory_space<vmem_shared>>) offsets(%dma_start3A_104 : memref<64xi32, #tpu.memory_space<vmem>>) semaphore(%run_scoped3A : memref<!tpu.dma_semaphore, #tpu.memory_space<semaphore_mem>>) {add = true}
          %dma_wait3A_108 = arith.constant 0 : i32
          %dma_wait3A_109 = tpu.memref_slice %arg13[%mul3A_56, %dma_wait3A_108] : memref<158x64xi32, #tpu.memory_space<vmem>> -> memref<1x64xi32, #tpu.memory_space<vmem>>
          %dma_wait3A_110 = tpu.memref_squeeze %dma_wait3A_109 : memref<1x64xi32, #tpu.memory_space<vmem>> -> memref<64xi32, #tpu.memory_space<vmem>>
          %dma_wait3A_111 = arith.constant 0 : i32
          %dma_wait3A_112 = arith.constant 0 : i32
          %dma_wait3A_113 = tpu.memref_slice %arg22[%dma_wait3A_111, %dma_wait3A_112] : memref<10016x8xf32, #tpu.memory_space<vmem_shared>> -> memref<10016x8xf32, #tpu.memory_space<vmem_shared>>
          tpu.wait_indirect_dma semaphore(%run_scoped3A : memref<!tpu.dma_semaphore, #tpu.memory_space<semaphore_mem>>) src(%arg19 : memref<64x8xf32, #tpu.memory_space<vmem>>) dst(%dma_wait3A_113 : memref<10016x8xf32, #tpu.memory_space<vmem_shared>>)
          tpu.yield
        }) : () -> ()
      } else {
      }
      %add3A_78 = arith.constant 1 : i32
      %add3A_79 = arith.addi %scan3A_53, %add3A_78 : i32
      %lt3A = arith.constant 79 : i32
      %lt3A_80 = arith.cmpi slt, %add3A_79, %lt3A : i32
      %convert_element_type3A_81 = arith.extui %lt3A_80 : i1 to i32
      %cond3A_82 = arith.constant 0 : i32
      %cond3A_83 = arith.cmpi ne, %convert_element_type3A_81, %cond3A_82 : i32
      scf.if %cond3A_83 {
        %add3A_96 = arith.constant 2 : i32
        %add3A_97 = arith.addi %mul3A_56, %add3A_96 : i32
        %dma_start3A_98 = arith.constant 0 : i32
        %dma_start3A_99 = tpu.memref_slice %arg12[%add3A_97, %dma_start3A_98] : memref<158x64xi32, #tpu.memory_space<vmem>> -> memref<1x64xi32, #tpu.memory_space<vmem>>
        %dma_start3A_100 = tpu.memref_squeeze %dma_start3A_99 : memref<1x64xi32, #tpu.memory_space<vmem>> -> memref<64xi32, #tpu.memory_space<vmem>>
        %dma_start3A_101 = arith.constant 0 : i32
        %dma_start3A_102 = arith.constant 0 : i32
        %dma_start3A_103 = tpu.memref_slice %arg2[%dma_start3A_101, %dma_start3A_102] : memref<10000x64xf32, #tpu.memory_space<hbm>> -> memref<10000x64xf32, #tpu.memory_space<hbm>>
        tpu.enqueue_indirect_dma source(%dma_start3A_103 : memref<10000x64xf32, #tpu.memory_space<hbm>>) target(%arg15 : memref<64x64xf32, #tpu.memory_space<vmem>>) offsets(%dma_start3A_100 : memref<64xi32, #tpu.memory_space<vmem>>) semaphore(%arg23 : memref<!tpu.dma_semaphore, #tpu.memory_space<semaphore_mem>>)
        %add3A_104 = arith.constant 2 : i32
        %add3A_105 = arith.addi %mul3A_56, %add3A_104 : i32
        %convert_element_type3A_106 = arith.extui %gt3A_5 : i1 to i32
        %cond3A_107 = arith.constant 0 : i32
        %cond3A_108 = arith.cmpi ne, %convert_element_type3A_106, %cond3A_107 : i32
        scf.if %cond3A_108 {
          %dma_start3A_109 = arith.constant 0 : i32
          %dma_start3A_110 = tpu.memref_slice %arg12[%add3A_105, %dma_start3A_109] : memref<158x64xi32, #tpu.memory_space<vmem>> -> memref<1x64xi32, #tpu.memory_space<vmem>>
          %dma_start3A_111 = tpu.memref_squeeze %dma_start3A_110 : memref<1x64xi32, #tpu.memory_space<vmem>> -> memref<64xi32, #tpu.memory_space<vmem>>
          %dma_start3A_112 = arith.constant 0 : i32
          %dma_start3A_113 = arith.constant 0 : i32
          %dma_start3A_114 = tpu.memref_slice %arg3[%dma_start3A_112, %dma_start3A_113] : memref<10000x64xf32, #tpu.memory_space<hbm>> -> memref<10000x64xf32, #tpu.memory_space<hbm>>
          tpu.enqueue_indirect_dma source(%dma_start3A_114 : memref<10000x64xf32, #tpu.memory_space<hbm>>) target(%arg17 : memref<64x64xf32, #tpu.memory_space<vmem>>) offsets(%dma_start3A_111 : memref<64xi32, #tpu.memory_space<vmem>>) semaphore(%arg25 : memref<!tpu.dma_semaphore, #tpu.memory_space<semaphore_mem>>)
        } else {
        }
      } else {
      }
      %add3A_84 = arith.constant 1 : i32
      %add3A_85 = arith.addi %mul3A_56, %add3A_84 : i32
      %dma_wait3A_86 = arith.constant 0 : i32
      %dma_wait3A_87 = tpu.memref_slice %arg12[%add3A_85, %dma_wait3A_86] : memref<158x64xi32, #tpu.memory_space<vmem>> -> memref<1x64xi32, #tpu.memory_space<vmem>>
      %dma_wait3A_88 = tpu.memref_squeeze %dma_wait3A_87 : memref<1x64xi32, #tpu.memory_space<vmem>> -> memref<64xi32, #tpu.memory_space<vmem>>
      %dma_wait3A_89 = arith.constant 0 : i32
      %dma_wait3A_90 = arith.constant 0 : i32
      %dma_wait3A_91 = tpu.memref_slice %arg2[%dma_wait3A_89, %dma_wait3A_90] : memref<10000x64xf32, #tpu.memory_space<hbm>> -> memref<10000x64xf32, #tpu.memory_space<hbm>>
      tpu.wait_indirect_dma semaphore(%arg24 : memref<!tpu.dma_semaphore, #tpu.memory_space<semaphore_mem>>) src(%dma_wait3A_91 : memref<10000x64xf32, #tpu.memory_space<hbm>>) dst(%arg16 : memref<64x64xf32, #tpu.memory_space<vmem>>)
      "tpu.region"() ({
        %run_scoped3A = tpu.sem_alloc : memref<!tpu.dma_semaphore, #tpu.memory_space<semaphore_mem>>
        %dma_start3A_96 = arith.constant 0 : i32
        %dma_start3A_97 = tpu.memref_slice %arg13[%add3A_85, %dma_start3A_96] : memref<158x64xi32, #tpu.memory_space<vmem>> -> memref<1x64xi32, #tpu.memory_space<vmem>>
        %dma_start3A_98 = tpu.memref_squeeze %dma_start3A_97 : memref<1x64xi32, #tpu.memory_space<vmem>> -> memref<64xi32, #tpu.memory_space<vmem>>
        %dma_start3A_99 = arith.constant 0 : i32
        %dma_start3A_100 = arith.constant 0 : i32
        %dma_start3A_101 = tpu.memref_slice %arg20[%dma_start3A_99, %dma_start3A_100] : memref<10016x64xf32, #tpu.memory_space<vmem_shared>> -> memref<10016x64xf32, #tpu.memory_space<vmem_shared>>
        tpu.enqueue_indirect_dma source(%arg16 : memref<64x64xf32, #tpu.memory_space<vmem>>) target(%dma_start3A_101 : memref<10016x64xf32, #tpu.memory_space<vmem_shared>>) offsets(%dma_start3A_98 : memref<64xi32, #tpu.memory_space<vmem>>) semaphore(%run_scoped3A : memref<!tpu.dma_semaphore, #tpu.memory_space<semaphore_mem>>) {add = true}
        %dma_wait3A_102 = arith.constant 0 : i32
        %dma_wait3A_103 = tpu.memref_slice %arg13[%add3A_85, %dma_wait3A_102] : memref<158x64xi32, #tpu.memory_space<vmem>> -> memref<1x64xi32, #tpu.memory_space<vmem>>
        %dma_wait3A_104 = tpu.memref_squeeze %dma_wait3A_103 : memref<1x64xi32, #tpu.memory_space<vmem>> -> memref<64xi32, #tpu.memory_space<vmem>>
        %dma_wait3A_105 = arith.constant 0 : i32
        %dma_wait3A_106 = arith.constant 0 : i32
        %dma_wait3A_107 = tpu.memref_slice %arg20[%dma_wait3A_105, %dma_wait3A_106] : memref<10016x64xf32, #tpu.memory_space<vmem_shared>> -> memref<10016x64xf32, #tpu.memory_space<vmem_shared>>
        tpu.wait_indirect_dma semaphore(%run_scoped3A : memref<!tpu.dma_semaphore, #tpu.memory_space<semaphore_mem>>) src(%arg16 : memref<64x64xf32, #tpu.memory_space<vmem>>) dst(%dma_wait3A_107 : memref<10016x64xf32, #tpu.memory_space<vmem_shared>>)
        tpu.yield
      }) : () -> ()
      %convert_element_type3A_92 = arith.extui %gt3A_5 : i1 to i32
      %cond3A_93 = arith.constant 0 : i32
      %cond3A_94 = arith.cmpi ne, %convert_element_type3A_92, %cond3A_93 : i32
      scf.if %cond3A_94 {
        %dma_wait3A_96 = arith.constant 0 : i32
        %dma_wait3A_97 = tpu.memref_slice %arg12[%add3A_85, %dma_wait3A_96] : memref<158x64xi32, #tpu.memory_space<vmem>> -> memref<1x64xi32, #tpu.memory_space<vmem>>
        %dma_wait3A_98 = tpu.memref_squeeze %dma_wait3A_97 : memref<1x64xi32, #tpu.memory_space<vmem>> -> memref<64xi32, #tpu.memory_space<vmem>>
        %dma_wait3A_99 = arith.constant 0 : i32
        %dma_wait3A_100 = arith.constant 0 : i32
        %dma_wait3A_101 = tpu.memref_slice %arg3[%dma_wait3A_99, %dma_wait3A_100] : memref<10000x64xf32, #tpu.memory_space<hbm>> -> memref<10000x64xf32, #tpu.memory_space<hbm>>
        tpu.wait_indirect_dma semaphore(%arg26 : memref<!tpu.dma_semaphore, #tpu.memory_space<semaphore_mem>>) src(%dma_wait3A_101 : memref<10000x64xf32, #tpu.memory_space<hbm>>) dst(%arg18 : memref<64x64xf32, #tpu.memory_space<vmem>>)
        "tpu.region"() ({
          %run_scoped3A = tpu.sem_alloc : memref<!tpu.dma_semaphore, #tpu.memory_space<semaphore_mem>>
          %dma_start3A_102 = arith.constant 0 : i32
          %dma_start3A_103 = tpu.memref_slice %arg13[%add3A_85, %dma_start3A_102] : memref<158x64xi32, #tpu.memory_space<vmem>> -> memref<1x64xi32, #tpu.memory_space<vmem>>
          %dma_start3A_104 = tpu.memref_squeeze %dma_start3A_103 : memref<1x64xi32, #tpu.memory_space<vmem>> -> memref<64xi32, #tpu.memory_space<vmem>>
          %dma_start3A_105 = arith.constant 0 : i32
          %dma_start3A_106 = arith.constant 0 : i32
          %dma_start3A_107 = tpu.memref_slice %arg21[%dma_start3A_105, %dma_start3A_106] : memref<10016x64xf32, #tpu.memory_space<vmem_shared>> -> memref<10016x64xf32, #tpu.memory_space<vmem_shared>>
          tpu.enqueue_indirect_dma source(%arg18 : memref<64x64xf32, #tpu.memory_space<vmem>>) target(%dma_start3A_107 : memref<10016x64xf32, #tpu.memory_space<vmem_shared>>) offsets(%dma_start3A_104 : memref<64xi32, #tpu.memory_space<vmem>>) semaphore(%run_scoped3A : memref<!tpu.dma_semaphore, #tpu.memory_space<semaphore_mem>>) {add = true}
          %dma_wait3A_108 = arith.constant 0 : i32
          %dma_wait3A_109 = tpu.memref_slice %arg13[%add3A_85, %dma_wait3A_108] : memref<158x64xi32, #tpu.memory_space<vmem>> -> memref<1x64xi32, #tpu.memory_space<vmem>>
          %dma_wait3A_110 = tpu.memref_squeeze %dma_wait3A_109 : memref<1x64xi32, #tpu.memory_space<vmem>> -> memref<64xi32, #tpu.memory_space<vmem>>
          %dma_wait3A_111 = arith.constant 0 : i32
          %dma_wait3A_112 = arith.constant 0 : i32
          %dma_wait3A_113 = tpu.memref_slice %arg21[%dma_wait3A_111, %dma_wait3A_112] : memref<10016x64xf32, #tpu.memory_space<vmem_shared>> -> memref<10016x64xf32, #tpu.memory_space<vmem_shared>>
          tpu.wait_indirect_dma semaphore(%run_scoped3A : memref<!tpu.dma_semaphore, #tpu.memory_space<semaphore_mem>>) src(%arg18 : memref<64x64xf32, #tpu.memory_space<vmem>>) dst(%dma_wait3A_113 : memref<10016x64xf32, #tpu.memory_space<vmem_shared>>)
          tpu.yield
        }) : () -> ()
        "tpu.region"() ({
          %run_scoped3A = tpu.sem_alloc : memref<!tpu.dma_semaphore, #tpu.memory_space<semaphore_mem>>
          %dma_start3A_102 = arith.constant 0 : i32
          %dma_start3A_103 = tpu.memref_slice %arg13[%add3A_85, %dma_start3A_102] : memref<158x64xi32, #tpu.memory_space<vmem>> -> memref<1x64xi32, #tpu.memory_space<vmem>>
          %dma_start3A_104 = tpu.memref_squeeze %dma_start3A_103 : memref<1x64xi32, #tpu.memory_space<vmem>> -> memref<64xi32, #tpu.memory_space<vmem>>
          %dma_start3A_105 = arith.constant 0 : i32
          %dma_start3A_106 = arith.constant 0 : i32
          %dma_start3A_107 = tpu.memref_slice %arg22[%dma_start3A_105, %dma_start3A_106] : memref<10016x8xf32, #tpu.memory_space<vmem_shared>> -> memref<10016x8xf32, #tpu.memory_space<vmem_shared>>
          tpu.enqueue_indirect_dma source(%arg19 : memref<64x8xf32, #tpu.memory_space<vmem>>) target(%dma_start3A_107 : memref<10016x8xf32, #tpu.memory_space<vmem_shared>>) offsets(%dma_start3A_104 : memref<64xi32, #tpu.memory_space<vmem>>) semaphore(%run_scoped3A : memref<!tpu.dma_semaphore, #tpu.memory_space<semaphore_mem>>) {add = true}
          %dma_wait3A_108 = arith.constant 0 : i32
          %dma_wait3A_109 = tpu.memref_slice %arg13[%add3A_85, %dma_wait3A_108] : memref<158x64xi32, #tpu.memory_space<vmem>> -> memref<1x64xi32, #tpu.memory_space<vmem>>
          %dma_wait3A_110 = tpu.memref_squeeze %dma_wait3A_109 : memref<1x64xi32, #tpu.memory_space<vmem>> -> memref<64xi32, #tpu.memory_space<vmem>>
          %dma_wait3A_111 = arith.constant 0 : i32
          %dma_wait3A_112 = arith.constant 0 : i32
          %dma_wait3A_113 = tpu.memref_slice %arg22[%dma_wait3A_111, %dma_wait3A_112] : memref<10016x8xf32, #tpu.memory_space<vmem_shared>> -> memref<10016x8xf32, #tpu.memory_space<vmem_shared>>
          tpu.wait_indirect_dma semaphore(%run_scoped3A : memref<!tpu.dma_semaphore, #tpu.memory_space<semaphore_mem>>) src(%arg19 : memref<64x8xf32, #tpu.memory_space<vmem>>) dst(%dma_wait3A_113 : memref<10016x8xf32, #tpu.memory_space<vmem_shared>>)
          tpu.yield
        }) : () -> ()
      } else {
      }
      %scan3A_95 = arith.constant 0 : i32
      scf.yield %scan3A_95 : i32
    }
    %scan3A_39 = arith.constant 79 : i32
    %barrier3A_40 = arith.constant 0 : index
    tpu.barrier barrier_id(%barrier3A_40)
    %scan3A_41 = arith.constant 0 : i32
    %scan3A_42 = arith.constant 0 : i32
    %scan3A_43 = arith.constant 9 : i32
    %scan3A_44 = arith.addi %scan3A_42, %scan3A_43 : i32
    %scan3A_45 = arith.constant 1 : i32
    %scan3A_46 = scf.for %scan3A_53 = %scan3A_42 to %scan3A_44 step %scan3A_45 iter_args(%scan3A_54 = %scan3A_41) -> (i32)  : i32 {
      %mul3A_55 = arith.constant 64 : i32
      %mul3A_56 = arith.muli %scan3A_53, %mul3A_55 : i32
      %add3A_57 = arith.addi %mul3A_2, %mul3A_56 : i32
      "tpu.region"() ({
        %run_scoped3A = tpu.sem_alloc : memref<!tpu.dma_semaphore, #tpu.memory_space<semaphore_mem>>
        %dma_start3A_59 = arith.constant 0 : i32
        %dma_start3A_60 = tpu.memref_slice %arg8[%arg0, %add3A_57, %dma_start3A_59] : memref<2x10016x64xf32, #tpu.memory_space<hbm>> -> memref<1x64x64xf32, #tpu.memory_space<hbm>>
        %dma_start3A_61 = tpu.memref_squeeze %dma_start3A_60 : memref<1x64x64xf32, #tpu.memory_space<hbm>> -> memref<64x64xf32, #tpu.memory_space<hbm>>
        %dma_start3A_62 = arith.constant 0 : i32
        %dma_start3A_63 = tpu.memref_slice %arg20[%add3A_57, %dma_start3A_62] : memref<10016x64xf32, #tpu.memory_space<vmem_shared>> -> memref<64x64xf32, #tpu.memory_space<vmem_shared>>
        tpu.enqueue_dma source(%dma_start3A_63 : memref<64x64xf32, #tpu.memory_space<vmem_shared>>) target(%dma_start3A_61 : memref<64x64xf32, #tpu.memory_space<hbm>>) target_semaphore(%run_scoped3A : memref<!tpu.dma_semaphore, #tpu.memory_space<semaphore_mem>>)
        %dma_wait3A = arith.constant 0 : i32
        %dma_wait3A_64 = tpu.memref_slice %arg8[%arg0, %add3A_57, %dma_wait3A] : memref<2x10016x64xf32, #tpu.memory_space<hbm>> -> memref<1x64x64xf32, #tpu.memory_space<hbm>>
        %dma_wait3A_65 = tpu.memref_squeeze %dma_wait3A_64 : memref<1x64x64xf32, #tpu.memory_space<hbm>> -> memref<64x64xf32, #tpu.memory_space<hbm>>
        %dma_wait3A_66 = arith.constant 0 : i32
        %dma_wait3A_67 = tpu.memref_slice %arg20[%add3A_57, %dma_wait3A_66] : memref<10016x64xf32, #tpu.memory_space<vmem_shared>> -> memref<64x64xf32, #tpu.memory_space<vmem_shared>>
        tpu.wait_dma2 semaphore(%run_scoped3A : memref<!tpu.dma_semaphore, #tpu.memory_space<semaphore_mem>>) src(%dma_wait3A_67 : memref<64x64xf32, #tpu.memory_space<vmem_shared>>) dst(%dma_wait3A_65 : memref<64x64xf32, #tpu.memory_space<hbm>>)
        tpu.yield
      }) : () -> ()
      %scan3A_58 = arith.constant 0 : i32
      scf.yield %scan3A_58 : i32
    }
    %scan3A_47 = arith.constant 9 : i32
    %add3A_48 = arith.constant 576 : i32
    %add3A_49 = arith.addi %mul3A_2, %add3A_48 : i32
    "tpu.region"() ({
      %run_scoped3A = tpu.sem_alloc : memref<!tpu.dma_semaphore, #tpu.memory_space<semaphore_mem>>
      %dma_start3A_53 = arith.constant 0 : i32
      %dma_start3A_54 = tpu.memref_slice %arg8[%arg0, %add3A_49, %dma_start3A_53] : memref<2x10016x64xf32, #tpu.memory_space<hbm>> -> memref<1x50x64xf32, #tpu.memory_space<hbm>>
      %dma_start3A_55 = tpu.memref_squeeze %dma_start3A_54 : memref<1x50x64xf32, #tpu.memory_space<hbm>> -> memref<50x64xf32, #tpu.memory_space<hbm>>
      %dma_start3A_56 = arith.constant 0 : i32
      %dma_start3A_57 = tpu.memref_slice %arg20[%add3A_49, %dma_start3A_56] : memref<10016x64xf32, #tpu.memory_space<vmem_shared>> -> memref<50x64xf32, #tpu.memory_space<vmem_shared>>
      tpu.enqueue_dma source(%dma_start3A_57 : memref<50x64xf32, #tpu.memory_space<vmem_shared>>) target(%dma_start3A_55 : memref<50x64xf32, #tpu.memory_space<hbm>>) target_semaphore(%run_scoped3A : memref<!tpu.dma_semaphore, #tpu.memory_space<semaphore_mem>>)
      %dma_wait3A = arith.constant 0 : i32
      %dma_wait3A_58 = tpu.memref_slice %arg8[%arg0, %add3A_49, %dma_wait3A] : memref<2x10016x64xf32, #tpu.memory_space<hbm>> -> memref<1x50x64xf32, #tpu.memory_space<hbm>>
      %dma_wait3A_59 = tpu.memref_squeeze %dma_wait3A_58 : memref<1x50x64xf32, #tpu.memory_space<hbm>> -> memref<50x64xf32, #tpu.memory_space<hbm>>
      %dma_wait3A_60 = arith.constant 0 : i32
      %dma_wait3A_61 = tpu.memref_slice %arg20[%add3A_49, %dma_wait3A_60] : memref<10016x64xf32, #tpu.memory_space<vmem_shared>> -> memref<50x64xf32, #tpu.memory_space<vmem_shared>>
      tpu.wait_dma2 semaphore(%run_scoped3A : memref<!tpu.dma_semaphore, #tpu.memory_space<semaphore_mem>>) src(%dma_wait3A_61 : memref<50x64xf32, #tpu.memory_space<vmem_shared>>) dst(%dma_wait3A_59 : memref<50x64xf32, #tpu.memory_space<hbm>>)
      tpu.yield
    }) : () -> ()
    %convert_element_type3A_50 = arith.extui %gt3A_5 : i1 to i32
    %cond3A_51 = arith.constant 0 : i32
    %cond3A_52 = arith.cmpi ne, %convert_element_type3A_50, %cond3A_51 : i32
    scf.if %cond3A_52 {
      %scan3A_53 = arith.constant 0 : i32
      %scan3A_54 = arith.constant 0 : i32
      %scan3A_55 = arith.constant 9 : i32
      %scan3A_56 = arith.addi %scan3A_54, %scan3A_55 : i32
      %scan3A_57 = arith.constant 1 : i32
      %scan3A_58 = scf.for %scan3A_62 = %scan3A_54 to %scan3A_56 step %scan3A_57 iter_args(%scan3A_63 = %scan3A_53) -> (i32)  : i32 {
        %mul3A_64 = arith.constant 64 : i32
        %mul3A_65 = arith.muli %scan3A_62, %mul3A_64 : i32
        %add3A_66 = arith.addi %mul3A_2, %mul3A_65 : i32
        "tpu.region"() ({
          %run_scoped3A = tpu.sem_alloc : memref<!tpu.dma_semaphore, #tpu.memory_space<semaphore_mem>>
          %dma_start3A_68 = arith.constant 0 : i32
          %dma_start3A_69 = tpu.memref_slice %arg9[%arg0, %add3A_66, %dma_start3A_68] : memref<2x10016x64xf32, #tpu.memory_space<hbm>> -> memref<1x64x64xf32, #tpu.memory_space<hbm>>
          %dma_start3A_70 = tpu.memref_squeeze %dma_start3A_69 : memref<1x64x64xf32, #tpu.memory_space<hbm>> -> memref<64x64xf32, #tpu.memory_space<hbm>>
          %dma_start3A_71 = arith.constant 0 : i32
          %dma_start3A_72 = tpu.memref_slice %arg21[%add3A_66, %dma_start3A_71] : memref<10016x64xf32, #tpu.memory_space<vmem_shared>> -> memref<64x64xf32, #tpu.memory_space<vmem_shared>>
          tpu.enqueue_dma source(%dma_start3A_72 : memref<64x64xf32, #tpu.memory_space<vmem_shared>>) target(%dma_start3A_70 : memref<64x64xf32, #tpu.memory_space<hbm>>) target_semaphore(%run_scoped3A : memref<!tpu.dma_semaphore, #tpu.memory_space<semaphore_mem>>)
          %dma_wait3A = arith.constant 0 : i32
          %dma_wait3A_73 = tpu.memref_slice %arg9[%arg0, %add3A_66, %dma_wait3A] : memref<2x10016x64xf32, #tpu.memory_space<hbm>> -> memref<1x64x64xf32, #tpu.memory_space<hbm>>
          %dma_wait3A_74 = tpu.memref_squeeze %dma_wait3A_73 : memref<1x64x64xf32, #tpu.memory_space<hbm>> -> memref<64x64xf32, #tpu.memory_space<hbm>>
          %dma_wait3A_75 = arith.constant 0 : i32
          %dma_wait3A_76 = tpu.memref_slice %arg21[%add3A_66, %dma_wait3A_75] : memref<10016x64xf32, #tpu.memory_space<vmem_shared>> -> memref<64x64xf32, #tpu.memory_space<vmem_shared>>
          tpu.wait_dma2 semaphore(%run_scoped3A : memref<!tpu.dma_semaphore, #tpu.memory_space<semaphore_mem>>) src(%dma_wait3A_76 : memref<64x64xf32, #tpu.memory_space<vmem_shared>>) dst(%dma_wait3A_74 : memref<64x64xf32, #tpu.memory_space<hbm>>)
          tpu.yield
        }) : () -> ()
        %scan3A_67 = arith.constant 0 : i32
        scf.yield %scan3A_67 : i32
      }
      %scan3A_59 = arith.constant 9 : i32
      %add3A_60 = arith.constant 576 : i32
      %add3A_61 = arith.addi %mul3A_2, %add3A_60 : i32
      "tpu.region"() ({
        %run_scoped3A = tpu.sem_alloc : memref<!tpu.dma_semaphore, #tpu.memory_space<semaphore_mem>>
        %dma_start3A_62 = arith.constant 0 : i32
        %dma_start3A_63 = tpu.memref_slice %arg9[%arg0, %add3A_61, %dma_start3A_62] : memref<2x10016x64xf32, #tpu.memory_space<hbm>> -> memref<1x50x64xf32, #tpu.memory_space<hbm>>
        %dma_start3A_64 = tpu.memref_squeeze %dma_start3A_63 : memref<1x50x64xf32, #tpu.memory_space<hbm>> -> memref<50x64xf32, #tpu.memory_space<hbm>>
        %dma_start3A_65 = arith.constant 0 : i32
        %dma_start3A_66 = tpu.memref_slice %arg21[%add3A_61, %dma_start3A_65] : memref<10016x64xf32, #tpu.memory_space<vmem_shared>> -> memref<50x64xf32, #tpu.memory_space<vmem_shared>>
        tpu.enqueue_dma source(%dma_start3A_66 : memref<50x64xf32, #tpu.memory_space<vmem_shared>>) target(%dma_start3A_64 : memref<50x64xf32, #tpu.memory_space<hbm>>) target_semaphore(%run_scoped3A : memref<!tpu.dma_semaphore, #tpu.memory_space<semaphore_mem>>)
        %dma_wait3A = arith.constant 0 : i32
        %dma_wait3A_67 = tpu.memref_slice %arg9[%arg0, %add3A_61, %dma_wait3A] : memref<2x10016x64xf32, #tpu.memory_space<hbm>> -> memref<1x50x64xf32, #tpu.memory_space<hbm>>
        %dma_wait3A_68 = tpu.memref_squeeze %dma_wait3A_67 : memref<1x50x64xf32, #tpu.memory_space<hbm>> -> memref<50x64xf32, #tpu.memory_space<hbm>>
        %dma_wait3A_69 = arith.constant 0 : i32
        %dma_wait3A_70 = tpu.memref_slice %arg21[%add3A_61, %dma_wait3A_69] : memref<10016x64xf32, #tpu.memory_space<vmem_shared>> -> memref<50x64xf32, #tpu.memory_space<vmem_shared>>
        tpu.wait_dma2 semaphore(%run_scoped3A : memref<!tpu.dma_semaphore, #tpu.memory_space<semaphore_mem>>) src(%dma_wait3A_70 : memref<50x64xf32, #tpu.memory_space<vmem_shared>>) dst(%dma_wait3A_68 : memref<50x64xf32, #tpu.memory_space<hbm>>)
        tpu.yield
      }) : () -> ()
      "tpu.region"() ({
        %run_scoped3A = tpu.sem_alloc : memref<!tpu.dma_semaphore, #tpu.memory_space<semaphore_mem>>
        %dma_start3A_62 = arith.constant 0 : i32
        %dma_start3A_63 = tpu.memref_slice %arg10[%arg0, %mul3A_2, %dma_start3A_62] : memref<2x10016x8xf32, #tpu.memory_space<hbm>> -> memref<1x626x8xf32, #tpu.memory_space<hbm>>
        %dma_start3A_64 = tpu.memref_squeeze %dma_start3A_63 : memref<1x626x8xf32, #tpu.memory_space<hbm>> -> memref<626x8xf32, #tpu.memory_space<hbm>>
        %dma_start3A_65 = arith.constant 0 : i32
        %dma_start3A_66 = tpu.memref_slice %arg22[%mul3A_2, %dma_start3A_65] : memref<10016x8xf32, #tpu.memory_space<vmem_shared>> -> memref<626x8xf32, #tpu.memory_space<vmem_shared>>
        tpu.enqueue_dma source(%dma_start3A_66 : memref<626x8xf32, #tpu.memory_space<vmem_shared>>) target(%dma_start3A_64 : memref<626x8xf32, #tpu.memory_space<hbm>>) target_semaphore(%run_scoped3A : memref<!tpu.dma_semaphore, #tpu.memory_space<semaphore_mem>>)
        %dma_wait3A = arith.constant 0 : i32
        %dma_wait3A_67 = tpu.memref_slice %arg10[%arg0, %mul3A_2, %dma_wait3A] : memref<2x10016x8xf32, #tpu.memory_space<hbm>> -> memref<1x626x8xf32, #tpu.memory_space<hbm>>
        %dma_wait3A_68 = tpu.memref_squeeze %dma_wait3A_67 : memref<1x626x8xf32, #tpu.memory_space<hbm>> -> memref<626x8xf32, #tpu.memory_space<hbm>>
        %dma_wait3A_69 = arith.constant 0 : i32
        %dma_wait3A_70 = tpu.memref_slice %arg22[%mul3A_2, %dma_wait3A_69] : memref<10016x8xf32, #tpu.memory_space<vmem_shared>> -> memref<626x8xf32, #tpu.memory_space<vmem_shared>>
        tpu.wait_dma2 semaphore(%run_scoped3A : memref<!tpu.dma_semaphore, #tpu.memory_space<semaphore_mem>>) src(%dma_wait3A_70 : memref<626x8xf32, #tpu.memory_space<vmem_shared>>) dst(%dma_wait3A_68 : memref<626x8xf32, #tpu.memory_space<hbm>>)
        tpu.yield
      }) : () -> ()
    } else {
    }
    return
  }
}

#map = affine_map<(d0, d1) -> (0, 0)>
#map1 = affine_map<(d0, d1) -> (0)>
#map2 = affine_map<(d0, d1) -> (0, 0, 0)>
module attributes {stable_mosaic.version = 14 : i64} {
  func.func @body(%arg0: i32, %arg1: i32, %arg2: memref<10000x64xf32, #tpu.memory_space<hbm>>, %arg3: memref<10000x64xf32, #tpu.memory_space<hbm>>, %arg4: memref<5056x64xi32, #tpu.memory_space<hbm>>, %arg5: memref<5056x64xi32, #tpu.memory_space<hbm>>, %arg6: memref<16xi32, #tpu.memory_space<hbm>>, %arg7: memref<2x64x8xf32, #tpu.memory_space<hbm>>, %arg8: memref<2x10016x64xf32, #tpu.memory_space<hbm>>, %arg9: memref<2x10016x64xf32, #tpu.memory_space<hbm>>, %arg10: memref<2x10016x8xf32, #tpu.memory_space<hbm>>, %arg11: memref<16xi32, #tpu.memory_space<vmem>>, %arg12: memref<158x64xi32, #tpu.memory_space<vmem>>, %arg13: memref<158x64xi32, #tpu.memory_space<vmem>>, %arg14: memref<64x64xf32, #tpu.memory_space<vmem>>, %arg15: memref<64x64xf32, #tpu.memory_space<vmem>>, %arg16: memref<64x64xf32, #tpu.memory_space<vmem>>, %arg17: memref<64x64xf32, #tpu.memory_space<vmem>>, %arg18: memref<64x64xf32, #tpu.memory_space<vmem>>, %arg19: memref<64x8xf32, #tpu.memory_space<vmem>>, %arg20: memref<10016x64xf32, #tpu.memory_space<vmem_shared>>, %arg21: memref<10016x64xf32, #tpu.memory_space<vmem_shared>>, %arg22: memref<10016x8xf32, #tpu.memory_space<vmem_shared>>, %arg23: memref<!tpu.dma_semaphore, #tpu.memory_space<semaphore_mem>>, %arg24: memref<!tpu.dma_semaphore, #tpu.memory_space<semaphore_mem>>, %arg25: memref<!tpu.dma_semaphore, #tpu.memory_space<semaphore_mem>>, %arg26: memref<!tpu.dma_semaphore, #tpu.memory_space<semaphore_mem>>) attributes {dimension_semantics = [#tpu.dimension_semantics<core_parallel>, #tpu.dimension_semantics<subcore_parallel>], iteration_bounds = array<i64: 2, 16>, scalar_prefetch = 0 : i64, scratch_operands = 16 : i64, tpu.core_type = #tpu.core_type<sc_vector_subcore>, window_params = [{transform_indices = #map}, {transform_indices = #map}, {transform_indices = #map}, {transform_indices = #map}, {transform_indices = #map1}, {transform_indices = #map2}, {transform_indices = #map2}, {transform_indices = #map2}, {transform_indices = #map2}]} {
    %mul3A = arith.constant 16 : i32
    %mul3A_0 = arith.muli %arg0, %mul3A : i32
    %add3A = arith.addi %mul3A_0, %arg1 : i32
    %mul3A_1 = arith.constant 626 : i32
    %mul3A_2 = arith.muli %arg1, %mul3A_1 : i32
    "tpu.region"() ({
      %run_scoped3A = tpu.sem_alloc : memref<!tpu.dma_semaphore, #tpu.memory_space<semaphore_mem>>
      tpu.enqueue_dma source(%arg6 : memref<16xi32, #tpu.memory_space<hbm>>) target(%arg11 : memref<16xi32, #tpu.memory_space<vmem>>) target_semaphore(%run_scoped3A : memref<!tpu.dma_semaphore, #tpu.memory_space<semaphore_mem>>)
      tpu.wait_dma2 semaphore(%run_scoped3A : memref<!tpu.dma_semaphore, #tpu.memory_space<semaphore_mem>>) src(%arg6 : memref<16xi32, #tpu.memory_space<hbm>>) dst(%arg11 : memref<16xi32, #tpu.memory_space<vmem>>)
      tpu.yield
    }) : () -> ()
    %get3A = arith.constant 0 : index
    %get3A_3 = tpu.vector_load %arg11[%get3A] {strides = array<i32>} : memref<16xi32, #tpu.memory_space<vmem>>, vector<16xi32>,
    %get3A_4 = vector.shape_cast %get3A_3 : vector<16xi32> to vector<16xi32>
    %slice3A = vector.extract_strided_slice %get3A_4 {offsets = [0], sizes = [1], strides = [1]} : vector<16xi32> to vector<1xi32>
    %squeeze3A = vector.extract %slice3A[0] : i32 from vector<1xi32>
    %gt3A = arith.constant 0 : i32
    %gt3A_5 = arith.cmpi sgt, %squeeze3A, %gt3A : i32
    %scan3A = arith.constant 0 : i32
    %scan3A_6 = arith.constant 0 : i32
    %scan3A_7 = arith.constant 256 : i32
    %scan3A_8 = arith.addi %scan3A_6, %scan3A_7 : i32
    %scan3A_9 = arith.constant 1 : i32
    %scan3A_10 = scf.for %scan3A_53 = %scan3A_6 to %scan3A_8 step %scan3A_9 iter_args(%scan3A_54 = %scan3A) -> (i32)  : i32 {
      %broadcast_in_dim3A = arith.constant 0.000000e+00 : f32
      %broadcast_in_dim3A_55 = vector.broadcast %broadcast_in_dim3A : f32 to vector<16xf32>
      %jit3A = arith.constant 4 : i32
      %div3A = arith.divsi %scan3A_53, %jit3A : i32
      %sign3A = arith.constant 0 : i32
      %sign3A_56 = arith.cmpi sgt, %scan3A_53, %sign3A : i32
      %sign3A_57 = arith.extui %sign3A_56 : i1 to i32
      %sign3A_58 = arith.constant 0 : i32
      %sign3A_59 = arith.cmpi slt, %scan3A_53, %sign3A_58 : i32
      %sign3A_60 = arith.extui %sign3A_59 : i1 to i32
      %sign3A_61 = arith.subi %sign3A_57, %sign3A_60 : i32
      %sign3A_62 = arith.constant 0 : i32
      %sign3A_63 = arith.cmpi sgt, %jit3A, %sign3A_62 : i32
      %sign3A_64 = arith.extui %sign3A_63 : i1 to i32
      %sign3A_65 = arith.constant 0 : i32
      %sign3A_66 = arith.cmpi slt, %jit3A, %sign3A_65 : i32
      %sign3A_67 = arith.extui %sign3A_66 : i1 to i32
      %sign3A_68 = arith.subi %sign3A_64, %sign3A_67 : i32
      %ne3A = arith.cmpi ne, %sign3A_61, %sign3A_68 : i32
      %rem3A = arith.remsi %scan3A_53, %jit3A : i32
      %ne3A_69 = arith.constant 0 : i32
      %ne3A_70 = arith.cmpi ne, %rem3A, %ne3A_69 : i32
      %and3A = arith.andi %ne3A, %ne3A_70 : i1
      %sub3A = arith.constant 1 : i32
      %sub3A_71 = arith.subi %div3A, %sub3A : i32
      %select_n3A = arith.select %and3A, %sub3A_71, %div3A : i32
      %jit3A_72 = arith.constant 4 : i32
      %eq3A = arith.constant 0 : i32
      %eq3A_73 = arith.cmpi eq, %jit3A_72, %eq3A : i32
      %jit3A_74 = arith.constant 1 : i32
      %select_n3A_75 = arith.select %eq3A_73, %jit3A_74, %jit3A_72 : i32
      %rem3A_76 = arith.remsi %scan3A_53, %select_n3A_75 : i32
      %ne3A_77 = arith.constant 0 : i32
      %ne3A_78 = arith.cmpi ne, %rem3A_76, %ne3A_77 : i32
      %lt3A = arith.constant 0 : i32
      %lt3A_79 = arith.cmpi slt, %rem3A_76, %lt3A : i32
      %lt3A_80 = arith.constant 0 : i32
      %lt3A_81 = arith.cmpi slt, %select_n3A_75, %lt3A_80 : i32
      %ne3A_82 = arith.xori %lt3A_79, %lt3A_81 : i1
      %and3A_83 = arith.andi %ne3A_82, %ne3A_78 : i1
      %add3A_84 = arith.addi %rem3A_76, %select_n3A_75 : i32
      %select_n3A_85 = arith.select %and3A_83, %add3A_84, %rem3A_76 : i32
      %mul3A_86 = arith.constant 16 : i32
      %mul3A_87 = arith.muli %select_n3A_85, %mul3A_86 : i32
      %swap3A = arith.index_cast %select_n3A : i32 to index
      %swap3A_88 = arith.index_cast %mul3A_87 : i32 to index
      %swap3A_89 = tpu.vector_load %arg14[%swap3A, %swap3A_88] {strides = array<i32>} : memref<64x64xf32, #tpu.memory_space<vmem>>, vector<1x16xf32>,
      %swap3A_90 = vector.shape_cast %swap3A_89 : vector<1x16xf32> to vector<16xf32>
      %swap3A_91 = vector.shape_cast %broadcast_in_dim3A_55 : vector<16xf32> to vector<1x16xf32>
      tpu.vector_store %arg14[%swap3A, %swap3A_88], %swap3A_91 {strides = array<i32>} : memref<64x64xf32, #tpu.memory_space<vmem>>, vector<1x16xf32>,
      %scan3A_92 = arith.constant 0 : i32
      scf.yield %scan3A_92 : i32
    }
    %scan3A_11 = arith.constant 256 : i32
    %scan3A_12 = arith.constant 0 : i32
    %scan3A_13 = arith.constant 0 : i32
    %scan3A_14 = arith.constant 9 : i32
    %scan3A_15 = arith.addi %scan3A_13, %scan3A_14 : i32
    %scan3A_16 = arith.constant 1 : i32
    %scan3A_17 = scf.for %scan3A_53 = %scan3A_13 to %scan3A_15 step %scan3A_16 iter_args(%scan3A_54 = %scan3A_12) -> (i32)  : i32 {
      %mul3A_55 = arith.constant 64 : i32
      %mul3A_56 = arith.muli %scan3A_53, %mul3A_55 : i32
      %add3A_57 = arith.addi %mul3A_2, %mul3A_56 : i32
      "tpu.region"() ({
        %run_scoped3A = tpu.sem_alloc : memref<!tpu.dma_semaphore, #tpu.memory_space<semaphore_mem>>
        %dma_start3A_59 = arith.constant 0 : i32
        %dma_start3A_60 = tpu.memref_slice %arg20[%add3A_57, %dma_start3A_59] : memref<10016x64xf32, #tpu.memory_space<vmem_shared>> -> memref<64x64xf32, #tpu.memory_space<vmem_shared>>
        %dma_start3A_61 = arith.constant 0 : i32
        %dma_start3A_62 = tpu.memref_slice %arg20[%add3A_57, %dma_start3A_61] : memref<10016x64xf32, #tpu.memory_space<vmem_shared>> -> memref<64x64xf32, #tpu.memory_space<vmem_shared>>
        tpu.enqueue_dma source(%arg14 : memref<64x64xf32, #tpu.memory_space<vmem>>) target(%dma_start3A_62 : memref<64x64xf32, #tpu.memory_space<vmem_shared>>) target_semaphore(%run_scoped3A : memref<!tpu.dma_semaphore, #tpu.memory_space<semaphore_mem>>)
        %dma_wait3A = arith.constant 0 : i32
        %dma_wait3A_63 = tpu.memref_slice %arg20[%add3A_57, %dma_wait3A] : memref<10016x64xf32, #tpu.memory_space<vmem_shared>> -> memref<64x64xf32, #tpu.memory_space<vmem_shared>>
        %dma_wait3A_64 = arith.constant 0 : i32
        %dma_wait3A_65 = tpu.memref_slice %arg20[%add3A_57, %dma_wait3A_64] : memref<10016x64xf32, #tpu.memory_space<vmem_shared>> -> memref<64x64xf32, #tpu.memory_space<vmem_shared>>
        tpu.wait_dma2 semaphore(%run_scoped3A : memref<!tpu.dma_semaphore, #tpu.memory_space<semaphore_mem>>) src(%arg14 : memref<64x64xf32, #tpu.memory_space<vmem>>) dst(%dma_wait3A_65 : memref<64x64xf32, #tpu.memory_space<vmem_shared>>)
        tpu.yield
      }) : () -> ()
      %scan3A_58 = arith.constant 0 : i32
      scf.yield %scan3A_58 : i32
    }
    %scan3A_18 = arith.constant 9 : i32
    %add3A_19 = arith.constant 576 : i32
    %add3A_20 = arith.addi %mul3A_2, %add3A_19 : i32
    "tpu.region"() ({
      %run_scoped3A = tpu.sem_alloc : memref<!tpu.dma_semaphore, #tpu.memory_space<semaphore_mem>>
      %dma_start3A_53 = arith.constant 0 : i32
      %dma_start3A_54 = arith.constant 0 : i32
      %dma_start3A_55 = tpu.memref_slice %arg14[%dma_start3A_53, %dma_start3A_54] : memref<64x64xf32, #tpu.memory_space<vmem>> -> memref<50x64xf32, #tpu.memory_space<vmem>>
      %dma_start3A_56 = arith.constant 0 : i32
      %dma_start3A_57 = tpu.memref_slice %arg20[%add3A_20, %dma_start3A_56] : memref<10016x64xf32, #tpu.memory_space<vmem_shared>> -> memref<50x64xf32, #tpu.memory_space<vmem_shared>>
      %dma_start3A_58 = arith.constant 0 : i32
      %dma_start3A_59 = tpu.memref_slice %arg20[%add3A_20, %dma_start3A_58] : memref<10016x64xf32, #tpu.memory_space<vmem_shared>> -> memref<50x64xf32, #tpu.memory_space<vmem_shared>>
      %dma_start3A_60 = arith.constant 0 : i32
      %dma_start3A_61 = arith.constant 0 : i32
      %dma_start3A_62 = tpu.memref_slice %arg14[%dma_start3A_60, %dma_start3A_61] : memref<64x64xf32, #tpu.memory_space<vmem>> -> memref<50x64xf32, #tpu.memory_space<vmem>>
      tpu.enqueue_dma source(%dma_start3A_62 : memref<50x64xf32, #tpu.memory_space<vmem>>) target(%dma_start3A_59 : memref<50x64xf32, #tpu.memory_space<vmem_shared>>) target_semaphore(%run_scoped3A : memref<!tpu.dma_semaphore, #tpu.memory_space<semaphore_mem>>)
      %dma_wait3A = arith.constant 0 : i32
      %dma_wait3A_63 = arith.constant 0 : i32
      %dma_wait3A_64 = tpu.memref_slice %arg14[%dma_wait3A, %dma_wait3A_63] : memref<64x64xf32, #tpu.memory_space<vmem>> -> memref<50x64xf32, #tpu.memory_space<vmem>>
      %dma_wait3A_65 = arith.constant 0 : i32
      %dma_wait3A_66 = tpu.memref_slice %arg20[%add3A_20, %dma_wait3A_65] : memref<10016x64xf32, #tpu.memory_space<vmem_shared>> -> memref<50x64xf32, #tpu.memory_space<vmem_shared>>
      %dma_wait3A_67 = arith.constant 0 : i32
      %dma_wait3A_68 = tpu.memref_slice %arg20[%add3A_20, %dma_wait3A_67] : memref<10016x64xf32, #tpu.memory_space<vmem_shared>> -> memref<50x64xf32, #tpu.memory_space<vmem_shared>>
      %dma_wait3A_69 = arith.constant 0 : i32
      %dma_wait3A_70 = arith.constant 0 : i32
      %dma_wait3A_71 = tpu.memref_slice %arg14[%dma_wait3A_69, %dma_wait3A_70] : memref<64x64xf32, #tpu.memory_space<vmem>> -> memref<50x64xf32, #tpu.memory_space<vmem>>
      tpu.wait_dma2 semaphore(%run_scoped3A : memref<!tpu.dma_semaphore, #tpu.memory_space<semaphore_mem>>) src(%dma_wait3A_71 : memref<50x64xf32, #tpu.memory_space<vmem>>) dst(%dma_wait3A_68 : memref<50x64xf32, #tpu.memory_space<vmem_shared>>)
      tpu.yield
    }) : () -> ()
    %convert_element_type3A = arith.extui %gt3A_5 : i1 to i32
    %cond3A = arith.constant 0 : i32
    %cond3A_21 = arith.cmpi ne, %convert_element_type3A, %cond3A : i32
    scf.if %cond3A_21 {
      %scan3A_53 = arith.constant 0 : i32
      %scan3A_54 = arith.constant 0 : i32
      %scan3A_55 = arith.constant 9 : i32
      %scan3A_56 = arith.addi %scan3A_54, %scan3A_55 : i32
      %scan3A_57 = arith.constant 1 : i32
      %scan3A_58 = scf.for %scan3A_72 = %scan3A_54 to %scan3A_56 step %scan3A_57 iter_args(%scan3A_73 = %scan3A_53) -> (i32)  : i32 {
        %mul3A_74 = arith.constant 64 : i32
        %mul3A_75 = arith.muli %scan3A_72, %mul3A_74 : i32
        %add3A_76 = arith.addi %mul3A_2, %mul3A_75 : i32
        "tpu.region"() ({
          %run_scoped3A_78 = tpu.sem_alloc : memref<!tpu.dma_semaphore, #tpu.memory_space<semaphore_mem>>
          %dma_start3A_79 = arith.constant 0 : i32
          %dma_start3A_80 = tpu.memref_slice %arg21[%add3A_76, %dma_start3A_79] : memref<10016x64xf32, #tpu.memory_space<vmem_shared>> -> memref<64x64xf32, #tpu.memory_space<vmem_shared>>
          %dma_start3A_81 = arith.constant 0 : i32
          %dma_start3A_82 = tpu.memref_slice %arg21[%add3A_76, %dma_start3A_81] : memref<10016x64xf32, #tpu.memory_space<vmem_shared>> -> memref<64x64xf32, #tpu.memory_space<vmem_shared>>
          tpu.enqueue_dma source(%arg14 : memref<64x64xf32, #tpu.memory_space<vmem>>) target(%dma_start3A_82 : memref<64x64xf32, #tpu.memory_space<vmem_shared>>) target_semaphore(%run_scoped3A_78 : memref<!tpu.dma_semaphore, #tpu.memory_space<semaphore_mem>>)
          %dma_wait3A = arith.constant 0 : i32
          %dma_wait3A_83 = tpu.memref_slice %arg21[%add3A_76, %dma_wait3A] : memref<10016x64xf32, #tpu.memory_space<vmem_shared>> -> memref<64x64xf32, #tpu.memory_space<vmem_shared>>
          %dma_wait3A_84 = arith.constant 0 : i32
          %dma_wait3A_85 = tpu.memref_slice %arg21[%add3A_76, %dma_wait3A_84] : memref<10016x64xf32, #tpu.memory_space<vmem_shared>> -> memref<64x64xf32, #tpu.memory_space<vmem_shared>>
          tpu.wait_dma2 semaphore(%run_scoped3A_78 : memref<!tpu.dma_semaphore, #tpu.memory_space<semaphore_mem>>) src(%arg14 : memref<64x64xf32, #tpu.memory_space<vmem>>) dst(%dma_wait3A_85 : memref<64x64xf32, #tpu.memory_space<vmem_shared>>)
          tpu.yield
        }) : () -> ()
        %scan3A_77 = arith.constant 0 : i32
        scf.yield %scan3A_77 : i32
      }
      %scan3A_59 = arith.constant 9 : i32
      %add3A_60 = arith.constant 576 : i32
      %add3A_61 = arith.addi %mul3A_2, %add3A_60 : i32
      "tpu.region"() ({
        %run_scoped3A_72 = tpu.sem_alloc : memref<!tpu.dma_semaphore, #tpu.memory_space<semaphore_mem>>
        %dma_start3A_73 = arith.constant 0 : i32
        %dma_start3A_74 = arith.constant 0 : i32
        %dma_start3A_75 = tpu.memref_slice %arg14[%dma_start3A_73, %dma_start3A_74] : memref<64x64xf32, #tpu.memory_space<vmem>> -> memref<50x64xf32, #tpu.memory_space<vmem>>
        %dma_start3A_76 = arith.constant 0 : i32
        %dma_start3A_77 = tpu.memref_slice %arg21[%add3A_61, %dma_start3A_76] : memref<10016x64xf32, #tpu.memory_space<vmem_shared>> -> memref<50x64xf32, #tpu.memory_space<vmem_shared>>
        %dma_start3A_78 = arith.constant 0 : i32
        %dma_start3A_79 = tpu.memref_slice %arg21[%add3A_61, %dma_start3A_78] : memref<10016x64xf32, #tpu.memory_space<vmem_shared>> -> memref<50x64xf32, #tpu.memory_space<vmem_shared>>
        %dma_start3A_80 = arith.constant 0 : i32
        %dma_start3A_81 = arith.constant 0 : i32
        %dma_start3A_82 = tpu.memref_slice %arg14[%dma_start3A_80, %dma_start3A_81] : memref<64x64xf32, #tpu.memory_space<vmem>> -> memref<50x64xf32, #tpu.memory_space<vmem>>
        tpu.enqueue_dma source(%dma_start3A_82 : memref<50x64xf32, #tpu.memory_space<vmem>>) target(%dma_start3A_79 : memref<50x64xf32, #tpu.memory_space<vmem_shared>>) target_semaphore(%run_scoped3A_72 : memref<!tpu.dma_semaphore, #tpu.memory_space<semaphore_mem>>)
        %dma_wait3A = arith.constant 0 : i32
        %dma_wait3A_83 = arith.constant 0 : i32
        %dma_wait3A_84 = tpu.memref_slice %arg14[%dma_wait3A, %dma_wait3A_83] : memref<64x64xf32, #tpu.memory_space<vmem>> -> memref<50x64xf32, #tpu.memory_space<vmem>>
        %dma_wait3A_85 = arith.constant 0 : i32
        %dma_wait3A_86 = tpu.memref_slice %arg21[%add3A_61, %dma_wait3A_85] : memref<10016x64xf32, #tpu.memory_space<vmem_shared>> -> memref<50x64xf32, #tpu.memory_space<vmem_shared>>
        %dma_wait3A_87 = arith.constant 0 : i32
        %dma_wait3A_88 = tpu.memref_slice %arg21[%add3A_61, %dma_wait3A_87] : memref<10016x64xf32, #tpu.memory_space<vmem_shared>> -> memref<50x64xf32, #tpu.memory_space<vmem_shared>>
        %dma_wait3A_89 = arith.constant 0 : i32
        %dma_wait3A_90 = arith.constant 0 : i32
        %dma_wait3A_91 = tpu.memref_slice %arg14[%dma_wait3A_89, %dma_wait3A_90] : memref<64x64xf32, #tpu.memory_space<vmem>> -> memref<50x64xf32, #tpu.memory_space<vmem>>
        tpu.wait_dma2 semaphore(%run_scoped3A_72 : memref<!tpu.dma_semaphore, #tpu.memory_space<semaphore_mem>>) src(%dma_wait3A_91 : memref<50x64xf32, #tpu.memory_space<vmem>>) dst(%dma_wait3A_88 : memref<50x64xf32, #tpu.memory_space<vmem_shared>>)
        tpu.yield
      }) : () -> ()
      %run_scoped3A = arith.constant 0 : i32
      "tpu.region"() ({
        %run_scoped3A_72 = tpu.sem_alloc : memref<!tpu.dma_semaphore, #tpu.memory_space<semaphore_mem>>
        %dma_start3A_73 = arith.constant 0 : i32
        %dma_start3A_74 = arith.constant 0 : i32
        %dma_start3A_75 = tpu.memref_slice %arg7[%run_scoped3A, %dma_start3A_73, %dma_start3A_74] : memref<2x64x8xf32, #tpu.memory_space<hbm>> -> memref<1x64x8xf32, #tpu.memory_space<hbm>>
        %dma_start3A_76 = tpu.memref_squeeze %dma_start3A_75 : memref<1x64x8xf32, #tpu.memory_space<hbm>> -> memref<64x8xf32, #tpu.memory_space<hbm>>
        %dma_start3A_77 = arith.constant 0 : i32
        %dma_start3A_78 = arith.constant 0 : i32
        %dma_start3A_79 = tpu.memref_slice %arg7[%run_scoped3A, %dma_start3A_77, %dma_start3A_78] : memref<2x64x8xf32, #tpu.memory_space<hbm>> -> memref<1x64x8xf32, #tpu.memory_space<hbm>>
        %dma_start3A_80 = tpu.memref_squeeze %dma_start3A_79 : memref<1x64x8xf32, #tpu.memory_space<hbm>> -> memref<64x8xf32, #tpu.memory_space<hbm>>
        tpu.enqueue_dma source(%dma_start3A_80 : memref<64x8xf32, #tpu.memory_space<hbm>>) target(%arg19 : memref<64x8xf32, #tpu.memory_space<vmem>>) target_semaphore(%run_scoped3A_72 : memref<!tpu.dma_semaphore, #tpu.memory_space<semaphore_mem>>)
        %dma_wait3A = arith.constant 0 : i32
        %dma_wait3A_81 = arith.constant 0 : i32
        %dma_wait3A_82 = tpu.memref_slice %arg7[%run_scoped3A, %dma_wait3A, %dma_wait3A_81] : memref<2x64x8xf32, #tpu.memory_space<hbm>> -> memref<1x64x8xf32, #tpu.memory_space<hbm>>
        %dma_wait3A_83 = tpu.memref_squeeze %dma_wait3A_82 : memref<1x64x8xf32, #tpu.memory_space<hbm>> -> memref<64x8xf32, #tpu.memory_space<hbm>>
        %dma_wait3A_84 = arith.constant 0 : i32
        %dma_wait3A_85 = arith.constant 0 : i32
        %dma_wait3A_86 = tpu.memref_slice %arg7[%run_scoped3A, %dma_wait3A_84, %dma_wait3A_85] : memref<2x64x8xf32, #tpu.memory_space<hbm>> -> memref<1x64x8xf32, #tpu.memory_space<hbm>>
        %dma_wait3A_87 = tpu.memref_squeeze %dma_wait3A_86 : memref<1x64x8xf32, #tpu.memory_space<hbm>> -> memref<64x8xf32, #tpu.memory_space<hbm>>
        tpu.wait_dma2 semaphore(%run_scoped3A_72 : memref<!tpu.dma_semaphore, #tpu.memory_space<semaphore_mem>>) src(%dma_wait3A_87 : memref<64x8xf32, #tpu.memory_space<hbm>>) dst(%arg19 : memref<64x8xf32, #tpu.memory_space<vmem>>)
        tpu.yield
      }) : () -> ()
      %scan3A_62 = arith.constant 0 : i32
      %scan3A_63 = arith.constant 0 : i32
      %scan3A_64 = arith.constant 9 : i32
      %scan3A_65 = arith.addi %scan3A_63, %scan3A_64 : i32
      %scan3A_66 = arith.constant 1 : i32
      %scan3A_67 = scf.for %scan3A_72 = %scan3A_63 to %scan3A_65 step %scan3A_66 iter_args(%scan3A_73 = %scan3A_62) -> (i32)  : i32 {
        %mul3A_74 = arith.constant 64 : i32
        %mul3A_75 = arith.muli %scan3A_72, %mul3A_74 : i32
        %add3A_76 = arith.addi %mul3A_2, %mul3A_75 : i32
        "tpu.region"() ({
          %run_scoped3A_78 = tpu.sem_alloc : memref<!tpu.dma_semaphore, #tpu.memory_space<semaphore_mem>>
          %dma_start3A_79 = arith.constant 0 : i32
          %dma_start3A_80 = tpu.memref_slice %arg22[%add3A_76, %dma_start3A_79] : memref<10016x8xf32, #tpu.memory_space<vmem_shared>> -> memref<64x8xf32, #tpu.memory_space<vmem_shared>>
          %dma_start3A_81 = arith.constant 0 : i32
          %dma_start3A_82 = tpu.memref_slice %arg22[%add3A_76, %dma_start3A_81] : memref<10016x8xf32, #tpu.memory_space<vmem_shared>> -> memref<64x8xf32, #tpu.memory_space<vmem_shared>>
          tpu.enqueue_dma source(%arg19 : memref<64x8xf32, #tpu.memory_space<vmem>>) target(%dma_start3A_82 : memref<64x8xf32, #tpu.memory_space<vmem_shared>>) target_semaphore(%run_scoped3A_78 : memref<!tpu.dma_semaphore, #tpu.memory_space<semaphore_mem>>)
          %dma_wait3A = arith.constant 0 : i32
          %dma_wait3A_83 = tpu.memref_slice %arg22[%add3A_76, %dma_wait3A] : memref<10016x8xf32, #tpu.memory_space<vmem_shared>> -> memref<64x8xf32, #tpu.memory_space<vmem_shared>>
          %dma_wait3A_84 = arith.constant 0 : i32
          %dma_wait3A_85 = tpu.memref_slice %arg22[%add3A_76, %dma_wait3A_84] : memref<10016x8xf32, #tpu.memory_space<vmem_shared>> -> memref<64x8xf32, #tpu.memory_space<vmem_shared>>
          tpu.wait_dma2 semaphore(%run_scoped3A_78 : memref<!tpu.dma_semaphore, #tpu.memory_space<semaphore_mem>>) src(%arg19 : memref<64x8xf32, #tpu.memory_space<vmem>>) dst(%dma_wait3A_85 : memref<64x8xf32, #tpu.memory_space<vmem_shared>>)
          tpu.yield
        }) : () -> ()
        %scan3A_77 = arith.constant 0 : i32
        scf.yield %scan3A_77 : i32
      }
      %scan3A_68 = arith.constant 9 : i32
      %add3A_69 = arith.constant 576 : i32
      %add3A_70 = arith.addi %mul3A_2, %add3A_69 : i32
      "tpu.region"() ({
        %run_scoped3A_72 = tpu.sem_alloc : memref<!tpu.dma_semaphore, #tpu.memory_space<semaphore_mem>>
        %dma_start3A_73 = arith.constant 0 : i32
        %dma_start3A_74 = arith.constant 0 : i32
        %dma_start3A_75 = tpu.memref_slice %arg19[%dma_start3A_73, %dma_start3A_74] : memref<64x8xf32, #tpu.memory_space<vmem>> -> memref<50x8xf32, #tpu.memory_space<vmem>>
        %dma_start3A_76 = arith.constant 0 : i32
        %dma_start3A_77 = tpu.memref_slice %arg22[%add3A_70, %dma_start3A_76] : memref<10016x8xf32, #tpu.memory_space<vmem_shared>> -> memref<50x8xf32, #tpu.memory_space<vmem_shared>>
        %dma_start3A_78 = arith.constant 0 : i32
        %dma_start3A_79 = tpu.memref_slice %arg22[%add3A_70, %dma_start3A_78] : memref<10016x8xf32, #tpu.memory_space<vmem_shared>> -> memref<50x8xf32, #tpu.memory_space<vmem_shared>>
        %dma_start3A_80 = arith.constant 0 : i32
        %dma_start3A_81 = arith.constant 0 : i32
        %dma_start3A_82 = tpu.memref_slice %arg19[%dma_start3A_80, %dma_start3A_81] : memref<64x8xf32, #tpu.memory_space<vmem>> -> memref<50x8xf32, #tpu.memory_space<vmem>>
        tpu.enqueue_dma source(%dma_start3A_82 : memref<50x8xf32, #tpu.memory_space<vmem>>) target(%dma_start3A_79 : memref<50x8xf32, #tpu.memory_space<vmem_shared>>) target_semaphore(%run_scoped3A_72 : memref<!tpu.dma_semaphore, #tpu.memory_space<semaphore_mem>>)
        %dma_wait3A = arith.constant 0 : i32
        %dma_wait3A_83 = arith.constant 0 : i32
        %dma_wait3A_84 = tpu.memref_slice %arg19[%dma_wait3A, %dma_wait3A_83] : memref<64x8xf32, #tpu.memory_space<vmem>> -> memref<50x8xf32, #tpu.memory_space<vmem>>
        %dma_wait3A_85 = arith.constant 0 : i32
        %dma_wait3A_86 = tpu.memref_slice %arg22[%add3A_70, %dma_wait3A_85] : memref<10016x8xf32, #tpu.memory_space<vmem_shared>> -> memref<50x8xf32, #tpu.memory_space<vmem_shared>>
        %dma_wait3A_87 = arith.constant 0 : i32
        %dma_wait3A_88 = tpu.memref_slice %arg22[%add3A_70, %dma_wait3A_87] : memref<10016x8xf32, #tpu.memory_space<vmem_shared>> -> memref<50x8xf32, #tpu.memory_space<vmem_shared>>
        %dma_wait3A_89 = arith.constant 0 : i32
        %dma_wait3A_90 = arith.constant 0 : i32
        %dma_wait3A_91 = tpu.memref_slice %arg19[%dma_wait3A_89, %dma_wait3A_90] : memref<64x8xf32, #tpu.memory_space<vmem>> -> memref<50x8xf32, #tpu.memory_space<vmem>>
        tpu.wait_dma2 semaphore(%run_scoped3A_72 : memref<!tpu.dma_semaphore, #tpu.memory_space<semaphore_mem>>) src(%dma_wait3A_91 : memref<50x8xf32, #tpu.memory_space<vmem>>) dst(%dma_wait3A_88 : memref<50x8xf32, #tpu.memory_space<vmem_shared>>)
        tpu.yield
      }) : () -> ()
      %run_scoped3A_71 = arith.constant 1 : i32
      "tpu.region"() ({
        %run_scoped3A_72 = tpu.sem_alloc : memref<!tpu.dma_semaphore, #tpu.memory_space<semaphore_mem>>
        %dma_start3A_73 = arith.constant 0 : i32
        %dma_start3A_74 = arith.constant 0 : i32
        %dma_start3A_75 = tpu.memref_slice %arg7[%run_scoped3A_71, %dma_start3A_73, %dma_start3A_74] : memref<2x64x8xf32, #tpu.memory_space<hbm>> -> memref<1x64x8xf32, #tpu.memory_space<hbm>>
        %dma_start3A_76 = tpu.memref_squeeze %dma_start3A_75 : memref<1x64x8xf32, #tpu.memory_space<hbm>> -> memref<64x8xf32, #tpu.memory_space<hbm>>
        %dma_start3A_77 = arith.constant 0 : i32
        %dma_start3A_78 = arith.constant 0 : i32
        %dma_start3A_79 = tpu.memref_slice %arg7[%run_scoped3A_71, %dma_start3A_77, %dma_start3A_78] : memref<2x64x8xf32, #tpu.memory_space<hbm>> -> memref<1x64x8xf32, #tpu.memory_space<hbm>>
        %dma_start3A_80 = tpu.memref_squeeze %dma_start3A_79 : memref<1x64x8xf32, #tpu.memory_space<hbm>> -> memref<64x8xf32, #tpu.memory_space<hbm>>
        tpu.enqueue_dma source(%dma_start3A_80 : memref<64x8xf32, #tpu.memory_space<hbm>>) target(%arg19 : memref<64x8xf32, #tpu.memory_space<vmem>>) target_semaphore(%run_scoped3A_72 : memref<!tpu.dma_semaphore, #tpu.memory_space<semaphore_mem>>)
        %dma_wait3A = arith.constant 0 : i32
        %dma_wait3A_81 = arith.constant 0 : i32
        %dma_wait3A_82 = tpu.memref_slice %arg7[%run_scoped3A_71, %dma_wait3A, %dma_wait3A_81] : memref<2x64x8xf32, #tpu.memory_space<hbm>> -> memref<1x64x8xf32, #tpu.memory_space<hbm>>
        %dma_wait3A_83 = tpu.memref_squeeze %dma_wait3A_82 : memref<1x64x8xf32, #tpu.memory_space<hbm>> -> memref<64x8xf32, #tpu.memory_space<hbm>>
        %dma_wait3A_84 = arith.constant 0 : i32
        %dma_wait3A_85 = arith.constant 0 : i32
        %dma_wait3A_86 = tpu.memref_slice %arg7[%run_scoped3A_71, %dma_wait3A_84, %dma_wait3A_85] : memref<2x64x8xf32, #tpu.memory_space<hbm>> -> memref<1x64x8xf32, #tpu.memory_space<hbm>>
        %dma_wait3A_87 = tpu.memref_squeeze %dma_wait3A_86 : memref<1x64x8xf32, #tpu.memory_space<hbm>> -> memref<64x8xf32, #tpu.memory_space<hbm>>
        tpu.wait_dma2 semaphore(%run_scoped3A_72 : memref<!tpu.dma_semaphore, #tpu.memory_space<semaphore_mem>>) src(%dma_wait3A_87 : memref<64x8xf32, #tpu.memory_space<hbm>>) dst(%arg19 : memref<64x8xf32, #tpu.memory_space<vmem>>)
        tpu.yield
      }) : () -> ()
    } else {
    }
    %barrier3A = arith.constant 0 : index
    tpu.barrier barrier_id(%barrier3A)
    %mul3A_22 = arith.constant 158 : i32
    %mul3A_23 = arith.muli %add3A, %mul3A_22 : i32
    "tpu.region"() ({
      %run_scoped3A = tpu.sem_alloc : memref<!tpu.dma_semaphore, #tpu.memory_space<semaphore_mem>>
      %dma_start3A_53 = arith.constant 0 : i32
      %dma_start3A_54 = tpu.memref_slice %arg4[%mul3A_23, %dma_start3A_53] : memref<5056x64xi32, #tpu.memory_space<hbm>> -> memref<158x64xi32, #tpu.memory_space<hbm>>
      %dma_start3A_55 = arith.constant 0 : i32
      %dma_start3A_56 = tpu.memref_slice %arg4[%mul3A_23, %dma_start3A_55] : memref<5056x64xi32, #tpu.memory_space<hbm>> -> memref<158x64xi32, #tpu.memory_space<hbm>>
      tpu.enqueue_dma source(%dma_start3A_56 : memref<158x64xi32, #tpu.memory_space<hbm>>) target(%arg12 : memref<158x64xi32, #tpu.memory_space<vmem>>) target_semaphore(%run_scoped3A : memref<!tpu.dma_semaphore, #tpu.memory_space<semaphore_mem>>)
      %dma_wait3A = arith.constant 0 : i32
      %dma_wait3A_57 = tpu.memref_slice %arg4[%mul3A_23, %dma_wait3A] : memref<5056x64xi32, #tpu.memory_space<hbm>> -> memref<158x64xi32, #tpu.memory_space<hbm>>
      %dma_wait3A_58 = arith.constant 0 : i32
      %dma_wait3A_59 = tpu.memref_slice %arg4[%mul3A_23, %dma_wait3A_58] : memref<5056x64xi32, #tpu.memory_space<hbm>> -> memref<158x64xi32, #tpu.memory_space<hbm>>
      tpu.wait_dma2 semaphore(%run_scoped3A : memref<!tpu.dma_semaphore, #tpu.memory_space<semaphore_mem>>) src(%dma_wait3A_59 : memref<158x64xi32, #tpu.memory_space<hbm>>) dst(%arg12 : memref<158x64xi32, #tpu.memory_space<vmem>>)
      tpu.yield
    }) : () -> ()
    "tpu.region"() ({
      %run_scoped3A = tpu.sem_alloc : memref<!tpu.dma_semaphore, #tpu.memory_space<semaphore_mem>>
      %dma_start3A_53 = arith.constant 0 : i32
      %dma_start3A_54 = tpu.memref_slice %arg5[%mul3A_23, %dma_start3A_53] : memref<5056x64xi32, #tpu.memory_space<hbm>> -> memref<158x64xi32, #tpu.memory_space<hbm>>
      %dma_start3A_55 = arith.constant 0 : i32
      %dma_start3A_56 = tpu.memref_slice %arg5[%mul3A_23, %dma_start3A_55] : memref<5056x64xi32, #tpu.memory_space<hbm>> -> memref<158x64xi32, #tpu.memory_space<hbm>>
      tpu.enqueue_dma source(%dma_start3A_56 : memref<158x64xi32, #tpu.memory_space<hbm>>) target(%arg13 : memref<158x64xi32, #tpu.memory_space<vmem>>) target_semaphore(%run_scoped3A : memref<!tpu.dma_semaphore, #tpu.memory_space<semaphore_mem>>)
      %dma_wait3A = arith.constant 0 : i32
      %dma_wait3A_57 = tpu.memref_slice %arg5[%mul3A_23, %dma_wait3A] : memref<5056x64xi32, #tpu.memory_space<hbm>> -> memref<158x64xi32, #tpu.memory_space<hbm>>
      %dma_wait3A_58 = arith.constant 0 : i32
      %dma_wait3A_59 = tpu.memref_slice %arg5[%mul3A_23, %dma_wait3A_58] : memref<5056x64xi32, #tpu.memory_space<hbm>> -> memref<158x64xi32, #tpu.memory_space<hbm>>
      tpu.wait_dma2 semaphore(%run_scoped3A : memref<!tpu.dma_semaphore, #tpu.memory_space<semaphore_mem>>) src(%dma_wait3A_59 : memref<158x64xi32, #tpu.memory_space<hbm>>) dst(%arg13 : memref<158x64xi32, #tpu.memory_space<vmem>>)
      tpu.yield
    }) : () -> ()
    %dma_start3A = arith.constant 0 : i32
    %dma_start3A_24 = arith.constant 0 : i32
    %dma_start3A_25 = tpu.memref_slice %arg12[%dma_start3A, %dma_start3A_24] : memref<158x64xi32, #tpu.memory_space<vmem>> -> memref<1x64xi32, #tpu.memory_space<vmem>>
    %dma_start3A_26 = tpu.memref_squeeze %dma_start3A_25 : memref<1x64xi32, #tpu.memory_space<vmem>> -> memref<64xi32, #tpu.memory_space<vmem>>
    %dma_start3A_27 = arith.constant 0 : i32
    %dma_start3A_28 = arith.constant 0 : i32
    %dma_start3A_29 = tpu.memref_slice %arg2[%dma_start3A_27, %dma_start3A_28] : memref<10000x64xf32, #tpu.memory_space<hbm>> -> memref<10000x64xf32, #tpu.memory_space<hbm>>
    tpu.enqueue_indirect_dma source(%dma_start3A_29 : memref<10000x64xf32, #tpu.memory_space<hbm>>) target(%arg15 : memref<64x64xf32, #tpu.memory_space<vmem>>) offsets(%dma_start3A_26 : memref<64xi32, #tpu.memory_space<vmem>>) semaphore(%arg23 : memref<!tpu.dma_semaphore, #tpu.memory_space<semaphore_mem>>)
    %convert_element_type3A_30 = arith.extui %gt3A_5 : i1 to i32
    %cond3A_31 = arith.constant 0 : i32
    %cond3A_32 = arith.cmpi ne, %convert_element_type3A_30, %cond3A_31 : i32
    scf.if %cond3A_32 {
      %dma_start3A_53 = arith.constant 0 : i32
      %dma_start3A_54 = arith.constant 0 : i32
      %dma_start3A_55 = tpu.memref_slice %arg12[%dma_start3A_53, %dma_start3A_54] : memref<158x64xi32, #tpu.memory_space<vmem>> -> memref<1x64xi32, #tpu.memory_space<vmem>>
      %dma_start3A_56 = tpu.memref_squeeze %dma_start3A_55 : memref<1x64xi32, #tpu.memory_space<vmem>> -> memref<64xi32, #tpu.memory_space<vmem>>
      %dma_start3A_57 = arith.constant 0 : i32
      %dma_start3A_58 = arith.constant 0 : i32
      %dma_start3A_59 = tpu.memref_slice %arg3[%dma_start3A_57, %dma_start3A_58] : memref<10000x64xf32, #tpu.memory_space<hbm>> -> memref<10000x64xf32, #tpu.memory_space<hbm>>
      tpu.enqueue_indirect_dma source(%dma_start3A_59 : memref<10000x64xf32, #tpu.memory_space<hbm>>) target(%arg17 : memref<64x64xf32, #tpu.memory_space<vmem>>) offsets(%dma_start3A_56 : memref<64xi32, #tpu.memory_space<vmem>>) semaphore(%arg25 : memref<!tpu.dma_semaphore, #tpu.memory_space<semaphore_mem>>)
    } else {
    }
    %scan3A_33 = arith.constant 0 : i32
    %scan3A_34 = arith.constant 0 : i32
    %scan3A_35 = arith.constant 79 : i32
    %scan3A_36 = arith.addi %scan3A_34, %scan3A_35 : i32
    %scan3A_37 = arith.constant 1 : i32
    %scan3A_38 = scf.for %scan3A_53 = %scan3A_34 to %scan3A_36 step %scan3A_37 iter_args(%scan3A_54 = %scan3A_33) -> (i32)  : i32 {
      %mul3A_55 = arith.constant 2 : i32
      %mul3A_56 = arith.muli %mul3A_55, %scan3A_53 : i32
      %add3A_57 = arith.constant 1 : i32
      %add3A_58 = arith.addi %mul3A_56, %add3A_57 : i32
      %dma_start3A_59 = arith.constant 0 : i32
      %dma_start3A_60 = tpu.memref_slice %arg12[%add3A_58, %dma_start3A_59] : memref<158x64xi32, #tpu.memory_space<vmem>> -> memref<1x64xi32, #tpu.memory_space<vmem>>
      %dma_start3A_61 = tpu.memref_squeeze %dma_start3A_60 : memref<1x64xi32, #tpu.memory_space<vmem>> -> memref<64xi32, #tpu.memory_space<vmem>>
      %dma_start3A_62 = arith.constant 0 : i32
      %dma_start3A_63 = arith.constant 0 : i32
      %dma_start3A_64 = tpu.memref_slice %arg2[%dma_start3A_62, %dma_start3A_63] : memref<10000x64xf32, #tpu.memory_space<hbm>> -> memref<10000x64xf32, #tpu.memory_space<hbm>>
      tpu.enqueue_indirect_dma source(%dma_start3A_64 : memref<10000x64xf32, #tpu.memory_space<hbm>>) target(%arg16 : memref<64x64xf32, #tpu.memory_space<vmem>>) offsets(%dma_start3A_61 : memref<64xi32, #tpu.memory_space<vmem>>) semaphore(%arg24 : memref<!tpu.dma_semaphore, #tpu.memory_space<semaphore_mem>>)
      %add3A_65 = arith.constant 1 : i32
      %add3A_66 = arith.addi %mul3A_56, %add3A_65 : i32
      %convert_element_type3A_67 = arith.extui %gt3A_5 : i1 to i32
      %cond3A_68 = arith.constant 0 : i32
      %cond3A_69 = arith.cmpi ne, %convert_element_type3A_67, %cond3A_68 : i32
      scf.if %cond3A_69 {
        %dma_start3A_96 = arith.constant 0 : i32
        %dma_start3A_97 = tpu.memref_slice %arg12[%add3A_66, %dma_start3A_96] : memref<158x64xi32, #tpu.memory_space<vmem>> -> memref<1x64xi32, #tpu.memory_space<vmem>>
        %dma_start3A_98 = tpu.memref_squeeze %dma_start3A_97 : memref<1x64xi32, #tpu.memory_space<vmem>> -> memref<64xi32, #tpu.memory_space<vmem>>
        %dma_start3A_99 = arith.constant 0 : i32
        %dma_start3A_100 = arith.constant 0 : i32
        %dma_start3A_101 = tpu.memref_slice %arg3[%dma_start3A_99, %dma_start3A_100] : memref<10000x64xf32, #tpu.memory_space<hbm>> -> memref<10000x64xf32, #tpu.memory_space<hbm>>
        tpu.enqueue_indirect_dma source(%dma_start3A_101 : memref<10000x64xf32, #tpu.memory_space<hbm>>) target(%arg18 : memref<64x64xf32, #tpu.memory_space<vmem>>) offsets(%dma_start3A_98 : memref<64xi32, #tpu.memory_space<vmem>>) semaphore(%arg26 : memref<!tpu.dma_semaphore, #tpu.memory_space<semaphore_mem>>)
      } else {
      }
      %dma_wait3A = arith.constant 0 : i32
      %dma_wait3A_70 = tpu.memref_slice %arg12[%mul3A_56, %dma_wait3A] : memref<158x64xi32, #tpu.memory_space<vmem>> -> memref<1x64xi32, #tpu.memory_space<vmem>>
      %dma_wait3A_71 = tpu.memref_squeeze %dma_wait3A_70 : memref<1x64xi32, #tpu.memory_space<vmem>> -> memref<64xi32, #tpu.memory_space<vmem>>
      %dma_wait3A_72 = arith.constant 0 : i32
      %dma_wait3A_73 = arith.constant 0 : i32
      %dma_wait3A_74 = tpu.memref_slice %arg2[%dma_wait3A_72, %dma_wait3A_73] : memref<10000x64xf32, #tpu.memory_space<hbm>> -> memref<10000x64xf32, #tpu.memory_space<hbm>>
      tpu.wait_indirect_dma semaphore(%arg23 : memref<!tpu.dma_semaphore, #tpu.memory_space<semaphore_mem>>) src(%dma_wait3A_74 : memref<10000x64xf32, #tpu.memory_space<hbm>>) dst(%arg15 : memref<64x64xf32, #tpu.memory_space<vmem>>)
      "tpu.region"() ({
        %run_scoped3A = tpu.sem_alloc : memref<!tpu.dma_semaphore, #tpu.memory_space<semaphore_mem>>
        %dma_start3A_96 = arith.constant 0 : i32
        %dma_start3A_97 = tpu.memref_slice %arg13[%mul3A_56, %dma_start3A_96] : memref<158x64xi32, #tpu.memory_space<vmem>> -> memref<1x64xi32, #tpu.memory_space<vmem>>
        %dma_start3A_98 = tpu.memref_squeeze %dma_start3A_97 : memref<1x64xi32, #tpu.memory_space<vmem>> -> memref<64xi32, #tpu.memory_space<vmem>>
        %dma_start3A_99 = arith.constant 0 : i32
        %dma_start3A_100 = arith.constant 0 : i32
        %dma_start3A_101 = tpu.memref_slice %arg20[%dma_start3A_99, %dma_start3A_100] : memref<10016x64xf32, #tpu.memory_space<vmem_shared>> -> memref<10016x64xf32, #tpu.memory_space<vmem_shared>>
        tpu.enqueue_indirect_dma source(%arg15 : memref<64x64xf32, #tpu.memory_space<vmem>>) target(%dma_start3A_101 : memref<10016x64xf32, #tpu.memory_space<vmem_shared>>) offsets(%dma_start3A_98 : memref<64xi32, #tpu.memory_space<vmem>>) semaphore(%run_scoped3A : memref<!tpu.dma_semaphore, #tpu.memory_space<semaphore_mem>>) {add = true}
        %dma_wait3A_102 = arith.constant 0 : i32
        %dma_wait3A_103 = tpu.memref_slice %arg13[%mul3A_56, %dma_wait3A_102] : memref<158x64xi32, #tpu.memory_space<vmem>> -> memref<1x64xi32, #tpu.memory_space<vmem>>
        %dma_wait3A_104 = tpu.memref_squeeze %dma_wait3A_103 : memref<1x64xi32, #tpu.memory_space<vmem>> -> memref<64xi32, #tpu.memory_space<vmem>>
        %dma_wait3A_105 = arith.constant 0 : i32
        %dma_wait3A_106 = arith.constant 0 : i32
        %dma_wait3A_107 = tpu.memref_slice %arg20[%dma_wait3A_105, %dma_wait3A_106] : memref<10016x64xf32, #tpu.memory_space<vmem_shared>> -> memref<10016x64xf32, #tpu.memory_space<vmem_shared>>
        tpu.wait_indirect_dma semaphore(%run_scoped3A : memref<!tpu.dma_semaphore, #tpu.memory_space<semaphore_mem>>) src(%arg15 : memref<64x64xf32, #tpu.memory_space<vmem>>) dst(%dma_wait3A_107 : memref<10016x64xf32, #tpu.memory_space<vmem_shared>>)
        tpu.yield
      }) : () -> ()
      %convert_element_type3A_75 = arith.extui %gt3A_5 : i1 to i32
      %cond3A_76 = arith.constant 0 : i32
      %cond3A_77 = arith.cmpi ne, %convert_element_type3A_75, %cond3A_76 : i32
      scf.if %cond3A_77 {
        %dma_wait3A_96 = arith.constant 0 : i32
        %dma_wait3A_97 = tpu.memref_slice %arg12[%mul3A_56, %dma_wait3A_96] : memref<158x64xi32, #tpu.memory_space<vmem>> -> memref<1x64xi32, #tpu.memory_space<vmem>>
        %dma_wait3A_98 = tpu.memref_squeeze %dma_wait3A_97 : memref<1x64xi32, #tpu.memory_space<vmem>> -> memref<64xi32, #tpu.memory_space<vmem>>
        %dma_wait3A_99 = arith.constant 0 : i32
        %dma_wait3A_100 = arith.constant 0 : i32
        %dma_wait3A_101 = tpu.memref_slice %arg3[%dma_wait3A_99, %dma_wait3A_100] : memref<10000x64xf32, #tpu.memory_space<hbm>> -> memref<10000x64xf32, #tpu.memory_space<hbm>>
        tpu.wait_indirect_dma semaphore(%arg25 : memref<!tpu.dma_semaphore, #tpu.memory_space<semaphore_mem>>) src(%dma_wait3A_101 : memref<10000x64xf32, #tpu.memory_space<hbm>>) dst(%arg17 : memref<64x64xf32, #tpu.memory_space<vmem>>)
        "tpu.region"() ({
          %run_scoped3A = tpu.sem_alloc : memref<!tpu.dma_semaphore, #tpu.memory_space<semaphore_mem>>
          %dma_start3A_102 = arith.constant 0 : i32
          %dma_start3A_103 = tpu.memref_slice %arg13[%mul3A_56, %dma_start3A_102] : memref<158x64xi32, #tpu.memory_space<vmem>> -> memref<1x64xi32, #tpu.memory_space<vmem>>
          %dma_start3A_104 = tpu.memref_squeeze %dma_start3A_103 : memref<1x64xi32, #tpu.memory_space<vmem>> -> memref<64xi32, #tpu.memory_space<vmem>>
          %dma_start3A_105 = arith.constant 0 : i32
          %dma_start3A_106 = arith.constant 0 : i32
          %dma_start3A_107 = tpu.memref_slice %arg21[%dma_start3A_105, %dma_start3A_106] : memref<10016x64xf32, #tpu.memory_space<vmem_shared>> -> memref<10016x64xf32, #tpu.memory_space<vmem_shared>>
          tpu.enqueue_indirect_dma source(%arg17 : memref<64x64xf32, #tpu.memory_space<vmem>>) target(%dma_start3A_107 : memref<10016x64xf32, #tpu.memory_space<vmem_shared>>) offsets(%dma_start3A_104 : memref<64xi32, #tpu.memory_space<vmem>>) semaphore(%run_scoped3A : memref<!tpu.dma_semaphore, #tpu.memory_space<semaphore_mem>>) {add = true}
          %dma_wait3A_108 = arith.constant 0 : i32
          %dma_wait3A_109 = tpu.memref_slice %arg13[%mul3A_56, %dma_wait3A_108] : memref<158x64xi32, #tpu.memory_space<vmem>> -> memref<1x64xi32, #tpu.memory_space<vmem>>
          %dma_wait3A_110 = tpu.memref_squeeze %dma_wait3A_109 : memref<1x64xi32, #tpu.memory_space<vmem>> -> memref<64xi32, #tpu.memory_space<vmem>>
          %dma_wait3A_111 = arith.constant 0 : i32
          %dma_wait3A_112 = arith.constant 0 : i32
          %dma_wait3A_113 = tpu.memref_slice %arg21[%dma_wait3A_111, %dma_wait3A_112] : memref<10016x64xf32, #tpu.memory_space<vmem_shared>> -> memref<10016x64xf32, #tpu.memory_space<vmem_shared>>
          tpu.wait_indirect_dma semaphore(%run_scoped3A : memref<!tpu.dma_semaphore, #tpu.memory_space<semaphore_mem>>) src(%arg17 : memref<64x64xf32, #tpu.memory_space<vmem>>) dst(%dma_wait3A_113 : memref<10016x64xf32, #tpu.memory_space<vmem_shared>>)
          tpu.yield
        }) : () -> ()
        "tpu.region"() ({
          %run_scoped3A = tpu.sem_alloc : memref<!tpu.dma_semaphore, #tpu.memory_space<semaphore_mem>>
          %dma_start3A_102 = arith.constant 0 : i32
          %dma_start3A_103 = tpu.memref_slice %arg13[%mul3A_56, %dma_start3A_102] : memref<158x64xi32, #tpu.memory_space<vmem>> -> memref<1x64xi32, #tpu.memory_space<vmem>>
          %dma_start3A_104 = tpu.memref_squeeze %dma_start3A_103 : memref<1x64xi32, #tpu.memory_space<vmem>> -> memref<64xi32, #tpu.memory_space<vmem>>
          %dma_start3A_105 = arith.constant 0 : i32
          %dma_start3A_106 = arith.constant 0 : i32
          %dma_start3A_107 = tpu.memref_slice %arg22[%dma_start3A_105, %dma_start3A_106] : memref<10016x8xf32, #tpu.memory_space<vmem_shared>> -> memref<10016x8xf32, #tpu.memory_space<vmem_shared>>
          tpu.enqueue_indirect_dma source(%arg19 : memref<64x8xf32, #tpu.memory_space<vmem>>) target(%dma_start3A_107 : memref<10016x8xf32, #tpu.memory_space<vmem_shared>>) offsets(%dma_start3A_104 : memref<64xi32, #tpu.memory_space<vmem>>) semaphore(%run_scoped3A : memref<!tpu.dma_semaphore, #tpu.memory_space<semaphore_mem>>) {add = true}
          %dma_wait3A_108 = arith.constant 0 : i32
          %dma_wait3A_109 = tpu.memref_slice %arg13[%mul3A_56, %dma_wait3A_108] : memref<158x64xi32, #tpu.memory_space<vmem>> -> memref<1x64xi32, #tpu.memory_space<vmem>>
          %dma_wait3A_110 = tpu.memref_squeeze %dma_wait3A_109 : memref<1x64xi32, #tpu.memory_space<vmem>> -> memref<64xi32, #tpu.memory_space<vmem>>
          %dma_wait3A_111 = arith.constant 0 : i32
          %dma_wait3A_112 = arith.constant 0 : i32
          %dma_wait3A_113 = tpu.memref_slice %arg22[%dma_wait3A_111, %dma_wait3A_112] : memref<10016x8xf32, #tpu.memory_space<vmem_shared>> -> memref<10016x8xf32, #tpu.memory_space<vmem_shared>>
          tpu.wait_indirect_dma semaphore(%run_scoped3A : memref<!tpu.dma_semaphore, #tpu.memory_space<semaphore_mem>>) src(%arg19 : memref<64x8xf32, #tpu.memory_space<vmem>>) dst(%dma_wait3A_113 : memref<10016x8xf32, #tpu.memory_space<vmem_shared>>)
          tpu.yield
        }) : () -> ()
      } else {
      }
      %add3A_78 = arith.constant 1 : i32
      %add3A_79 = arith.addi %scan3A_53, %add3A_78 : i32
      %lt3A = arith.constant 79 : i32
      %lt3A_80 = arith.cmpi slt, %add3A_79, %lt3A : i32
      %convert_element_type3A_81 = arith.extui %lt3A_80 : i1 to i32
      %cond3A_82 = arith.constant 0 : i32
      %cond3A_83 = arith.cmpi ne, %convert_element_type3A_81, %cond3A_82 : i32
      scf.if %cond3A_83 {
        %add3A_96 = arith.constant 2 : i32
        %add3A_97 = arith.addi %mul3A_56, %add3A_96 : i32
        %dma_start3A_98 = arith.constant 0 : i32
        %dma_start3A_99 = tpu.memref_slice %arg12[%add3A_97, %dma_start3A_98] : memref<158x64xi32, #tpu.memory_space<vmem>> -> memref<1x64xi32, #tpu.memory_space<vmem>>
        %dma_start3A_100 = tpu.memref_squeeze %dma_start3A_99 : memref<1x64xi32, #tpu.memory_space<vmem>> -> memref<64xi32, #tpu.memory_space<vmem>>
        %dma_start3A_101 = arith.constant 0 : i32
        %dma_start3A_102 = arith.constant 0 : i32
        %dma_start3A_103 = tpu.memref_slice %arg2[%dma_start3A_101, %dma_start3A_102] : memref<10000x64xf32, #tpu.memory_space<hbm>> -> memref<10000x64xf32, #tpu.memory_space<hbm>>
        tpu.enqueue_indirect_dma source(%dma_start3A_103 : memref<10000x64xf32, #tpu.memory_space<hbm>>) target(%arg15 : memref<64x64xf32, #tpu.memory_space<vmem>>) offsets(%dma_start3A_100 : memref<64xi32, #tpu.memory_space<vmem>>) semaphore(%arg23 : memref<!tpu.dma_semaphore, #tpu.memory_space<semaphore_mem>>)
        %add3A_104 = arith.constant 2 : i32
        %add3A_105 = arith.addi %mul3A_56, %add3A_104 : i32
        %convert_element_type3A_106 = arith.extui %gt3A_5 : i1 to i32
        %cond3A_107 = arith.constant 0 : i32
        %cond3A_108 = arith.cmpi ne, %convert_element_type3A_106, %cond3A_107 : i32
        scf.if %cond3A_108 {
          %dma_start3A_109 = arith.constant 0 : i32
          %dma_start3A_110 = tpu.memref_slice %arg12[%add3A_105, %dma_start3A_109] : memref<158x64xi32, #tpu.memory_space<vmem>> -> memref<1x64xi32, #tpu.memory_space<vmem>>
          %dma_start3A_111 = tpu.memref_squeeze %dma_start3A_110 : memref<1x64xi32, #tpu.memory_space<vmem>> -> memref<64xi32, #tpu.memory_space<vmem>>
          %dma_start3A_112 = arith.constant 0 : i32
          %dma_start3A_113 = arith.constant 0 : i32
          %dma_start3A_114 = tpu.memref_slice %arg3[%dma_start3A_112, %dma_start3A_113] : memref<10000x64xf32, #tpu.memory_space<hbm>> -> memref<10000x64xf32, #tpu.memory_space<hbm>>
          tpu.enqueue_indirect_dma source(%dma_start3A_114 : memref<10000x64xf32, #tpu.memory_space<hbm>>) target(%arg17 : memref<64x64xf32, #tpu.memory_space<vmem>>) offsets(%dma_start3A_111 : memref<64xi32, #tpu.memory_space<vmem>>) semaphore(%arg25 : memref<!tpu.dma_semaphore, #tpu.memory_space<semaphore_mem>>)
        } else {
        }
      } else {
      }
      %add3A_84 = arith.constant 1 : i32
      %add3A_85 = arith.addi %mul3A_56, %add3A_84 : i32
      %dma_wait3A_86 = arith.constant 0 : i32
      %dma_wait3A_87 = tpu.memref_slice %arg12[%add3A_85, %dma_wait3A_86] : memref<158x64xi32, #tpu.memory_space<vmem>> -> memref<1x64xi32, #tpu.memory_space<vmem>>
      %dma_wait3A_88 = tpu.memref_squeeze %dma_wait3A_87 : memref<1x64xi32, #tpu.memory_space<vmem>> -> memref<64xi32, #tpu.memory_space<vmem>>
      %dma_wait3A_89 = arith.constant 0 : i32
      %dma_wait3A_90 = arith.constant 0 : i32
      %dma_wait3A_91 = tpu.memref_slice %arg2[%dma_wait3A_89, %dma_wait3A_90] : memref<10000x64xf32, #tpu.memory_space<hbm>> -> memref<10000x64xf32, #tpu.memory_space<hbm>>
      tpu.wait_indirect_dma semaphore(%arg24 : memref<!tpu.dma_semaphore, #tpu.memory_space<semaphore_mem>>) src(%dma_wait3A_91 : memref<10000x64xf32, #tpu.memory_space<hbm>>) dst(%arg16 : memref<64x64xf32, #tpu.memory_space<vmem>>)
      "tpu.region"() ({
        %run_scoped3A = tpu.sem_alloc : memref<!tpu.dma_semaphore, #tpu.memory_space<semaphore_mem>>
        %dma_start3A_96 = arith.constant 0 : i32
        %dma_start3A_97 = tpu.memref_slice %arg13[%add3A_85, %dma_start3A_96] : memref<158x64xi32, #tpu.memory_space<vmem>> -> memref<1x64xi32, #tpu.memory_space<vmem>>
        %dma_start3A_98 = tpu.memref_squeeze %dma_start3A_97 : memref<1x64xi32, #tpu.memory_space<vmem>> -> memref<64xi32, #tpu.memory_space<vmem>>
        %dma_start3A_99 = arith.constant 0 : i32
        %dma_start3A_100 = arith.constant 0 : i32
        %dma_start3A_101 = tpu.memref_slice %arg20[%dma_start3A_99, %dma_start3A_100] : memref<10016x64xf32, #tpu.memory_space<vmem_shared>> -> memref<10016x64xf32, #tpu.memory_space<vmem_shared>>
        tpu.enqueue_indirect_dma source(%arg16 : memref<64x64xf32, #tpu.memory_space<vmem>>) target(%dma_start3A_101 : memref<10016x64xf32, #tpu.memory_space<vmem_shared>>) offsets(%dma_start3A_98 : memref<64xi32, #tpu.memory_space<vmem>>) semaphore(%run_scoped3A : memref<!tpu.dma_semaphore, #tpu.memory_space<semaphore_mem>>) {add = true}
        %dma_wait3A_102 = arith.constant 0 : i32
        %dma_wait3A_103 = tpu.memref_slice %arg13[%add3A_85, %dma_wait3A_102] : memref<158x64xi32, #tpu.memory_space<vmem>> -> memref<1x64xi32, #tpu.memory_space<vmem>>
        %dma_wait3A_104 = tpu.memref_squeeze %dma_wait3A_103 : memref<1x64xi32, #tpu.memory_space<vmem>> -> memref<64xi32, #tpu.memory_space<vmem>>
        %dma_wait3A_105 = arith.constant 0 : i32
        %dma_wait3A_106 = arith.constant 0 : i32
        %dma_wait3A_107 = tpu.memref_slice %arg20[%dma_wait3A_105, %dma_wait3A_106] : memref<10016x64xf32, #tpu.memory_space<vmem_shared>> -> memref<10016x64xf32, #tpu.memory_space<vmem_shared>>
        tpu.wait_indirect_dma semaphore(%run_scoped3A : memref<!tpu.dma_semaphore, #tpu.memory_space<semaphore_mem>>) src(%arg16 : memref<64x64xf32, #tpu.memory_space<vmem>>) dst(%dma_wait3A_107 : memref<10016x64xf32, #tpu.memory_space<vmem_shared>>)
        tpu.yield
      }) : () -> ()
      %convert_element_type3A_92 = arith.extui %gt3A_5 : i1 to i32
      %cond3A_93 = arith.constant 0 : i32
      %cond3A_94 = arith.cmpi ne, %convert_element_type3A_92, %cond3A_93 : i32
      scf.if %cond3A_94 {
        %dma_wait3A_96 = arith.constant 0 : i32
        %dma_wait3A_97 = tpu.memref_slice %arg12[%add3A_85, %dma_wait3A_96] : memref<158x64xi32, #tpu.memory_space<vmem>> -> memref<1x64xi32, #tpu.memory_space<vmem>>
        %dma_wait3A_98 = tpu.memref_squeeze %dma_wait3A_97 : memref<1x64xi32, #tpu.memory_space<vmem>> -> memref<64xi32, #tpu.memory_space<vmem>>
        %dma_wait3A_99 = arith.constant 0 : i32
        %dma_wait3A_100 = arith.constant 0 : i32
        %dma_wait3A_101 = tpu.memref_slice %arg3[%dma_wait3A_99, %dma_wait3A_100] : memref<10000x64xf32, #tpu.memory_space<hbm>> -> memref<10000x64xf32, #tpu.memory_space<hbm>>
        tpu.wait_indirect_dma semaphore(%arg26 : memref<!tpu.dma_semaphore, #tpu.memory_space<semaphore_mem>>) src(%dma_wait3A_101 : memref<10000x64xf32, #tpu.memory_space<hbm>>) dst(%arg18 : memref<64x64xf32, #tpu.memory_space<vmem>>)
        "tpu.region"() ({
          %run_scoped3A = tpu.sem_alloc : memref<!tpu.dma_semaphore, #tpu.memory_space<semaphore_mem>>
          %dma_start3A_102 = arith.constant 0 : i32
          %dma_start3A_103 = tpu.memref_slice %arg13[%add3A_85, %dma_start3A_102] : memref<158x64xi32, #tpu.memory_space<vmem>> -> memref<1x64xi32, #tpu.memory_space<vmem>>
          %dma_start3A_104 = tpu.memref_squeeze %dma_start3A_103 : memref<1x64xi32, #tpu.memory_space<vmem>> -> memref<64xi32, #tpu.memory_space<vmem>>
          %dma_start3A_105 = arith.constant 0 : i32
          %dma_start3A_106 = arith.constant 0 : i32
          %dma_start3A_107 = tpu.memref_slice %arg21[%dma_start3A_105, %dma_start3A_106] : memref<10016x64xf32, #tpu.memory_space<vmem_shared>> -> memref<10016x64xf32, #tpu.memory_space<vmem_shared>>
          tpu.enqueue_indirect_dma source(%arg18 : memref<64x64xf32, #tpu.memory_space<vmem>>) target(%dma_start3A_107 : memref<10016x64xf32, #tpu.memory_space<vmem_shared>>) offsets(%dma_start3A_104 : memref<64xi32, #tpu.memory_space<vmem>>) semaphore(%run_scoped3A : memref<!tpu.dma_semaphore, #tpu.memory_space<semaphore_mem>>) {add = true}
          %dma_wait3A_108 = arith.constant 0 : i32
          %dma_wait3A_109 = tpu.memref_slice %arg13[%add3A_85, %dma_wait3A_108] : memref<158x64xi32, #tpu.memory_space<vmem>> -> memref<1x64xi32, #tpu.memory_space<vmem>>
          %dma_wait3A_110 = tpu.memref_squeeze %dma_wait3A_109 : memref<1x64xi32, #tpu.memory_space<vmem>> -> memref<64xi32, #tpu.memory_space<vmem>>
          %dma_wait3A_111 = arith.constant 0 : i32
          %dma_wait3A_112 = arith.constant 0 : i32
          %dma_wait3A_113 = tpu.memref_slice %arg21[%dma_wait3A_111, %dma_wait3A_112] : memref<10016x64xf32, #tpu.memory_space<vmem_shared>> -> memref<10016x64xf32, #tpu.memory_space<vmem_shared>>
          tpu.wait_indirect_dma semaphore(%run_scoped3A : memref<!tpu.dma_semaphore, #tpu.memory_space<semaphore_mem>>) src(%arg18 : memref<64x64xf32, #tpu.memory_space<vmem>>) dst(%dma_wait3A_113 : memref<10016x64xf32, #tpu.memory_space<vmem_shared>>)
          tpu.yield
        }) : () -> ()
        "tpu.region"() ({
          %run_scoped3A = tpu.sem_alloc : memref<!tpu.dma_semaphore, #tpu.memory_space<semaphore_mem>>
          %dma_start3A_102 = arith.constant 0 : i32
          %dma_start3A_103 = tpu.memref_slice %arg13[%add3A_85, %dma_start3A_102] : memref<158x64xi32, #tpu.memory_space<vmem>> -> memref<1x64xi32, #tpu.memory_space<vmem>>
          %dma_start3A_104 = tpu.memref_squeeze %dma_start3A_103 : memref<1x64xi32, #tpu.memory_space<vmem>> -> memref<64xi32, #tpu.memory_space<vmem>>
          %dma_start3A_105 = arith.constant 0 : i32
          %dma_start3A_106 = arith.constant 0 : i32
          %dma_start3A_107 = tpu.memref_slice %arg22[%dma_start3A_105, %dma_start3A_106] : memref<10016x8xf32, #tpu.memory_space<vmem_shared>> -> memref<10016x8xf32, #tpu.memory_space<vmem_shared>>
          tpu.enqueue_indirect_dma source(%arg19 : memref<64x8xf32, #tpu.memory_space<vmem>>) target(%dma_start3A_107 : memref<10016x8xf32, #tpu.memory_space<vmem_shared>>) offsets(%dma_start3A_104 : memref<64xi32, #tpu.memory_space<vmem>>) semaphore(%run_scoped3A : memref<!tpu.dma_semaphore, #tpu.memory_space<semaphore_mem>>) {add = true}
          %dma_wait3A_108 = arith.constant 0 : i32
          %dma_wait3A_109 = tpu.memref_slice %arg13[%add3A_85, %dma_wait3A_108] : memref<158x64xi32, #tpu.memory_space<vmem>> -> memref<1x64xi32, #tpu.memory_space<vmem>>
          %dma_wait3A_110 = tpu.memref_squeeze %dma_wait3A_109 : memref<1x64xi32, #tpu.memory_space<vmem>> -> memref<64xi32, #tpu.memory_space<vmem>>
          %dma_wait3A_111 = arith.constant 0 : i32
          %dma_wait3A_112 = arith.constant 0 : i32
          %dma_wait3A_113 = tpu.memref_slice %arg22[%dma_wait3A_111, %dma_wait3A_112] : memref<10016x8xf32, #tpu.memory_space<vmem_shared>> -> memref<10016x8xf32, #tpu.memory_space<vmem_shared>>
          tpu.wait_indirect_dma semaphore(%run_scoped3A : memref<!tpu.dma_semaphore, #tpu.memory_space<semaphore_mem>>) src(%arg19 : memref<64x8xf32, #tpu.memory_space<vmem>>) dst(%dma_wait3A_113 : memref<10016x8xf32, #tpu.memory_space<vmem_shared>>)
          tpu.yield
        }) : () -> ()
      } else {
      }
      %scan3A_95 = arith.constant 0 : i32
      scf.yield %scan3A_95 : i32
    }
    %scan3A_39 = arith.constant 79 : i32
    %barrier3A_40 = arith.constant 0 : index
    tpu.barrier barrier_id(%barrier3A_40)
    %scan3A_41 = arith.constant 0 : i32
    %scan3A_42 = arith.constant 0 : i32
    %scan3A_43 = arith.constant 9 : i32
    %scan3A_44 = arith.addi %scan3A_42, %scan3A_43 : i32
    %scan3A_45 = arith.constant 1 : i32
    %scan3A_46 = scf.for %scan3A_53 = %scan3A_42 to %scan3A_44 step %scan3A_45 iter_args(%scan3A_54 = %scan3A_41) -> (i32)  : i32 {
      %mul3A_55 = arith.constant 64 : i32
      %mul3A_56 = arith.muli %scan3A_53, %mul3A_55 : i32
      %add3A_57 = arith.addi %mul3A_2, %mul3A_56 : i32
      "tpu.region"() ({
        %run_scoped3A = tpu.sem_alloc : memref<!tpu.dma_semaphore, #tpu.memory_space<semaphore_mem>>
        %dma_start3A_59 = arith.constant 0 : i32
        %dma_start3A_60 = tpu.memref_slice %arg8[%arg0, %add3A_57, %dma_start3A_59] : memref<2x10016x64xf32, #tpu.memory_space<hbm>> -> memref<1x64x64xf32, #tpu.memory_space<hbm>>
        %dma_start3A_61 = tpu.memref_squeeze %dma_start3A_60 : memref<1x64x64xf32, #tpu.memory_space<hbm>> -> memref<64x64xf32, #tpu.memory_space<hbm>>
        %dma_start3A_62 = arith.constant 0 : i32
        %dma_start3A_63 = tpu.memref_slice %arg20[%add3A_57, %dma_start3A_62] : memref<10016x64xf32, #tpu.memory_space<vmem_shared>> -> memref<64x64xf32, #tpu.memory_space<vmem_shared>>
        tpu.enqueue_dma source(%dma_start3A_63 : memref<64x64xf32, #tpu.memory_space<vmem_shared>>) target(%dma_start3A_61 : memref<64x64xf32, #tpu.memory_space<hbm>>) target_semaphore(%run_scoped3A : memref<!tpu.dma_semaphore, #tpu.memory_space<semaphore_mem>>)
        %dma_wait3A = arith.constant 0 : i32
        %dma_wait3A_64 = tpu.memref_slice %arg8[%arg0, %add3A_57, %dma_wait3A] : memref<2x10016x64xf32, #tpu.memory_space<hbm>> -> memref<1x64x64xf32, #tpu.memory_space<hbm>>
        %dma_wait3A_65 = tpu.memref_squeeze %dma_wait3A_64 : memref<1x64x64xf32, #tpu.memory_space<hbm>> -> memref<64x64xf32, #tpu.memory_space<hbm>>
        %dma_wait3A_66 = arith.constant 0 : i32
        %dma_wait3A_67 = tpu.memref_slice %arg20[%add3A_57, %dma_wait3A_66] : memref<10016x64xf32, #tpu.memory_space<vmem_shared>> -> memref<64x64xf32, #tpu.memory_space<vmem_shared>>
        tpu.wait_dma2 semaphore(%run_scoped3A : memref<!tpu.dma_semaphore, #tpu.memory_space<semaphore_mem>>) src(%dma_wait3A_67 : memref<64x64xf32, #tpu.memory_space<vmem_shared>>) dst(%dma_wait3A_65 : memref<64x64xf32, #tpu.memory_space<hbm>>)
        tpu.yield
      }) : () -> ()
      %scan3A_58 = arith.constant 0 : i32
      scf.yield %scan3A_58 : i32
    }
    %scan3A_47 = arith.constant 9 : i32
    %add3A_48 = arith.constant 576 : i32
    %add3A_49 = arith.addi %mul3A_2, %add3A_48 : i32
    "tpu.region"() ({
      %run_scoped3A = tpu.sem_alloc : memref<!tpu.dma_semaphore, #tpu.memory_space<semaphore_mem>>
      %dma_start3A_53 = arith.constant 0 : i32
      %dma_start3A_54 = tpu.memref_slice %arg8[%arg0, %add3A_49, %dma_start3A_53] : memref<2x10016x64xf32, #tpu.memory_space<hbm>> -> memref<1x50x64xf32, #tpu.memory_space<hbm>>
      %dma_start3A_55 = tpu.memref_squeeze %dma_start3A_54 : memref<1x50x64xf32, #tpu.memory_space<hbm>> -> memref<50x64xf32, #tpu.memory_space<hbm>>
      %dma_start3A_56 = arith.constant 0 : i32
      %dma_start3A_57 = tpu.memref_slice %arg20[%add3A_49, %dma_start3A_56] : memref<10016x64xf32, #tpu.memory_space<vmem_shared>> -> memref<50x64xf32, #tpu.memory_space<vmem_shared>>
      tpu.enqueue_dma source(%dma_start3A_57 : memref<50x64xf32, #tpu.memory_space<vmem_shared>>) target(%dma_start3A_55 : memref<50x64xf32, #tpu.memory_space<hbm>>) target_semaphore(%run_scoped3A : memref<!tpu.dma_semaphore, #tpu.memory_space<semaphore_mem>>)
      %dma_wait3A = arith.constant 0 : i32
      %dma_wait3A_58 = tpu.memref_slice %arg8[%arg0, %add3A_49, %dma_wait3A] : memref<2x10016x64xf32, #tpu.memory_space<hbm>> -> memref<1x50x64xf32, #tpu.memory_space<hbm>>
      %dma_wait3A_59 = tpu.memref_squeeze %dma_wait3A_58 : memref<1x50x64xf32, #tpu.memory_space<hbm>> -> memref<50x64xf32, #tpu.memory_space<hbm>>
      %dma_wait3A_60 = arith.constant 0 : i32
      %dma_wait3A_61 = tpu.memref_slice %arg20[%add3A_49, %dma_wait3A_60] : memref<10016x64xf32, #tpu.memory_space<vmem_shared>> -> memref<50x64xf32, #tpu.memory_space<vmem_shared>>
      tpu.wait_dma2 semaphore(%run_scoped3A : memref<!tpu.dma_semaphore, #tpu.memory_space<semaphore_mem>>) src(%dma_wait3A_61 : memref<50x64xf32, #tpu.memory_space<vmem_shared>>) dst(%dma_wait3A_59 : memref<50x64xf32, #tpu.memory_space<hbm>>)
      tpu.yield
    }) : () -> ()
    %convert_element_type3A_50 = arith.extui %gt3A_5 : i1 to i32
    %cond3A_51 = arith.constant 0 : i32
    %cond3A_52 = arith.cmpi ne, %convert_element_type3A_50, %cond3A_51 : i32
    scf.if %cond3A_52 {
      %scan3A_53 = arith.constant 0 : i32
      %scan3A_54 = arith.constant 0 : i32
      %scan3A_55 = arith.constant 9 : i32
      %scan3A_56 = arith.addi %scan3A_54, %scan3A_55 : i32
      %scan3A_57 = arith.constant 1 : i32
      %scan3A_58 = scf.for %scan3A_62 = %scan3A_54 to %scan3A_56 step %scan3A_57 iter_args(%scan3A_63 = %scan3A_53) -> (i32)  : i32 {
        %mul3A_64 = arith.constant 64 : i32
        %mul3A_65 = arith.muli %scan3A_62, %mul3A_64 : i32
        %add3A_66 = arith.addi %mul3A_2, %mul3A_65 : i32
        "tpu.region"() ({
          %run_scoped3A = tpu.sem_alloc : memref<!tpu.dma_semaphore, #tpu.memory_space<semaphore_mem>>
          %dma_start3A_68 = arith.constant 0 : i32
          %dma_start3A_69 = tpu.memref_slice %arg9[%arg0, %add3A_66, %dma_start3A_68] : memref<2x10016x64xf32, #tpu.memory_space<hbm>> -> memref<1x64x64xf32, #tpu.memory_space<hbm>>
          %dma_start3A_70 = tpu.memref_squeeze %dma_start3A_69 : memref<1x64x64xf32, #tpu.memory_space<hbm>> -> memref<64x64xf32, #tpu.memory_space<hbm>>
          %dma_start3A_71 = arith.constant 0 : i32
          %dma_start3A_72 = tpu.memref_slice %arg21[%add3A_66, %dma_start3A_71] : memref<10016x64xf32, #tpu.memory_space<vmem_shared>> -> memref<64x64xf32, #tpu.memory_space<vmem_shared>>
          tpu.enqueue_dma source(%dma_start3A_72 : memref<64x64xf32, #tpu.memory_space<vmem_shared>>) target(%dma_start3A_70 : memref<64x64xf32, #tpu.memory_space<hbm>>) target_semaphore(%run_scoped3A : memref<!tpu.dma_semaphore, #tpu.memory_space<semaphore_mem>>)
          %dma_wait3A = arith.constant 0 : i32
          %dma_wait3A_73 = tpu.memref_slice %arg9[%arg0, %add3A_66, %dma_wait3A] : memref<2x10016x64xf32, #tpu.memory_space<hbm>> -> memref<1x64x64xf32, #tpu.memory_space<hbm>>
          %dma_wait3A_74 = tpu.memref_squeeze %dma_wait3A_73 : memref<1x64x64xf32, #tpu.memory_space<hbm>> -> memref<64x64xf32, #tpu.memory_space<hbm>>
          %dma_wait3A_75 = arith.constant 0 : i32
          %dma_wait3A_76 = tpu.memref_slice %arg21[%add3A_66, %dma_wait3A_75] : memref<10016x64xf32, #tpu.memory_space<vmem_shared>> -> memref<64x64xf32, #tpu.memory_space<vmem_shared>>
          tpu.wait_dma2 semaphore(%run_scoped3A : memref<!tpu.dma_semaphore, #tpu.memory_space<semaphore_mem>>) src(%dma_wait3A_76 : memref<64x64xf32, #tpu.memory_space<vmem_shared>>) dst(%dma_wait3A_74 : memref<64x64xf32, #tpu.memory_space<hbm>>)
          tpu.yield
        }) : () -> ()
        %scan3A_67 = arith.constant 0 : i32
        scf.yield %scan3A_67 : i32
      }
      %scan3A_59 = arith.constant 9 : i32
      %add3A_60 = arith.constant 576 : i32
      %add3A_61 = arith.addi %mul3A_2, %add3A_60 : i32
      "tpu.region"() ({
        %run_scoped3A = tpu.sem_alloc : memref<!tpu.dma_semaphore, #tpu.memory_space<semaphore_mem>>
        %dma_start3A_62 = arith.constant 0 : i32
        %dma_start3A_63 = tpu.memref_slice %arg9[%arg0, %add3A_61, %dma_start3A_62] : memref<2x10016x64xf32, #tpu.memory_space<hbm>> -> memref<1x50x64xf32, #tpu.memory_space<hbm>>
        %dma_start3A_64 = tpu.memref_squeeze %dma_start3A_63 : memref<1x50x64xf32, #tpu.memory_space<hbm>> -> memref<50x64xf32, #tpu.memory_space<hbm>>
        %dma_start3A_65 = arith.constant 0 : i32
        %dma_start3A_66 = tpu.memref_slice %arg21[%add3A_61, %dma_start3A_65] : memref<10016x64xf32, #tpu.memory_space<vmem_shared>> -> memref<50x64xf32, #tpu.memory_space<vmem_shared>>
        tpu.enqueue_dma source(%dma_start3A_66 : memref<50x64xf32, #tpu.memory_space<vmem_shared>>) target(%dma_start3A_64 : memref<50x64xf32, #tpu.memory_space<hbm>>) target_semaphore(%run_scoped3A : memref<!tpu.dma_semaphore, #tpu.memory_space<semaphore_mem>>)
        %dma_wait3A = arith.constant 0 : i32
        %dma_wait3A_67 = tpu.memref_slice %arg9[%arg0, %add3A_61, %dma_wait3A] : memref<2x10016x64xf32, #tpu.memory_space<hbm>> -> memref<1x50x64xf32, #tpu.memory_space<hbm>>
        %dma_wait3A_68 = tpu.memref_squeeze %dma_wait3A_67 : memref<1x50x64xf32, #tpu.memory_space<hbm>> -> memref<50x64xf32, #tpu.memory_space<hbm>>
        %dma_wait3A_69 = arith.constant 0 : i32
        %dma_wait3A_70 = tpu.memref_slice %arg21[%add3A_61, %dma_wait3A_69] : memref<10016x64xf32, #tpu.memory_space<vmem_shared>> -> memref<50x64xf32, #tpu.memory_space<vmem_shared>>
        tpu.wait_dma2 semaphore(%run_scoped3A : memref<!tpu.dma_semaphore, #tpu.memory_space<semaphore_mem>>) src(%dma_wait3A_70 : memref<50x64xf32, #tpu.memory_space<vmem_shared>>) dst(%dma_wait3A_68 : memref<50x64xf32, #tpu.memory_space<hbm>>)
        tpu.yield
      }) : () -> ()
      "tpu.region"() ({
        %run_scoped3A = tpu.sem_alloc : memref<!tpu.dma_semaphore, #tpu.memory_space<semaphore_mem>>
        %dma_start3A_62 = arith.constant 0 : i32
        %dma_start3A_63 = tpu.memref_slice %arg10[%arg0, %mul3A_2, %dma_start3A_62] : memref<2x10016x8xf32, #tpu.memory_space<hbm>> -> memref<1x626x8xf32, #tpu.memory_space<hbm>>
        %dma_start3A_64 = tpu.memref_squeeze %dma_start3A_63 : memref<1x626x8xf32, #tpu.memory_space<hbm>> -> memref<626x8xf32, #tpu.memory_space<hbm>>
        %dma_start3A_65 = arith.constant 0 : i32
        %dma_start3A_66 = tpu.memref_slice %arg22[%mul3A_2, %dma_start3A_65] : memref<10016x8xf32, #tpu.memory_space<vmem_shared>> -> memref<626x8xf32, #tpu.memory_space<vmem_shared>>
        tpu.enqueue_dma source(%dma_start3A_66 : memref<626x8xf32, #tpu.memory_space<vmem_shared>>) target(%dma_start3A_64 : memref<626x8xf32, #tpu.memory_space<hbm>>) target_semaphore(%run_scoped3A : memref<!tpu.dma_semaphore, #tpu.memory_space<semaphore_mem>>)
        %dma_wait3A = arith.constant 0 : i32
        %dma_wait3A_67 = tpu.memref_slice %arg10[%arg0, %mul3A_2, %dma_wait3A] : memref<2x10016x8xf32, #tpu.memory_space<hbm>> -> memref<1x626x8xf32, #tpu.memory_space<hbm>>
        %dma_wait3A_68 = tpu.memref_squeeze %dma_wait3A_67 : memref<1x626x8xf32, #tpu.memory_space<hbm>> -> memref<626x8xf32, #tpu.memory_space<hbm>>
        %dma_wait3A_69 = arith.constant 0 : i32
        %dma_wait3A_70 = tpu.memref_slice %arg22[%mul3A_2, %dma_wait3A_69] : memref<10016x8xf32, #tpu.memory_space<vmem_shared>> -> memref<626x8xf32, #tpu.memory_space<vmem_shared>>
        tpu.wait_dma2 semaphore(%run_scoped3A : memref<!tpu.dma_semaphore, #tpu.memory_space<semaphore_mem>>) src(%dma_wait3A_70 : memref<626x8xf32, #tpu.memory_space<vmem_shared>>) dst(%dma_wait3A_68 : memref<626x8xf32, #tpu.memory_space<hbm>>)
        tpu.yield
      }) : () -> ()
    } else {
    }
    return
  }
}

module attributes {stable_mosaic.version = 14 : i64} {
  func.func @body(%arg0: i32, %arg1: memref<2x2000x64xf32, #tpu.memory_space<vmem>>, %arg2: memref<2x2000x64xf32, #tpu.memory_space<vmem>>, %arg3: memref<2x2000x8xf32, #tpu.memory_space<vmem>>, %arg4: memref<2000x128xf32, #tpu.memory_space<vmem>>, %arg5: memref<64x128xf32, #tpu.memory_space<vmem>>, %arg6: memref<64x128xf32, #tpu.memory_space<vmem>>, %arg7: memref<1x128xf32, #tpu.memory_space<vmem>>, %arg8: memref<128x128xf32, #tpu.memory_space<vmem>>, %arg9: memref<128x64xf32, #tpu.memory_space<vmem>>, %arg10: memref<128x64xf32, #tpu.memory_space<vmem>>, %arg11: memref<2000x64xf32, #tpu.memory_space<vmem>>, %arg12: memref<2000x64xf32, #tpu.memory_space<vmem>>) attributes {dimension_semantics = [#tpu.dimension_semantics<arbitrary>], iteration_bounds = array<i64: 5>, scalar_prefetch = 0 : i64, scratch_operands = 0 : i64, tpu.core_type = #tpu.core_type<tc>, window_params = [{transform_indices = @transform_0, window_bounds = array<i64: 2, 2000, 64>}, {transform_indices = @transform_1, window_bounds = array<i64: 2, 2000, 64>}, {transform_indices = @transform_2, window_bounds = array<i64: 2, 2000, 8>}, {transform_indices = @transform_3, window_bounds = array<i64: 2000, 128>}, {pipeline_mode = #tpu.pipeline_mode<synchronous>, transform_indices = @transform_4, window_bounds = array<i64: 64, 128>}, {pipeline_mode = #tpu.pipeline_mode<synchronous>, transform_indices = @transform_5, window_bounds = array<i64: 64, 128>}, {pipeline_mode = #tpu.pipeline_mode<synchronous>, transform_indices = @transform_6, window_bounds = array<i64: 1, 128>}, {pipeline_mode = #tpu.pipeline_mode<synchronous>, transform_indices = @transform_7, window_bounds = array<i64: 128, 128>}, {pipeline_mode = #tpu.pipeline_mode<synchronous>, transform_indices = @transform_8, window_bounds = array<i64: 128, 64>}, {pipeline_mode = #tpu.pipeline_mode<synchronous>, transform_indices = @transform_9, window_bounds = array<i64: 128, 64>}, {transform_indices = @transform_10, window_bounds = array<i64: 2000, 64>}, {transform_indices = @transform_11, window_bounds = array<i64: 2000, 64>}]} {
    %get3A = arith.constant 0 : index
    %get3A_0 = arith.constant 0 : index
    %get3A_1 = arith.constant 0 : index
    %get3A_2 = vector.load %arg1[%get3A, %get3A_0, %get3A_1] : memref<2x2000x64xf32, #tpu.memory_space<vmem>>, vector<1x2000x64xf32>
    %get3A_3 = vector.shape_cast %get3A_2 : vector<1x2000x64xf32> to vector<2000x64xf32>
    %get3A_4 = arith.constant 1 : index
    %get3A_5 = arith.constant 0 : index
    %get3A_6 = arith.constant 0 : index
    %get3A_7 = vector.load %arg1[%get3A_4, %get3A_5, %get3A_6] : memref<2x2000x64xf32, #tpu.memory_space<vmem>>, vector<1x2000x64xf32>
    %get3A_8 = vector.shape_cast %get3A_7 : vector<1x2000x64xf32> to vector<2000x64xf32>
    %add3A = arith.addf %get3A_3, %get3A_8 : vector<2000x64xf32>
    %get3A_9 = arith.constant 0 : index
    %get3A_10 = arith.constant 0 : index
    %get3A_11 = arith.constant 0 : index
    %get3A_12 = vector.load %arg2[%get3A_9, %get3A_10, %get3A_11] : memref<2x2000x64xf32, #tpu.memory_space<vmem>>, vector<1x2000x64xf32>
    %get3A_13 = vector.shape_cast %get3A_12 : vector<1x2000x64xf32> to vector<2000x64xf32>
    %get3A_14 = arith.constant 1 : index
    %get3A_15 = arith.constant 0 : index
    %get3A_16 = arith.constant 0 : index
    %get3A_17 = vector.load %arg2[%get3A_14, %get3A_15, %get3A_16] : memref<2x2000x64xf32, #tpu.memory_space<vmem>>, vector<1x2000x64xf32>
    %get3A_18 = vector.shape_cast %get3A_17 : vector<1x2000x64xf32> to vector<2000x64xf32>
    %add3A_19 = arith.addf %get3A_13, %get3A_18 : vector<2000x64xf32>
    %get3A_20 = arith.constant 0 : index
    %get3A_21 = arith.constant 0 : index
    %get3A_22 = arith.constant 0 : index
    %get3A_23 = vector.load %arg3[%get3A_20, %get3A_21, %get3A_22] : memref<2x2000x8xf32, #tpu.memory_space<vmem>>, vector<1x2000x1xf32>
    %get3A_24 = vector.shape_cast %get3A_23 : vector<1x2000x1xf32> to vector<2000x1xf32>
    %get3A_25 = arith.constant 1 : index
    %get3A_26 = arith.constant 0 : index
    %get3A_27 = arith.constant 0 : index
    %get3A_28 = vector.load %arg3[%get3A_25, %get3A_26, %get3A_27] : memref<2x2000x8xf32, #tpu.memory_space<vmem>>, vector<1x2000x1xf32>
    %get3A_29 = vector.shape_cast %get3A_28 : vector<1x2000x1xf32> to vector<2000x1xf32>
    %add3A_30 = arith.addf %get3A_24, %get3A_29 : vector<2000x1xf32>
    %max3A = arith.constant 1.000000e+00 : f32
    %max3A_31 = vector.broadcast %max3A : f32 to vector<2000x1xf32>
    %max3A_32 = arith.maximumf %add3A_30, %max3A_31 : vector<2000x1xf32>
    %div3A = arith.constant 1.000000e+00 : f32
    %div3A_33 = vector.broadcast %div3A : f32 to vector<2000x1xf32>
    %div3A_34 = arith.divf %div3A_33, %max3A_32 : vector<2000x1xf32>
    %mul3A = vector.broadcast %div3A_34 : vector<2000x1xf32> to vector<2000x64xf32>
    %mul3A_35 = arith.mulf %add3A, %mul3A : vector<2000x64xf32>
    %get3A_36 = arith.constant 0 : index
    %get3A_37 = arith.constant 0 : index
    %get3A_38 = vector.load %arg5[%get3A_36, %get3A_37] : memref<64x128xf32, #tpu.memory_space<vmem>>, vector<64x128xf32>
    %dot_general3A = arith.constant dense<0.000000e+00> : vector<2000x128xf32>
    %dot_general3A_39 = tpu.matmul %mul3A_35, %get3A_38, %dot_general3A {dimension_numbers = #tpu.dot_dimension_numbers<[1], [0], [0], [1], [0, 0, 1, 1], [], []>, transpose_lhs_hint = false} : vector<2000x64xf32>, vector<64x128xf32>, vector<2000x128xf32> -> vector<2000x128xf32>
    %mul3A_40 = vector.broadcast %div3A_34 : vector<2000x1xf32> to vector<2000x64xf32>
    %mul3A_41 = arith.mulf %add3A_19, %mul3A_40 : vector<2000x64xf32>
    %get3A_42 = arith.constant 0 : index
    %get3A_43 = arith.constant 0 : index
    %get3A_44 = vector.load %arg6[%get3A_42, %get3A_43] : memref<64x128xf32, #tpu.memory_space<vmem>>, vector<64x128xf32>
    %dot_general3A_45 = arith.constant dense<0.000000e+00> : vector<2000x128xf32>
    %dot_general3A_46 = tpu.matmul %mul3A_41, %get3A_44, %dot_general3A_45 {dimension_numbers = #tpu.dot_dimension_numbers<[1], [0], [0], [1], [0, 0, 1, 1], [], []>, transpose_lhs_hint = false} : vector<2000x64xf32>, vector<64x128xf32>, vector<2000x128xf32> -> vector<2000x128xf32>
    %add3A_47 = arith.addf %dot_general3A_39, %dot_general3A_46 : vector<2000x128xf32>
    %get3A_48 = arith.constant 0 : index
    %get3A_49 = arith.constant 0 : index
    %get3A_50 = vector.load %arg7[%get3A_48, %get3A_49] : memref<1x128xf32, #tpu.memory_space<vmem>>, vector<1x128xf32>
    %add3A_51 = vector.broadcast %get3A_50 : vector<1x128xf32> to vector<2000x128xf32>
    %add3A_52 = arith.addf %add3A_47, %add3A_51 : vector<2000x128xf32>
    %get3A_53 = arith.constant 0 : index
    %get3A_54 = arith.constant 0 : index
    %get3A_55 = vector.load %arg4[%get3A_53, %get3A_54] : memref<2000x128xf32, #tpu.memory_space<vmem>>, vector<2000x128xf32>
    %get3A_56 = arith.constant 0 : index
    %get3A_57 = arith.constant 0 : index
    %get3A_58 = vector.load %arg8[%get3A_56, %get3A_57] : memref<128x128xf32, #tpu.memory_space<vmem>>, vector<128x128xf32>
    %dot_general3A_59 = arith.constant dense<0.000000e+00> : vector<2000x128xf32>
    %dot_general3A_60 = tpu.matmul %get3A_55, %get3A_58, %dot_general3A_59 {dimension_numbers = #tpu.dot_dimension_numbers<[1], [0], [0], [1], [0, 0, 1, 1], [], []>, transpose_lhs_hint = false} : vector<2000x128xf32>, vector<128x128xf32>, vector<2000x128xf32> -> vector<2000x128xf32>
    %add3A_61 = arith.addf %add3A_52, %dot_general3A_60 : vector<2000x128xf32>
    %max3A_62 = arith.constant 0.000000e+00 : f32
    %max3A_63 = vector.broadcast %max3A_62 : f32 to vector<2000x128xf32>
    %max3A_64 = arith.maximumf %add3A_61, %max3A_63 : vector<2000x128xf32>
    %get3A_65 = arith.constant 0 : index
    %get3A_66 = arith.constant 0 : index
    %get3A_67 = vector.load %arg9[%get3A_65, %get3A_66] : memref<128x64xf32, #tpu.memory_space<vmem>>, vector<128x64xf32>
    %dot_general3A_68 = arith.constant dense<0.000000e+00> : vector<2000x64xf32>
    %dot_general3A_69 = tpu.matmul %max3A_64, %get3A_67, %dot_general3A_68 {dimension_numbers = #tpu.dot_dimension_numbers<[1], [0], [0], [1], [0, 0, 1, 1], [], []>, transpose_lhs_hint = false} : vector<2000x128xf32>, vector<128x64xf32>, vector<2000x64xf32> -> vector<2000x64xf32>
    %swap3A = arith.constant 0 : index
    %swap3A_70 = arith.constant 0 : index
    %swap3A_71 = vector.load %arg11[%swap3A, %swap3A_70] : memref<2000x64xf32, #tpu.memory_space<vmem>>, vector<2000x64xf32>
    tpu.vector_store %arg11[%swap3A, %swap3A_70], %dot_general3A_69 {strides = array<i32>} : memref<2000x64xf32, #tpu.memory_space<vmem>>, vector<2000x64xf32>,
    %get3A_72 = arith.constant 0 : index
    %get3A_73 = arith.constant 0 : index
    %get3A_74 = vector.load %arg10[%get3A_72, %get3A_73] : memref<128x64xf32, #tpu.memory_space<vmem>>, vector<128x64xf32>
    %dot_general3A_75 = arith.constant dense<0.000000e+00> : vector<2000x64xf32>
    %dot_general3A_76 = tpu.matmul %max3A_64, %get3A_74, %dot_general3A_75 {dimension_numbers = #tpu.dot_dimension_numbers<[1], [0], [0], [1], [0, 0, 1, 1], [], []>, transpose_lhs_hint = false} : vector<2000x128xf32>, vector<128x64xf32>, vector<2000x64xf32> -> vector<2000x64xf32>
    %swap3A_77 = arith.constant 0 : index
    %swap3A_78 = arith.constant 0 : index
    %swap3A_79 = vector.load %arg12[%swap3A_77, %swap3A_78] : memref<2000x64xf32, #tpu.memory_space<vmem>>, vector<2000x64xf32>
    tpu.vector_store %arg12[%swap3A_77, %swap3A_78], %dot_general3A_76 {strides = array<i32>} : memref<2000x64xf32, #tpu.memory_space<vmem>>, vector<2000x64xf32>,
    return
  }
  func.func @transform_0(%arg0: i32) -> (i32, i32, i32) {
    %c0_i32 = arith.constant 0 : i32
    %c0_i32_0 = arith.constant 0 : i32
    %c0_i32_1 = arith.constant 0 : i32
    return %c0_i32, %arg0, %c0_i32_0 : i32, i32, i32
  }
  func.func @transform_1(%arg0: i32) -> (i32, i32, i32) {
    %c0_i32 = arith.constant 0 : i32
    %c0_i32_0 = arith.constant 0 : i32
    %c0_i32_1 = arith.constant 0 : i32
    return %c0_i32, %arg0, %c0_i32_0 : i32, i32, i32
  }
  func.func @transform_2(%arg0: i32) -> (i32, i32, i32) {
    %c0_i32 = arith.constant 0 : i32
    %c0_i32_0 = arith.constant 0 : i32
    %c0_i32_1 = arith.constant 0 : i32
    return %c0_i32, %arg0, %c0_i32_0 : i32, i32, i32
  }
  func.func @transform_3(%arg0: i32) -> (i32, i32) {
    %c0_i32 = arith.constant 0 : i32
    %c0_i32_0 = arith.constant 0 : i32
    return %arg0, %c0_i32 : i32, i32
  }
  func.func @transform_4(%arg0: i32) -> (i32, i32) {
    %c0_i32 = arith.constant 0 : i32
    %c0_i32_0 = arith.constant 0 : i32
    %c0_i32_1 = arith.constant 0 : i32
    return %c0_i32, %c0_i32_0 : i32, i32
  }
  func.func @transform_5(%arg0: i32) -> (i32, i32) {
    %c0_i32 = arith.constant 0 : i32
    %c0_i32_0 = arith.constant 0 : i32
    %c0_i32_1 = arith.constant 0 : i32
    return %c0_i32, %c0_i32_0 : i32, i32
  }
  func.func @transform_6(%arg0: i32) -> (i32, i32) {
    %c0_i32 = arith.constant 0 : i32
    %c0_i32_0 = arith.constant 0 : i32
    %c0_i32_1 = arith.constant 0 : i32
    return %c0_i32, %c0_i32_0 : i32, i32
  }
  func.func @transform_7(%arg0: i32) -> (i32, i32) {
    %c0_i32 = arith.constant 0 : i32
    %c0_i32_0 = arith.constant 0 : i32
    %c0_i32_1 = arith.constant 0 : i32
    return %c0_i32, %c0_i32_0 : i32, i32
  }
  func.func @transform_8(%arg0: i32) -> (i32, i32) {
    %c0_i32 = arith.constant 0 : i32
    %c0_i32_0 = arith.constant 0 : i32
    %c0_i32_1 = arith.constant 0 : i32
    return %c0_i32, %c0_i32_0 : i32, i32
  }
  func.func @transform_9(%arg0: i32) -> (i32, i32) {
    %c0_i32 = arith.constant 0 : i32
    %c0_i32_0 = arith.constant 0 : i32
    %c0_i32_1 = arith.constant 0 : i32
    return %c0_i32, %c0_i32_0 : i32, i32
  }
  func.func @transform_10(%arg0: i32) -> (i32, i32) {
    %c0_i32 = arith.constant 0 : i32
    %c0_i32_0 = arith.constant 0 : i32
    return %arg0, %c0_i32 : i32, i32
  }
  func.func @transform_11(%arg0: i32) -> (i32, i32) {
    %c0_i32 = arith.constant 0 : i32
    %c0_i32_0 = arith.constant 0 : i32
    return %arg0, %c0_i32 : i32, i32
  }
}

module attributes {stable_mosaic.version = 14 : i64} {
  func.func @body(%arg0: i32, %arg1: memref<2x2000x64xf32, #tpu.memory_space<vmem>>, %arg2: memref<2x2000x8xf32, #tpu.memory_space<vmem>>, %arg3: memref<2000x64xf32, #tpu.memory_space<vmem>>, %arg4: memref<1x64xf32, #tpu.memory_space<vmem>>, %arg5: memref<2000x64xf32, #tpu.memory_space<vmem>>) attributes {dimension_semantics = [#tpu.dimension_semantics<arbitrary>], iteration_bounds = array<i64: 5>, scalar_prefetch = 0 : i64, scratch_operands = 0 : i64, tpu.core_type = #tpu.core_type<tc>, window_params = [{transform_indices = @transform_0, window_bounds = array<i64: 2, 2000, 64>}, {transform_indices = @transform_1, window_bounds = array<i64: 2, 2000, 8>}, {transform_indices = @transform_2, window_bounds = array<i64: 2000, 64>}, {pipeline_mode = #tpu.pipeline_mode<synchronous>, transform_indices = @transform_3, window_bounds = array<i64: 1, 64>}, {transform_indices = @transform_4, window_bounds = array<i64: 2000, 64>}]} {
    %get3A = arith.constant 0 : index
    %get3A_0 = arith.constant 0 : index
    %get3A_1 = arith.constant 0 : index
    %get3A_2 = vector.load %arg1[%get3A, %get3A_0, %get3A_1] : memref<2x2000x64xf32, #tpu.memory_space<vmem>>, vector<1x2000x64xf32>
    %get3A_3 = vector.shape_cast %get3A_2 : vector<1x2000x64xf32> to vector<2000x64xf32>
    %get3A_4 = arith.constant 1 : index
    %get3A_5 = arith.constant 0 : index
    %get3A_6 = arith.constant 0 : index
    %get3A_7 = vector.load %arg1[%get3A_4, %get3A_5, %get3A_6] : memref<2x2000x64xf32, #tpu.memory_space<vmem>>, vector<1x2000x64xf32>
    %get3A_8 = vector.shape_cast %get3A_7 : vector<1x2000x64xf32> to vector<2000x64xf32>
    %add3A = arith.addf %get3A_3, %get3A_8 : vector<2000x64xf32>
    %get3A_9 = arith.constant 0 : index
    %get3A_10 = arith.constant 0 : index
    %get3A_11 = arith.constant 0 : index
    %get3A_12 = vector.load %arg2[%get3A_9, %get3A_10, %get3A_11] : memref<2x2000x8xf32, #tpu.memory_space<vmem>>, vector<1x2000x1xf32>
    %get3A_13 = vector.shape_cast %get3A_12 : vector<1x2000x1xf32> to vector<2000x1xf32>
    %get3A_14 = arith.constant 1 : index
    %get3A_15 = arith.constant 0 : index
    %get3A_16 = arith.constant 0 : index
    %get3A_17 = vector.load %arg2[%get3A_14, %get3A_15, %get3A_16] : memref<2x2000x8xf32, #tpu.memory_space<vmem>>, vector<1x2000x1xf32>
    %get3A_18 = vector.shape_cast %get3A_17 : vector<1x2000x1xf32> to vector<2000x1xf32>
    %add3A_19 = arith.addf %get3A_13, %get3A_18 : vector<2000x1xf32>
    %max3A = arith.constant 1.000000e+00 : f32
    %max3A_20 = vector.broadcast %max3A : f32 to vector<2000x1xf32>
    %max3A_21 = arith.maximumf %add3A_19, %max3A_20 : vector<2000x1xf32>
    %div3A = arith.constant 1.000000e+00 : f32
    %div3A_22 = vector.broadcast %div3A : f32 to vector<2000x1xf32>
    %div3A_23 = arith.divf %div3A_22, %max3A_21 : vector<2000x1xf32>
    %mul3A = vector.broadcast %div3A_23 : vector<2000x1xf32> to vector<2000x64xf32>
    %mul3A_24 = arith.mulf %add3A, %mul3A : vector<2000x64xf32>
    %get3A_25 = arith.constant 0 : index
    %get3A_26 = arith.constant 0 : index
    %get3A_27 = vector.load %arg4[%get3A_25, %get3A_26] : memref<1x64xf32, #tpu.memory_space<vmem>>, vector<1x64xf32>
    %add3A_28 = vector.broadcast %get3A_27 : vector<1x64xf32> to vector<2000x64xf32>
    %add3A_29 = arith.addf %mul3A_24, %add3A_28 : vector<2000x64xf32>
    %get3A_30 = arith.constant 0 : index
    %get3A_31 = arith.constant 0 : index
    %get3A_32 = vector.load %arg3[%get3A_30, %get3A_31] : memref<2000x64xf32, #tpu.memory_space<vmem>>, vector<2000x64xf32>
    %add3A_33 = arith.addf %add3A_29, %get3A_32 : vector<2000x64xf32>
    %logistic3A = arith.negf %add3A_33 : vector<2000x64xf32>
    %logistic3A_34 = math.exp %logistic3A : vector<2000x64xf32>
    %logistic3A_35 = arith.constant 1.000000e+00 : f32
    %logistic3A_36 = vector.broadcast %logistic3A_35 : f32 to vector<2000x64xf32>
    %logistic3A_37 = arith.addf %logistic3A_36, %logistic3A_34 : vector<2000x64xf32>
    %logistic3A_38 = arith.divf %logistic3A_36, %logistic3A_37 : vector<2000x64xf32>
    %swap3A = arith.constant 0 : index
    %swap3A_39 = arith.constant 0 : index
    %swap3A_40 = vector.load %arg5[%swap3A, %swap3A_39] : memref<2000x64xf32, #tpu.memory_space<vmem>>, vector<2000x64xf32>
    tpu.vector_store %arg5[%swap3A, %swap3A_39], %logistic3A_38 {strides = array<i32>} : memref<2000x64xf32, #tpu.memory_space<vmem>>, vector<2000x64xf32>,
    return
  }
  func.func @transform_0(%arg0: i32) -> (i32, i32, i32) {
    %c0_i32 = arith.constant 0 : i32
    %c0_i32_0 = arith.constant 0 : i32
    %c0_i32_1 = arith.constant 0 : i32
    return %c0_i32, %arg0, %c0_i32_0 : i32, i32, i32
  }
  func.func @transform_1(%arg0: i32) -> (i32, i32, i32) {
    %c0_i32 = arith.constant 0 : i32
    %c0_i32_0 = arith.constant 0 : i32
    %c0_i32_1 = arith.constant 0 : i32
    return %c0_i32, %arg0, %c0_i32_0 : i32, i32, i32
  }
  func.func @transform_2(%arg0: i32) -> (i32, i32) {
    %c0_i32 = arith.constant 0 : i32
    %c0_i32_0 = arith.constant 0 : i32
    return %arg0, %c0_i32 : i32, i32
  }
  func.func @transform_3(%arg0: i32) -> (i32, i32) {
    %c0_i32 = arith.constant 0 : i32
    %c0_i32_0 = arith.constant 0 : i32
    %c0_i32_1 = arith.constant 0 : i32
    return %c0_i32, %c0_i32_0 : i32, i32
  }
  func.func @transform_4(%arg0: i32) -> (i32, i32) {
    %c0_i32 = arith.constant 0 : i32
    %c0_i32_0 = arith.constant 0 : i32
    return %arg0, %c0_i32 : i32, i32
  }
}

</mosaic_0001>

<sc_bundles>
// kernel: kernel.6.cloned.1.call-start
scs
__scs_entry_jumppad:
0x0: {  	(pc) =	sbr.rel $0x88, $3  }
0x1: {  	(tag) =	ssettag $0x0;
	lr =	simm.s32 $0x1  }
0x2: {  	[smem:$0x3F99] =	sst lr;
	_ =	strace $0xD0000000  }
0x3: {  	_ = 	snop  }
0x4: {  	_ = 	snop  }
0x5: {  	_ = 	snop  }
0x6: {  	_ = 	snop  }
0x7: {  	_ = 	snop  }
__scs_overlays_trampoline_lowered:
0x8: {  	[smem:$0x3FA8] =	sst s0  }
0x9: {  	[smem:$0x3FA9] =	sst s1  }
0xa: {  	[smem:$0x3FAA] =	sst s2  }
0xb: {  	[smem:$0x3FAB] =	sst s3  }
0xc: {  	[smem:$0x3FAC] =	sst s4  }
0xd: {  	[smem:$0x3FAD] =	sst s5  }
0xe: {  	[smem:$0x3FAE] =	sst s6  }
0xf: {  	[smem:$0x3FAF] =	sst s7  }
0x10: {  	[smem:$0x3FB0] =	sst s8  }
0x11: {  	[smem:$0x3FB1] =	sst s9;
	s0 =	simm.s32 @!p0 $0x0  }
0x12: {  	s1 =	sld [smem:$0x3F97];
	s0 =	simm.s32 @p0 $0x1  }
0x13: {  	[smem:$0x3FB2] =	sst s0;
	s0 =	simm.s32 @!p1 $0x0  }
0x14: {  	s2 =	sld [smem:$0x3F96];
	s0 =	simm.s32 @p1 $0x1  }
0x15: {  	[smem:$0x3FB3] =	sst s0;
	s0 =	simm.s32 @!p2 $0x0  }
0x16: {  	s3 =	sld [smem:$0x3FDB];
	s0 =	simm.s32 @p2 $0x1  }
0x17: {  	s4 =	simm.s32 $0x1BF5;
	[smem:$0x3FB5] =	sst s0  }
0x18: {  	s0 =	sld [smem:$0x3F98];
	_ =	swait.ge [sflag:s4], $0x0  }
0x19: {  	s7 =	sld [smem:$0x3F99]  }
0x1a: {  	s8 =	sadd.s32 $0xFFFFE003, lr  }
0x1b: {  	s9 =	sadd.s32 $0xFFFFFEF7, lr;
	s5 =	simm.s32 $0xFFFFFFFF;
	p2 =	slt.u32 s8, $0xFFFFF086  }
0x1c: {  	p1 =	slt.u32 s9, $0xF7A;
	s5 =	simm.s32 @!p2 $0x0  }
0x1d: {  	s5 =	simm.s32 @p1 $0x1;
	p0 =	seq.s32 s7, s2  }
0x1e: {  	s7 =	smul.u32 @!p0 $0xF7A, s2;
	p2 =	seq.s32 @!p0 s5, $0x0  }
0x1f: {  	s9 =	smul.u32 $0xF7A, s1;
	s8 =	simm.s32 @!p0 $0x1BF5;
	p2 =	por !p2, p0  }
0x20: {  	[sflag:s8] =	ssyncset.s32 @!p0 $0xFFFFF086;
	s6 =	sadd.s32 @!p0 s3, s7;
	s7 =	simm.s32 @!p0 $0x108  }
0x21: {  	s3 =	sadd.s32 s3, s9;
	s6 =	sadd.s32 @!p0 $0x88, s6;
	s7 =	simm.s32 @p2 $0x1082  }
0x22: {  	[simem:s7], [sflag:s8] =	dma.local @!p0 [hbm:s6], $0xF7A  }
0x23: {  	s9 =	sor.u32 $0xD0000000, s2;
	s6 =	simm.s32 $0x108;
	_ =	swait.ge @!p0 [sflag:s8], $0x0  }
0x24: {  	s3 =	sadd.s32 $0x88, s3;
	s6 =	simm.s32 @!p1 $0x1082;
	[sflag:s4] =	ssyncset.s32 $0xFFFFF086  }
0x25: {  	[simem:s6], [sflag:s4] =	dma.local [hbm:s3], $0xF7A  }
0x26: {  	[smem:$0x3F99] =	sst s1;
	(tag) =	ssettag s2;
	_ =	strace s9  }
0x27: {  	s1 =	sld [smem:$0x3FA9]  }
0x28: {  	s2 =	sld [smem:$0x3FAA]  }
0x29: {  	s4 =	sld [smem:$0x3FAC]  }
0x2a: {  	p0 =	seq.s32 s5, $0x0;
	s5 =	sld [smem:$0x3FAD]  }
0x2b: {  	s6 =	sld [smem:$0x3FAE]  }
0x2c: {  	s7 =	sld [smem:$0x3FAF]  }
0x2d: {  	s3 =	simm.s32 $0x108;
	s8 =	sld [smem:$0x3FB0]  }
0x2e: {  	s3 =	simm.s32 @!p0 $0x1082;
	s9 =	sld [smem:$0x3FB1]  }
0x2f: {  	lr =	sadd.s32 s0, s3;
	s0 =	sld [smem:$0x3FA8]  }
0x30: {  	s3 =	sld [smem:$0x3FAB]  }
0x31: {  	[smem:$0x3FB4] =	sst s10  }
0x32: {  	s10 =	sld [smem:$0x3FB2];
	_ =	sdelay $0x3  }
0x33: {  	p0 =	seq.s32 s10, $0x1;
	s10 =	sld [smem:$0x3FB4];
	_ =	sdelay $0x3  }
0x34: {  	[smem:$0x3FB4] =	sst s10  }
0x35: {  	s10 =	sld [smem:$0x3FB3];
	_ =	sdelay $0x3  }
0x36: {  	p1 =	seq.s32 s10, $0x1;
	s10 =	sld [smem:$0x3FB4];
	_ =	sdelay $0x3  }
0x37: {  	[smem:$0x3FB4] =	sst s10  }
0x38: {  	s10 =	sld [smem:$0x3FB5]  }
0x39: {  	_ = 	snop;
	(pc) =	sbr.ind lr, $3  }
0x3a: {  	_ = 	snop  }
0x3b: {  	_ = 	snop  }
0x3c: {  	p2 =	seq.s32 s10, $0x1;
	s10 =	sld [smem:$0x3FB4]  }
0x3d: {  	_ =	shalt  }
0x3e: {  	_ =	shalt  }
0x3f: {  	_ =	shalt  }
0x40: {  	_ =	shalt  }
0x41: {  	_ =	shalt  }
0x42: {  	_ =	shalt  }
0x43: {  	_ =	shalt  }
0x44: {  	_ =	shalt  }
0x45: {  	_ =	shalt  }
0x46: {  	_ =	shalt  }
0x47: {  	_ =	shalt  }
0x48: {  	_ =	shalt  }
0x49: {  	_ =	shalt  }
0x4a: {  	_ =	shalt  }
0x4b: {  	_ =	shalt  }
0x4c: {  	_ =	shalt  }
0x4d: {  	_ =	shalt  }
0x4e: {  	_ =	shalt  }
0x4f: {  	_ =	shalt  }
0x50: {  	_ =	shalt  }
0x51: {  	_ =	shalt  }
0x52: {  	_ =	shalt  }
0x53: {  	_ =	shalt  }
0x54: {  	_ =	shalt  }
0x55: {  	_ =	shalt  }
0x56: {  	_ =	shalt  }
0x57: {  	_ =	shalt  }
0x58: {  	_ =	shalt  }
0x59: {  	_ =	shalt  }
0x5a: {  	_ =	shalt  }
0x5b: {  	_ =	shalt  }
0x5c: {  	_ =	shalt  }
0x5d: {  	_ =	shalt  }
0x5e: {  	_ =	shalt  }
0x5f: {  	_ =	shalt  }
0x60: {  	_ =	shalt  }
0x61: {  	_ =	shalt  }
0x62: {  	_ =	shalt  }
0x63: {  	_ =	shalt  }
0x64: {  	_ =	shalt  }
0x65: {  	_ =	shalt  }
0x66: {  	_ =	shalt  }
0x67: {  	_ =	shalt  }
0x68: {  	_ =	shalt  }
0x69: {  	_ =	shalt  }
0x6a: {  	_ =	shalt  }
0x6b: {  	_ =	shalt  }
0x6c: {  	_ =	shalt  }
0x6d: {  	_ =	shalt  }
0x6e: {  	_ =	shalt  }
0x6f: {  	_ =	shalt  }
0x70: {  	_ =	shalt  }
0x71: {  	_ =	shalt  }
0x72: {  	_ =	shalt  }
0x73: {  	_ =	shalt  }
0x74: {  	_ =	shalt  }
0x75: {  	_ =	shalt  }
0x76: {  	_ =	shalt  }
0x77: {  	_ =	shalt  }
0x78: {  	_ =	shalt  }
0x79: {  	_ =	shalt  }
0x7a: {  	_ =	shalt  }
0x7b: {  	_ =	shalt  }
0x7c: {  	_ =	shalt  }
0x7d: {  	_ =	shalt  }
0x7e: {  	_ =	shalt  }
0x7f: {  	_ =	shalt  }
0x80: {  	_ =	shalt  }
0x81: {  	_ =	shalt  }
0x82: {  	_ =	shalt  }
0x83: {  	_ =	shalt  }
0x84: {  	_ =	shalt  }
0x85: {  	_ =	shalt  }
0x86: {  	_ =	shalt  }
0x87: {  	_ =	shalt  }
.Lfunc_end0:
.L_simem_size_0:
called_computation_lowered:
.L_overlay_start_0:
0x88: {  	s2 =	sld [smem:$0x3FD9]  }
0x89: {  	s3 =	sld [smem:$0x3FFE];
	_ =	sdelay $0x1  }
0x8a: {  	s1 =	srdreg.scid  }
0x8b: {  	s0 =	sand.u32 $0x1, s1  }
0x8c: {  	s17 =	sshll.u32 s0, $0xA;
	s2 =	sadd.s32 s3, s2  }
0x8d: {  	s2 =	sadd.s32 s2, s17  }
0x8e: {  	[smem:$0x3FC0] =	sst s2  }
0x8f: {  	_ = 	snop  }
0x90: {  	s2 =	sld [smem:$0x3FD0];
	(tm) =	ssettm $0x1  }
0x91: {  	s18 =	sld [smem:$0x3FFB];
	_ =	sdelay $0x3  }
0x92: {  	_ =	strace s18  }
0x93: {  	s3 =	sld [smem:$0x3FFC];
	_ =	sdelay $0x3  }
0x94: {  	_ =	strace s3  }
0x95: {  	s3 =	sld [smem:$0x3FFD];
	_ =	sdelay $0x3  }
0x96: {  	_ =	strace s3  }
0x97: {  	_ =	strace $0x8FFFFFFF  }
0x98: {  	s19 =	sld [smem:$0x3FDB];
	_ =	sdelay $0x1  }
0x99: {  	s4 =	simm.s32 $_scs_section_size  }
0x9a: {  	s5 =	simm.s32 $_size__tile_overlayer_lowered;
	s6 =	simm.s32 $_tile_overlayer_lowered  }
0x9b: {  	s22 =	simm.s32 $0x1BFF;
	s21 =	sshll.u32 s6, $0x1;
	s3 =	sadd.s32 s4, s19  }
0x9c: {  	s7 =	simm.s32 $0x0;
	s20 =	sshll.u32 s5, $0x1;
	s5 =	sadd.s32 s21, s3  }
0x9d: {  	[timem:s7], [sflag:s22] =	dma.local [hbm:s5], s20  }
0x9e: {  	_ =	swait.ge [sflag:s22], s20  }
0x9f: {  	s4 =	ssub.s32 $0x0, s20;
	[sflag:s22] =	ssyncset.done $0x0  }
0xa0: {  	[sflag:s22] =	ssyncadd.s32 s4;
	_ =	sdelay $0x1  }
0xa1: {  	s23 =	simm.s32 $0x1B8B  }
0xa2: {  	_ =	swait.ge [sflag:s23], $0x1  }
0xa3: {  	[sflag:s23] =	ssyncset.done $0x0  }
0xa4: {  	s25 =	simm.s32 $0x1B8E;
	s24 =	sld [smem:$0x3FFE];
	[sflag:s23] =	ssyncadd.s32 $0xFFFFFFFF  }
0xa5: {  	s26 =	simm.s32 $execute0_lowered;
	[smem:$0x3FD2] =	sst s25  }
0xa6: {  	s5 =	sshll.u32 s26, $0x1;
	_ =	strace $0x80000046;
	[dreg:$0x1] =	wrdreg $0xFFFFFFFF  }
0xa7: {  	s28 =	simm.s32 $_size_execute0_lowered;
	s3 =	sadd.s32 s3, s5;
	[dreg:$0x0] =	wrdreg $0x0  }
0xa8: {  	s5 =	sshll.u32 s28, $0x1;
	[dreg:$0x2] =	wrdreg s3  }
0xa9: {  	[dreg:$0x3] =	wrdreg s5  }
0xaa: {  	[dreg:$0x4] =	wrdreg $0xC0  }
0xab: {  	_ =	task [dreg:s7], $0x5FFFF  }
0xac: {  	[dreg:$0x1] =	wrdreg $0xFFFFFFFF  }
0xad: {  	[dreg:$0x0] =	wrdreg $0x60  }
0xae: {  	[dreg:$0x2] =	wrdreg s2  }
0xaf: {  	[dreg:$0x3] =	wrdreg s24  }
0xb0: {  	[dreg:$0x4] =	wrdreg $0xA1100  }
0xb1: {  	[dreg:$0x5] =	wrdreg $0x13D900  }
0xb2: {  	[dreg:$0x6] =	wrdreg $0x1DA100  }
0xb3: {  	[dreg:$0x7] =	wrdreg $0x9  }
0xb4: {  	_ =	task.clear_ibuf [dreg:s7], $0x8FFFF;
	_ =	strace $0x90000046  }
0xb5: {  	s29 =	simm.s32 $0x9;
	_ =	strace $0x80000048  }
0xb6: {  	_ =	swait.ge [sflag:s29], $0x1  }
0xb7: {  	[sflag:s29] =	ssyncadd.s32 $0xFFFFFFFF  }
0xb8: {  	_ =	strace $0x90000048  }
0xb9: {  	_ =	sfence  }
0xba: {  	s30 =	sld [smem:$0x0];
	_ =	sdelay $0x2  }
0xbb: {  	s31 =	sshll.u32 s1, $0xD;
	s1 =	sshrl.u32 s1, $0x2  }
0xbc: {  	s3 =	sand.u32 $0x4000, s31;
	s1 =	sadd.s32 s1, s30  }
0xbd: {  	s0 =	sor.u32 s3, s0;
	s1 =	sshll.u32 s1, $0x11  }
0xbe: {  	s0 =	sor.u32 s1, s0  }
0xbf: {  	s0 =	sadd.s32 $0x8F2B, s0  }
0xc0: {  	[sflag:s0] =	ssyncadd.remote.s32 $0x1  }
0xc1: {  	_ =	sfence.sel $0xFFFF  }
0xc2: {  	[dreg:$0x0] =	wrdreg $0xFFFFFFFF;
	(pc) =	sbr.abs _section_cstart, $3  }
0xc3: {  	[dreg:$0x1] =	wrdreg $0xFFFFFFFF  }
0xc4: {  	_ =	task.clear_ibuf [dreg:s7], $0x2FFFF;
	_ =	strace $0x9FFFFFFF  }
0xc5: {  	(tm) =	ssettm $0x7FFFFFFF  }
tec
execute0_lowered:
.L_overlay_start_1:
0x0: {  	(tag) =	ssettag $0x1  }
0x1: {  	s28 =	stileid.u32;
	s0 =	srdreg.scid  }
0x2: {  	s2 =	rddreg [dreg:$0x1];
	s1 =	simm.s32 $0x0;
	s3 =	smul.u32 $0x272, s28  }
0x3: {  	s14 =	sand.u32 $0x1, s0;
	[smem:$0x7FF] =	sst s1;
	s16 =	sadd.s32 $0x56000, s2  }
0x4: {  	s17 =	sadd.s32 $0x2EE00, s2;
	s15 =	smul.u32 $0x9C800, s14;
	s0 =	sadd.s32 $0x240, s3  }
0x5: {  	s4 =	ssub.s32 $0x2, s14;
	s3 =	smul.u32 $0x9C80, s28;
	s10 =	sshll.u32 s0, $0x6  }
0x6: {  	s6 =	sshrl.u32 s4, $0x1;
	s0 =	sshll.u32 s0, $0x3;
	s5 =	sadd.s32 s15, s10  }
0x7: {  	s11 =	sadd.s32 s15, s3;
	s7 =	sshrl.u32 s5, $0x3;
	s5 =	ssub.s32 s4, s6  }
0x8: {  	s6 =	sadd.s32 $0x1000, s3;
	s4 =	sadd.s32 $0x2000, s3;
	s18 =	sshrl.u32 s11, $0x3  }
0x9: {  	s8 =	sadd.s32 s16, s7;
	s9 =	sadd.s32 s17, s7;
	s12 =	sadd.s32 s15, s6  }
0xa: {  	s7 =	sadd.s32 $0x5000, s3;
	s26 =	sadd.s32 s16, s18;
	[dreg:$0x6] =	wrdreg s8  }
0xb: {  	s18 =	sadd.s32 s17, s18;
	[dreg:$0x7] =	wrdreg s9;
	s8 =	sadd.s32 s15, s4  }
0xc: {  	s19 =	sshrl.u32 s12, $0x3;
	s9 =	sadd.s32 $0x4000, s3;
	[dreg:$0x8] =	wrdreg s26  }
0xd: {  	s12 =	sadd.s32 s15, s7;
	[dreg:$0x11] =	wrdreg s18;
	s20 =	sshrl.u32 s8, $0x3  }
0xe: {  	s8 =	sadd.s32 $0x3000, s3;
	s13 =	sadd.s32 s15, s9;
	s26 =	sadd.s32 s16, s19  }
0xf: {  	s23 =	sshrl.u32 s12, $0x3;
	s19 =	sadd.s32 s17, s19;
	[dreg:$0x9] =	wrdreg s26  }
0x10: {  	s12 =	sadd.s32 $0x6000, s3;
	s11 =	sadd.s32 s15, s8;
	[dreg:$0x12] =	wrdreg s19  }
0x11: {  	s22 =	sshrl.u32 s13, $0x3;
	s26 =	sadd.s32 s16, s20;
	s19 =	rddreg [dreg:$0x0]  }
0x12: {  	s20 =	sadd.s32 s17, s20;
	s21 =	sshrl.u32 s11, $0x3;
	[dreg:$0xa] =	wrdreg s26  }
0x13: {  	s24 =	sadd.s32 s15, s12;
	[dreg:$0x13] =	wrdreg s20;
	s26 =	sadd.s32 s16, s21  }
0x14: {  	s24 =	sshrl.u32 s24, $0x3;
	s21 =	sadd.s32 s17, s21;
	[dreg:$0xb] =	wrdreg s26  }
0x15: {  	s13 =	sadd.s32 $0x7000, s3;
	s18 =	sadd.s32 s17, s24;
	[dreg:$0x14] =	wrdreg s21  }
0x16: {  	s25 =	sadd.s32 s15, s13;
	s26 =	sadd.s32 s16, s22;
	[dreg:$0x17] =	wrdreg s18  }
0x17: {  	s25 =	sshrl.u32 s25, $0x3;
	s22 =	sadd.s32 s17, s22;
	[dreg:$0xc] =	wrdreg s26  }
0x18: {  	s11 =	sadd.s32 $0x8000, s3;
	s20 =	sadd.s32 s17, s25;
	[dreg:$0x15] =	wrdreg s22  }
0x19: {  	s15 =	sadd.s32 s15, s11;
	s21 =	smul.u32 $0x13900, s14;
	[dreg:$0x18] =	wrdreg s20  }
0x1a: {  	s14 =	sshll.u32 s14, $0x4;
	s26 =	sadd.s32 s16, s23;
	s22 =	rddreg [dreg:$0x2]  }
0x1b: {  	s14 =	sor.u32 s28, s14;
	[dreg:$0xd] =	wrdreg s26;
	s26 =	sadd.s32 s16, s24  }
0x1c: {  	s15 =	sshrl.u32 s15, $0x3;
	s14 =	smul.u32 $0x4F0, s14;
	[dreg:$0xe] =	wrdreg s26  }
0x1d: {  	s24 =	smul.u32 $0x4E40, s28;
	s26 =	sadd.s32 s16, s25;
	s25 =	rddreg [dreg:$0x3]  }
0x1e: {  	s30 =	sadd.s32 s10, s22;
	s16 =	sadd.s32 s16, s15;
	[dreg:$0xf] =	wrdreg s26  }
0x1f: {  	s15 =	sadd.s32 s17, s15;
	[dreg:$0x10] =	wrdreg s16;
	s16 =	smul.u32 $0x1390, s28  }
0x20: {  	s26 =	sadd.s32 s17, s23;
	[dreg:$0x19] =	wrdreg s15;
	s23 =	smul.u32 $0x27200, s28  }
0x21: {  	s14 =	sadd.s32 s14, s2;
	s31 =	sadd.s32 s10, s25;
	[dreg:$0x16] =	wrdreg s26  }
0x22: {  	s26 =	rddreg [dreg:$0x4];
	s10 =	sadd.s32 $0x16000, s14;
	s14 =	sadd.s32 $0x1FE00, s14  }
0x23: {  	_ =	strace $0x80000047;
	s15 =	sadd.s32 s16, s21;
	[smem:$0x7D2] =	sst s10  }
0x24: {  	s17 =	sshrl.u32 s23, $0x2;
	s0 =	sadd.s32 s0, s26;
	[smem:$0x7D3] =	sst s14  }
0x25: {  	s21 =	sshrl.u32 s24, $0x2;
	s23 =	sadd.s32 $0x29C00, s2;
	[dreg:$0x1c] =	wrdreg s0  }
0x26: {  	s24 =	sadd.s32 $0x15E00, s2;
	s10 =	sadd.s32 s9, s25;
	[dreg:$0x1d] =	wrdreg s23  }
0x27: {  	s14 =	sadd.s32 s7, s22;
	s7 =	sadd.s32 s7, s25;
	[dreg:$0x1e] =	wrdreg s24  }
0x28: {  	s28 =	sadd.s32 s17, s22;
	s20 =	sadd.s32 s17, s25;
	[smem:$0x7DB] =	sst s10  }
0x29: {  	s17 =	sadd.s32 s21, s26;
	s21 =	sadd.s32 s16, s26;
	[smem:$0x7DC] =	sst s7  }
0x2a: {  	s23 =	smax.u32 s5, $0x1;
	[smem:$0x7D5] =	sst s21  }
0x2b: {  	s24 =	sadd.s32 s6, s22;
	s6 =	sadd.s32 s6, s25;
	[smem:$0x7D6] =	sst s23  }
0x2c: {  	s5 =	sadd.s32 s4, s22;
	s4 =	sadd.s32 s4, s25;
	[smem:$0x7D8] =	sst s6  }
0x2d: {  	s16 =	sadd.s32 s12, s25;
	[smem:$0x7D9] =	sst s4  }
0x2e: {  	[smem:$0x7DD] =	sst s16  }
0x2f: {  	s15 =	sshrl.u32 s15, $0x3;
	s0 =	sadd.s32 $0x2400, s2;
	[dreg:$0x1a] =	wrdreg s20  }
0x30: {  	s15 =	sadd.s32 s15, s2;
	s2 =	sadd.s32 $0x15E40, s2;
	[dreg:$0x1b] =	wrdreg s17  }
0x31: {  	s4 =	sadd.s32 s8, s22;
	s8 =	sadd.s32 s8, s25;
	[dreg:$0x1f] =	wrdreg s2  }
0x32: {  	s21 =	sadd.s32 s13, s25;
	[smem:$0x7DA] =	sst s8  }
0x33: {  	s23 =	sadd.s32 s11, s22;
	s11 =	sadd.s32 s11, s25;
	[smem:$0x7DE] =	sst s21  }
0x34: {  	s24 =	sshrl.u32 s24, $0x3;
	[smem:$0x7DF] =	sst s11  }
0x35: {  	s16 =	sadd.s32 $0x1000, s28;
	[smem:$0x7E1] =	sst s24  }
0x36: {  	s10 =	sadd.s32 $0x5000, s20;
	[smem:$0x7E9] =	sst s16  }
0x37: {  	s6 =	sadd.s32 s9, s22;
	s18 =	sadd.s32 $0x29E00, s15;
	[smem:$0x7F2] =	sst s10  }
0x38: {  	s2 =	sadd.s32 s3, s22;
	s3 =	sadd.s32 s3, s25;
	[smem:$0x7D4] =	sst s18  }
0x39: {  	s11 =	sshrl.u32 s6, $0x3;
	[smem:$0x7D7] =	sst s3  }
0x3a: {  	s15 =	sadd.s32 s12, s22;
	s12 =	sshrl.u32 s14, $0x3;
	[smem:$0x7E4] =	sst s11  }
0x3b: {  	s21 =	sadd.s32 $0x3000, s28;
	[smem:$0x7E5] =	sst s12  }
0x3c: {  	s24 =	sadd.s32 $0x5000, s28;
	[smem:$0x7EB] =	sst s21  }
0x3d: {  	s6 =	sadd.s32 $0x4000, s20;
	[smem:$0x7ED] =	sst s24  }
0x3e: {  	s16 =	sadd.s32 $0x600, s17;
	[smem:$0x7F1] =	sst s6  }
0x3f: {  	s2 =	sshrl.u32 s2, $0x3;
	[smem:$0x7F8] =	sst s16  }
0x40: {  	s3 =	sshrl.u32 s5, $0x3;
	[smem:$0x7E0] =	sst s2  }
0x41: {  	s5 =	sshrl.u32 s4, $0x3;
	[smem:$0x7E2] =	sst s3  }
0x42: {  	s18 =	sadd.s32 s13, s22;
	s13 =	sshrl.u32 s15, $0x3;
	[smem:$0x7E3] =	sst s5  }
0x43: {  	s15 =	sshrl.u32 s23, $0x3;
	[smem:$0x7E6] =	sst s13  }
0x44: {  	s23 =	sadd.s32 $0x4000, s28;
	[smem:$0x7E8] =	sst s15  }
0x45: {  	s4 =	sadd.s32 $0x2000, s20;
	[smem:$0x7EC] =	sst s23  }
0x46: {  	s11 =	sadd.s32 $0x6000, s20;
	[smem:$0x7EF] =	sst s4  }
0x47: {  	s12 =	sadd.s32 $0x7000, s20;
	[smem:$0x7F3] =	sst s11  }
0x48: {  	s29 =	simm.s32 $0x0;
	s21 =	sadd.s32 $0xC00, s17;
	[smem:$0x7F4] =	sst s12  }
0x49: {  	s7 =	sadd.s32 $0x6000, s28;
	s24 =	sadd.s32 $0x1000, s17;
	[smem:$0x7FB] =	sst s21  }
0x4a: {  	s9 =	sadd.s32 $0x8000, s28;
	s14 =	sshrl.u32 s18, $0x3;
	[smem:$0x7FD] =	sst s24  }
0x4b: {  	s8 =	sadd.s32 $0x7000, s28;
	s18 =	sadd.s32 $0x2000, s28;
	[smem:$0x7E7] =	sst s14  }
0x4c: {  	s10 =	simm.s32 $0x5;
	s3 =	sadd.s32 $0x1000, s20;
	[smem:$0x7EA] =	sst s18  }
0x4d: {  	s16 =	simm.s32 $0x6F10;
	s5 =	sadd.s32 $0x3000, s20;
	[smem:$0x7EE] =	sst s3  }
0x4e: {  	s13 =	sadd.s32 $0x8000, s20;
	s15 =	sadd.s32 $0x400, s17;
	[smem:$0x7F0] =	sst s5  }
0x4f: {  	s20 =	sadd.s32 $0xA00, s17;
	s23 =	sadd.s32 $0xE00, s17;
	[smem:$0x7F5] =	sst s13  }
0x50: {  	s11 =	simm.s32 $0x4F10;
	s12 =	simm.s32 $0x9F10;
	[smem:$0x7F7] =	sst s15  }
.Ltmp0:
0x51: {  	s21 =	simm.s32 $0x7F10;
	[smem:$0x7FA] =	sst s20;
	(pc) =	sbr.rel .LBB2_1-.Ltmp0, $4  }
0x52: {  	s14 =	sadd.s32 $0x200, s17;
	s18 =	sadd.s32 $0x800, s17;
	[smem:$0x7FC] =	sst s23  }
0x53: {  	s13 =	simm.s32 $0x10;
	s15 =	simm.s32 $0x5F10;
	s17 =	simm.s32 $0x1  }
0x54: {  	s20 =	simm.s32 $0x3;
	s23 =	simm.s32 $0x2;
	[smem:$0x7F6] =	sst s14  }
0x55: {  	v0 =	vimm.f32 $0.0e+00;
	[smem:$0x7F9] =	sst s18;
	s14 =	simm.s32 $0x40;
	s18 =	simm.s32 $0x6  }
.LBB2_12:
0x56: {  	[bflag:$0x0] =	sbarrier.arrive $0xFFFF  }
0x57: {  	s2 =	stileid.u32;
	s4 =	sld [smem:$0x7E0]  }
0x58: {  	s2 =	sshll.u32 s2, $0x6  }
0x59: {  	s3 =	rddreg [dreg:$0x8];
	s2 =	sor.u32 $0x1C05, s2  }
0x5a: {  	[hbm:s3], [sflag:s2] =	dma.local [spmem:s4], $0x200  }
0x5b: {  	_ =	swait.ge [sflag:s10], $0x200  }
0x5c: {  	s5 =	sld [smem:$0x7E1]  }
0x5d: {  	[sflag:s10] =	ssyncset.done $0x0  }
0x5e: {  	s4 =	rddreg [dreg:$0x9];
	[sflag:s10] =	ssyncadd.s32 $0xFFFFFE00  }
0x5f: {  	[hbm:s4], [sflag:s2] =	dma.local [spmem:s5], $0x200  }
0x60: {  	_ =	swait.ge [sflag:s10], $0x200  }
0x61: {  	s24 =	sld [smem:$0x7E2]  }
0x62: {  	[sflag:s10] =	ssyncset.done $0x0  }
0x63: {  	s6 =	rddreg [dreg:$0xa];
	[sflag:s10] =	ssyncadd.s32 $0xFFFFFE00  }
0x64: {  	[hbm:s6], [sflag:s2] =	dma.local [spmem:s24], $0x200  }
0x65: {  	_ =	swait.ge [sflag:s10], $0x200  }
0x66: {  	s5 =	sld [smem:$0x7E3]  }
0x67: {  	[sflag:s10] =	ssyncset.done $0x0  }
0x68: {  	s4 =	rddreg [dreg:$0xb];
	[sflag:s10] =	ssyncadd.s32 $0xFFFFFE00  }
0x69: {  	[hbm:s4], [sflag:s2] =	dma.local [spmem:s5], $0x200  }
0x6a: {  	_ =	swait.ge [sflag:s10], $0x200  }
0x6b: {  	s24 =	sld [smem:$0x7E4]  }
0x6c: {  	[sflag:s10] =	ssyncset.done $0x0  }
0x6d: {  	s6 =	rddreg [dreg:$0xc];
	[sflag:s10] =	ssyncadd.s32 $0xFFFFFE00  }
0x6e: {  	[hbm:s6], [sflag:s2] =	dma.local [spmem:s24], $0x200  }
0x6f: {  	_ =	swait.ge [sflag:s10], $0x200  }
0x70: {  	s5 =	sld [smem:$0x7E5]  }
0x71: {  	[sflag:s10] =	ssyncset.done $0x0  }
0x72: {  	s4 =	rddreg [dreg:$0xd];
	[sflag:s10] =	ssyncadd.s32 $0xFFFFFE00  }
0x73: {  	[hbm:s4], [sflag:s2] =	dma.local [spmem:s5], $0x200  }
0x74: {  	_ =	swait.ge [sflag:s10], $0x200  }
0x75: {  	s24 =	sld [smem:$0x7E6]  }
0x76: {  	[sflag:s10] =	ssyncset.done $0x0  }
0x77: {  	s6 =	rddreg [dreg:$0xe];
	[sflag:s10] =	ssyncadd.s32 $0xFFFFFE00  }
0x78: {  	[hbm:s6], [sflag:s2] =	dma.local [spmem:s24], $0x200  }
0x79: {  	_ =	swait.ge [sflag:s10], $0x200  }
0x7a: {  	s5 =	sld [smem:$0x7E7]  }
0x7b: {  	[sflag:s10] =	ssyncset.done $0x0  }
0x7c: {  	s4 =	rddreg [dreg:$0xf];
	[sflag:s10] =	ssyncadd.s32 $0xFFFFFE00  }
0x7d: {  	[hbm:s4], [sflag:s2] =	dma.local [spmem:s5], $0x200  }
0x7e: {  	_ =	swait.ge [sflag:s10], $0x200  }
0x7f: {  	s24 =	sld [smem:$0x7E8]  }
0x80: {  	[sflag:s10] =	ssyncset.done $0x0  }
0x81: {  	s6 =	rddreg [dreg:$0x10];
	[sflag:s10] =	ssyncadd.s32 $0xFFFFFE00  }
0x82: {  	[hbm:s6], [sflag:s2] =	dma.local [spmem:s24], $0x200  }
0x83: {  	_ =	swait.ge [sflag:s10], $0x200  }
0x84: {  	[sflag:s10] =	ssyncset.done $0x0  }
0x85: {  	s5 =	sshrl.u32 s30, $0x3;
	s6 =	rddreg [dreg:$0x6];
	[sflag:s10] =	ssyncadd.s32 $0xFFFFFE00  }
0x86: {  	[hbm:s6], [sflag:s2] =	dma.local [spmem:s5], $0x190  }
0x87: {  	_ =	swait.ge [sflag:s10], $0x190  }
0x88: {  	s3 =	sld [smem:$0x7D7];
	_ =	sdelay $0x1  }
0x89: {  	[sflag:s10] =	ssyncset.done $0x0  }
0x8a: {  	s4 =	rddreg [dreg:$0x11];
	[sflag:s10] =	ssyncadd.s32 $0xFFFFFE70;
	s3 =	sshrl.u32 @!p0 s3, $0x3  }
0x8b: {  	[hbm:s4], [sflag:s2] =	dma.local @!p0 [spmem:s3], $0x200  }
0x8c: {  	s3 =	simm.s32 @!p0 $0x5  }
0x8d: {  	_ =	swait.ge @!p0 [sflag:s3], $0x200  }
0x8e: {  	s4 =	sld [smem:$0x7D8];
	_ =	sdelay $0x1  }
0x8f: {  	[sflag:s3] =	ssyncset.done @!p0 $0x0  }
0x90: {  	s5 =	rddreg [dreg:$0x12];
	[sflag:s3] =	ssyncadd.s32 @!p0 $0xFFFFFE00;
	s4 =	sshrl.u32 @!p0 s4, $0x3  }
0x91: {  	[hbm:s5], [sflag:s2] =	dma.local @!p0 [spmem:s4], $0x200  }
0x92: {  	_ =	swait.ge @!p0 [sflag:s3], $0x200  }
0x93: {  	s4 =	sld [smem:$0x7D9];
	_ =	sdelay $0x1  }
0x94: {  	[sflag:s3] =	ssyncset.done @!p0 $0x0  }
0x95: {  	s5 =	rddreg [dreg:$0x13];
	[sflag:s3] =	ssyncadd.s32 @!p0 $0xFFFFFE00;
	s4 =	sshrl.u32 @!p0 s4, $0x3  }
0x96: {  	[hbm:s5], [sflag:s2] =	dma.local @!p0 [spmem:s4], $0x200  }
0x97: {  	_ =	swait.ge @!p0 [sflag:s3], $0x200  }
0x98: {  	s4 =	sld [smem:$0x7DA];
	_ =	sdelay $0x1  }
0x99: {  	[sflag:s3] =	ssyncset.done @!p0 $0x0  }
0x9a: {  	s5 =	rddreg [dreg:$0x14];
	[sflag:s3] =	ssyncadd.s32 @!p0 $0xFFFFFE00;
	s4 =	sshrl.u32 @!p0 s4, $0x3  }
0x9b: {  	[hbm:s5], [sflag:s2] =	dma.local @!p0 [spmem:s4], $0x200  }
0x9c: {  	_ =	swait.ge @!p0 [sflag:s3], $0x200  }
0x9d: {  	s4 =	sld [smem:$0x7DB];
	_ =	sdelay $0x1  }
0x9e: {  	[sflag:s3] =	ssyncset.done @!p0 $0x0  }
0x9f: {  	s5 =	rddreg [dreg:$0x15];
	[sflag:s3] =	ssyncadd.s32 @!p0 $0xFFFFFE00;
	s4 =	sshrl.u32 @!p0 s4, $0x3  }
0xa0: {  	[hbm:s5], [sflag:s2] =	dma.local @!p0 [spmem:s4], $0x200  }
0xa1: {  	_ =	swait.ge @!p0 [sflag:s3], $0x200  }
0xa2: {  	s4 =	sld [smem:$0x7DC];
	_ =	sdelay $0x1  }
0xa3: {  	[sflag:s3] =	ssyncset.done @!p0 $0x0  }
0xa4: {  	s5 =	rddreg [dreg:$0x16];
	[sflag:s3] =	ssyncadd.s32 @!p0 $0xFFFFFE00;
	s4 =	sshrl.u32 @!p0 s4, $0x3  }
0xa5: {  	[hbm:s5], [sflag:s2] =	dma.local @!p0 [spmem:s4], $0x200  }
0xa6: {  	_ =	swait.ge @!p0 [sflag:s3], $0x200  }
0xa7: {  	s4 =	sld [smem:$0x7DD];
	_ =	sdelay $0x1  }
0xa8: {  	[sflag:s3] =	ssyncset.done @!p0 $0x0  }
0xa9: {  	s5 =	rddreg [dreg:$0x17];
	[sflag:s3] =	ssyncadd.s32 @!p0 $0xFFFFFE00;
	s4 =	sshrl.u32 @!p0 s4, $0x3  }
0xaa: {  	[hbm:s5], [sflag:s2] =	dma.local @!p0 [spmem:s4], $0x200  }
0xab: {  	_ =	swait.ge @!p0 [sflag:s3], $0x200  }
0xac: {  	s4 =	sld [smem:$0x7DE];
	_ =	sdelay $0x1  }
0xad: {  	[sflag:s3] =	ssyncset.done @!p0 $0x0  }
0xae: {  	s5 =	rddreg [dreg:$0x18];
	[sflag:s3] =	ssyncadd.s32 @!p0 $0xFFFFFE00;
	s4 =	sshrl.u32 @!p0 s4, $0x3  }
0xaf: {  	[hbm:s5], [sflag:s2] =	dma.local @!p0 [spmem:s4], $0x200  }
0xb0: {  	_ =	swait.ge @!p0 [sflag:s3], $0x200  }
0xb1: {  	s4 =	sld [smem:$0x7DF];
	_ =	sdelay $0x1  }
0xb2: {  	[sflag:s3] =	ssyncset.done @!p0 $0x0  }
0xb3: {  	s5 =	rddreg [dreg:$0x19];
	[sflag:s3] =	ssyncadd.s32 @!p0 $0xFFFFFE00;
	s4 =	sshrl.u32 @!p0 s4, $0x3  }
0xb4: {  	[hbm:s5], [sflag:s2] =	dma.local @!p0 [spmem:s4], $0x200  }
0xb5: {  	_ =	swait.ge @!p0 [sflag:s3], $0x200  }
0xb6: {  	[sflag:s3] =	ssyncset.done @!p0 $0x0  }
0xb7: {  	s4 =	sshrl.u32 @!p0 s31, $0x3;
	s5 =	rddreg [dreg:$0x7];
	[sflag:s3] =	ssyncadd.s32 @!p0 $0xFFFFFE00  }
0xb8: {  	[hbm:s5], [sflag:s2] =	dma.local @!p0 [spmem:s4], $0x190  }
0xb9: {  	_ =	swait.ge @!p0 [sflag:s3], $0x190  }
0xba: {  	s4 =	sld [smem:$0x7D5]  }
0xbb: {  	s5 =	sld [smem:$0x7D4]  }
0xbc: {  	[sflag:s3] =	ssyncset.done @!p0 $0x0  }
0xbd: {  	[sflag:s3] =	ssyncadd.s32 @!p0 $0xFFFFFE70;
	s4 =	sshrl.u32 @!p0 s4, $0x3  }
0xbe: {  	[hbm:s5], [sflag:s2] =	dma.local @!p0 [spmem:s4], $0x272  }
0xbf: {  	_ =	swait.ge @!p0 [sflag:s3], $0x272  }
0xc0: {  	s24 =	sld [smem:$0x7D6];
	_ =	sdelay $0x1  }
0xc1: {  	s29 =	sadd.s32 $0x1, s29  }
0xc2: {  	p1 =	sne.s32 s29, s24  }
.Ltmp1:
0xc3: {  	_ = 	snop;
	(pc) =	sbr.rel @!p1 .LBB2_13-.Ltmp1, $3  }
0xc4: {  	_ =	sdelay $0x1  }
0xc5: {  	[sflag:s3] =	ssyncset.done @!p0 $0x0  }
0xc6: {  	[sflag:s3] =	ssyncadd.s32 @!p0 $0xFFFFFD8E  }
.LBB2_1:
0xc7: {  	s2 =	rddreg [dreg:$0x1d]  }
0xc8: {  	[tilespmem:s1], [sflag:$0x5] =	stream.linear.gather [hbm4b:s2+s1], $0x10, $0x38;
	[tilespmem:$0x1EDA0] =	vst v63  }
0xc9: {  	_ =	swait.ge [sflag:s10], $0x10  }
0xca: {  	s24 =	sand.u32 $0x3F00, s1;
	[sflag:s10] =	ssyncset.done $0x0  }
0xcb: {  	s3 =	sand.u32 $0x30, s1;
	s4 =	sshrl.u32 s24, $0x2;
	[sflag:s10] =	ssyncadd.s32 $0xFFFFFFF0  }
0xcc: {  	s2 =	simm.s32 $0x40;
	s4 =	sor.u32 s3, s4;
	s3 =	simm.s32 $0x0;
	v1 =	vld [tilespmem:$0x0]  }
.LBB2_2:
0xcd: {  	p0 =	sne.s32 s2, $0x3FC0  }
0xce: {  	[tilespmem:s4+$0x4F10] =	vst v0;
	s3 =	sadd.s32 $0x10, s3;
	s4 =	smov.u32 s2;
	s2 =	sadd.s32 $0x40, s2  }
.Ltmp2:
0xcf: {  	(pc) =	sbr.rel @p0 .LBB2_2-.Ltmp2, $4  }
0xd0: {  	_ = 	snop  }
0xd1: {  	s4 =	sand.u32 $0x3F00, s4  }
0xd2: {  	s5 =	sand.u32 $0x30, s3;
	s4 =	sshrl.u32 s4, $0x2  }
0xd3: {  	s4 =	sor.u32 s5, s4  }
0xd4: {  	[tilespmem:s4+$0x4F10] =	vst v0  }
0xd5: {  	[spmem:s28] =	stream.linear.scatter [tilespmem:s11], [sflag:$0x5], $0x1000, $0x38;
	[tilespmem:$0x1EDA0] =	vst v63  }
0xd6: {  	_ =	swait.ge [sflag:s10], $0x1000  }
0xd7: {  	s2 =	sld [smem:$0x7E9]  }
0xd8: {  	[sflag:s10] =	ssyncset.done $0x0  }
0xd9: {  	[sflag:s10] =	ssyncadd.s32 $0xFFFFF000  }
0xda: {  	[spmem:s2] =	stream.linear.scatter [tilespmem:s11], [sflag:$0x5], $0x1000, $0x38;
	[tilespmem:$0x1EDA0] =	vst v63  }
0xdb: {  	_ =	swait.ge [sflag:s10], $0x1000  }
0xdc: {  	s3 =	sld [smem:$0x7EA]  }
0xdd: {  	[sflag:s10] =	ssyncset.done $0x0  }
0xde: {  	[sflag:s10] =	ssyncadd.s32 $0xFFFFF000  }
0xdf: {  	[spmem:s3] =	stream.linear.scatter [tilespmem:s11], [sflag:$0x5], $0x1000, $0x38;
	[tilespmem:$0x1EDA0] =	vst v63  }
0xe0: {  	_ =	swait.ge [sflag:s10], $0x1000  }
0xe1: {  	s4 =	sld [smem:$0x7EB]  }
0xe2: {  	[sflag:s10] =	ssyncset.done $0x0  }
0xe3: {  	[sflag:s10] =	ssyncadd.s32 $0xFFFFF000  }
0xe4: {  	[spmem:s4] =	stream.linear.scatter [tilespmem:s11], [sflag:$0x5], $0x1000, $0x38;
	[tilespmem:$0x1EDA0] =	vst v63  }
0xe5: {  	_ =	swait.ge [sflag:s10], $0x1000  }
0xe6: {  	s5 =	sld [smem:$0x7EC]  }
0xe7: {  	[sflag:s10] =	ssyncset.done $0x0  }
0xe8: {  	[sflag:s10] =	ssyncadd.s32 $0xFFFFF000  }
0xe9: {  	[spmem:s5] =	stream.linear.scatter [tilespmem:s11], [sflag:$0x5], $0x1000, $0x38;
	[tilespmem:$0x1EDA0] =	vst v63  }
0xea: {  	_ =	swait.ge [sflag:s10], $0x1000  }
0xeb: {  	s6 =	sld [smem:$0x7ED]  }
0xec: {  	[sflag:s10] =	ssyncset.done $0x0  }
0xed: {  	[sflag:s10] =	ssyncadd.s32 $0xFFFFF000  }
0xee: {  	[spmem:s6] =	stream.linear.scatter [tilespmem:s11], [sflag:$0x5], $0x1000, $0x38;
	[tilespmem:$0x1EDA0] =	vst v63  }
0xef: {  	_ =	swait.ge [sflag:s10], $0x1000  }
0xf0: {  	[sflag:s10] =	ssyncset.done $0x0  }
0xf1: {  	[sflag:s10] =	ssyncadd.s32 $0xFFFFF000  }
0xf2: {  	[spmem:s7] =	stream.linear.scatter [tilespmem:s11], [sflag:$0x5], $0x1000, $0x38;
	[tilespmem:$0x1EDA0] =	vst v63  }
0xf3: {  	_ =	swait.ge [sflag:s10], $0x1000  }
0xf4: {  	[sflag:s10] =	ssyncset.done $0x0  }
0xf5: {  	[sflag:s10] =	ssyncadd.s32 $0xFFFFF000  }
0xf6: {  	[spmem:s8] =	stream.linear.scatter [tilespmem:s11], [sflag:$0x5], $0x1000, $0x38;
	[tilespmem:$0x1EDA0] =	vst v63  }
0xf7: {  	_ =	swait.ge [sflag:s10], $0x1000  }
0xf8: {  	[sflag:s10] =	ssyncset.done $0x0  }
0xf9: {  	[sflag:s10] =	ssyncadd.s32 $0xFFFFF000  }
0xfa: {  	[spmem:s9] =	stream.linear.scatter [tilespmem:s11], [sflag:$0x5], $0x1000, $0x38;
	[tilespmem:$0x1EDA0] =	vst v63  }
0xfb: {  	_ =	swait.ge [sflag:s10], $0x1000  }
0xfc: {  	(v2sf) =	vpush v1, $0x0;
	_ =	sdelay $0xe  }
0xfd: {  	s24 =	spop (v2sf)  }
0xfe: {  	[sflag:s10] =	ssyncset.done $0x0;
	p0 =	slt.s32 s24, $0x1  }
.Ltmp3:
0xff: {  	[sflag:s10] =	ssyncadd.s32 $0xFFFFF000;
	(pc) =	sbr.rel @p0 .LBB2_5-.Ltmp3, $4  }
0x100: {  	[spmem:s30] =	stream.linear.scatter [tilespmem:s11], [sflag:$0x5], $0xC80, $0x38;
	[tilespmem:$0x1EDA0] =	vst v63  }
0x101: {  	_ =	swait.ge [sflag:s10], $0xC80  }
0x102: {  	[sflag:s10] =	ssyncset.done $0x0  }
0x103: {  	[sflag:s10] =	ssyncadd.s32 $0xFFFFF380  }
0x104: {  	s2 =	rddreg [dreg:$0x1a]  }
0x105: {  	[spmem:s2] =	stream.linear.scatter [tilespmem:s11], [sflag:$0x5], $0x1000, $0x38;
	[tilespmem:$0x1EDA0] =	vst v63  }
0x106: {  	_ =	swait.ge [sflag:s10], $0x1000  }
0x107: {  	s3 =	sld [smem:$0x7EE]  }
0x108: {  	[sflag:s10] =	ssyncset.done $0x0  }
0x109: {  	[sflag:s10] =	ssyncadd.s32 $0xFFFFF000  }
0x10a: {  	[spmem:s3] =	stream.linear.scatter [tilespmem:s11], [sflag:$0x5], $0x1000, $0x38;
	[tilespmem:$0x1EDA0] =	vst v63  }
0x10b: {  	_ =	swait.ge [sflag:s10], $0x1000  }
0x10c: {  	s4 =	sld [smem:$0x7EF]  }
0x10d: {  	[sflag:s10] =	ssyncset.done $0x0  }
0x10e: {  	[sflag:s10] =	ssyncadd.s32 $0xFFFFF000  }
0x10f: {  	[spmem:s4] =	stream.linear.scatter [tilespmem:s11], [sflag:$0x5], $0x1000, $0x38;
	[tilespmem:$0x1EDA0] =	vst v63  }
0x110: {  	_ =	swait.ge [sflag:s10], $0x1000  }
0x111: {  	s5 =	sld [smem:$0x7F0]  }
0x112: {  	[sflag:s10] =	ssyncset.done $0x0  }
0x113: {  	[sflag:s10] =	ssyncadd.s32 $0xFFFFF000  }
0x114: {  	[spmem:s5] =	stream.linear.scatter [tilespmem:s11], [sflag:$0x5], $0x1000, $0x38;
	[tilespmem:$0x1EDA0] =	vst v63  }
0x115: {  	_ =	swait.ge [sflag:s10], $0x1000  }
0x116: {  	s6 =	sld [smem:$0x7F1]  }
0x117: {  	[sflag:s10] =	ssyncset.done $0x0  }
0x118: {  	[sflag:s10] =	ssyncadd.s32 $0xFFFFF000  }
0x119: {  	[spmem:s6] =	stream.linear.scatter [tilespmem:s11], [sflag:$0x5], $0x1000, $0x38;
	[tilespmem:$0x1EDA0] =	vst v63  }
0x11a: {  	_ =	swait.ge [sflag:s10], $0x1000  }
0x11b: {  	s24 =	sld [smem:$0x7F2]  }
0x11c: {  	[sflag:s10] =	ssyncset.done $0x0  }
0x11d: {  	[sflag:s10] =	ssyncadd.s32 $0xFFFFF000  }
0x11e: {  	[spmem:s24] =	stream.linear.scatter [tilespmem:s11], [sflag:$0x5], $0x1000, $0x38;
	[tilespmem:$0x1EDA0] =	vst v63  }
0x11f: {  	_ =	swait.ge [sflag:s10], $0x1000  }
0x120: {  	s3 =	sld [smem:$0x7F3]  }
0x121: {  	[sflag:s10] =	ssyncset.done $0x0  }
0x122: {  	[sflag:s10] =	ssyncadd.s32 $0xFFFFF000  }
0x123: {  	[spmem:s3] =	stream.linear.scatter [tilespmem:s11], [sflag:$0x5], $0x1000, $0x38;
	[tilespmem:$0x1EDA0] =	vst v63  }
0x124: {  	_ =	swait.ge [sflag:s10], $0x1000  }
0x125: {  	s4 =	sld [smem:$0x7F4]  }
0x126: {  	[sflag:s10] =	ssyncset.done $0x0  }
0x127: {  	[sflag:s10] =	ssyncadd.s32 $0xFFFFF000  }
0x128: {  	[spmem:s4] =	stream.linear.scatter [tilespmem:s11], [sflag:$0x5], $0x1000, $0x38;
	[tilespmem:$0x1EDA0] =	vst v63  }
0x129: {  	_ =	swait.ge [sflag:s10], $0x1000  }
0x12a: {  	s5 =	sld [smem:$0x7F5]  }
0x12b: {  	[sflag:s10] =	ssyncset.done $0x0  }
0x12c: {  	[sflag:s10] =	ssyncadd.s32 $0xFFFFF000  }
0x12d: {  	[spmem:s5] =	stream.linear.scatter [tilespmem:s11], [sflag:$0x5], $0x1000, $0x38;
	[tilespmem:$0x1EDA0] =	vst v63  }
0x12e: {  	_ =	swait.ge [sflag:s10], $0x1000  }
0x12f: {  	[sflag:s10] =	ssyncset.done $0x0  }
0x130: {  	[sflag:s10] =	ssyncadd.s32 $0xFFFFF000  }
0x131: {  	[spmem:s31] =	stream.linear.scatter [tilespmem:s11], [sflag:$0x5], $0xC80, $0x38;
	[tilespmem:$0x1EDA0] =	vst v63  }
0x132: {  	_ =	swait.ge [sflag:s10], $0xC80  }
0x133: {  	[sflag:s10] =	ssyncset.done $0x0  }
0x134: {  	s6 =	rddreg [dreg:$0x1e];
	[sflag:s10] =	ssyncadd.s32 $0xFFFFF380  }
0x135: {  	[tilespmem:s12], [sflag:$0x5] =	stream.linear.gather [hbm4b:s6+s1], $0x200, $0x38;
	[tilespmem:$0x1EDA0] =	vst v63  }
0x136: {  	_ =	swait.ge [sflag:s10], $0x200  }
0x137: {  	[sflag:s10] =	ssyncset.done $0x0  }
0x138: {  	s24 =	rddreg [dreg:$0x1b];
	[sflag:s10] =	ssyncadd.s32 $0xFFFFFE00  }
0x139: {  	[spmem:s24] =	stream.linear.scatter [tilespmem:s12], [sflag:$0x5], $0x200, $0x38;
	[tilespmem:$0x1EDA0] =	vst v63  }
0x13a: {  	_ =	swait.ge [sflag:s10], $0x200  }
0x13b: {  	s3 =	sld [smem:$0x7F6]  }
0x13c: {  	[sflag:s10] =	ssyncset.done $0x0  }
0x13d: {  	[sflag:s10] =	ssyncadd.s32 $0xFFFFFE00  }
0x13e: {  	[spmem:s3] =	stream.linear.scatter [tilespmem:s12], [sflag:$0x5], $0x200, $0x38;
	[tilespmem:$0x1EDA0] =	vst v63  }
0x13f: {  	_ =	swait.ge [sflag:s10], $0x200  }
0x140: {  	s4 =	sld [smem:$0x7F7]  }
0x141: {  	[sflag:s10] =	ssyncset.done $0x0  }
0x142: {  	[sflag:s10] =	ssyncadd.s32 $0xFFFFFE00  }
0x143: {  	[spmem:s4] =	stream.linear.scatter [tilespmem:s12], [sflag:$0x5], $0x200, $0x38;
	[tilespmem:$0x1EDA0] =	vst v63  }
0x144: {  	_ =	swait.ge [sflag:s10], $0x200  }
0x145: {  	s5 =	sld [smem:$0x7F8]  }
0x146: {  	[sflag:s10] =	ssyncset.done $0x0  }
0x147: {  	[sflag:s10] =	ssyncadd.s32 $0xFFFFFE00  }
0x148: {  	[spmem:s5] =	stream.linear.scatter [tilespmem:s12], [sflag:$0x5], $0x200, $0x38;
	[tilespmem:$0x1EDA0] =	vst v63  }
0x149: {  	_ =	swait.ge [sflag:s10], $0x200  }
0x14a: {  	s6 =	sld [smem:$0x7F9]  }
0x14b: {  	[sflag:s10] =	ssyncset.done $0x0  }
0x14c: {  	[sflag:s10] =	ssyncadd.s32 $0xFFFFFE00  }
0x14d: {  	[spmem:s6] =	stream.linear.scatter [tilespmem:s12], [sflag:$0x5], $0x200, $0x38;
	[tilespmem:$0x1EDA0] =	vst v63  }
0x14e: {  	_ =	swait.ge [sflag:s10], $0x200  }
0x14f: {  	s24 =	sld [smem:$0x7FA]  }
0x150: {  	[sflag:s10] =	ssyncset.done $0x0  }
0x151: {  	[sflag:s10] =	ssyncadd.s32 $0xFFFFFE00  }
0x152: {  	[spmem:s24] =	stream.linear.scatter [tilespmem:s12], [sflag:$0x5], $0x200, $0x38;
	[tilespmem:$0x1EDA0] =	vst v63  }
0x153: {  	_ =	swait.ge [sflag:s10], $0x200  }
0x154: {  	s3 =	sld [smem:$0x7FB]  }
0x155: {  	[sflag:s10] =	ssyncset.done $0x0  }
0x156: {  	[sflag:s10] =	ssyncadd.s32 $0xFFFFFE00  }
0x157: {  	[spmem:s3] =	stream.linear.scatter [tilespmem:s12], [sflag:$0x5], $0x200, $0x38;
	[tilespmem:$0x1EDA0] =	vst v63  }
0x158: {  	_ =	swait.ge [sflag:s10], $0x200  }
0x159: {  	s4 =	sld [smem:$0x7FC]  }
0x15a: {  	[sflag:s10] =	ssyncset.done $0x0  }
0x15b: {  	[sflag:s10] =	ssyncadd.s32 $0xFFFFFE00  }
0x15c: {  	[spmem:s4] =	stream.linear.scatter [tilespmem:s12], [sflag:$0x5], $0x200, $0x38;
	[tilespmem:$0x1EDA0] =	vst v63  }
0x15d: {  	_ =	swait.ge [sflag:s10], $0x200  }
0x15e: {  	s5 =	sld [smem:$0x7FD]  }
0x15f: {  	[sflag:s10] =	ssyncset.done $0x0  }
0x160: {  	[sflag:s10] =	ssyncadd.s32 $0xFFFFFE00  }
0x161: {  	[spmem:s5] =	stream.linear.scatter [tilespmem:s12], [sflag:$0x5], $0x200, $0x38;
	[tilespmem:$0x1EDA0] =	vst v63  }
0x162: {  	_ =	swait.ge [sflag:s10], $0x200  }
0x163: {  	[sflag:s10] =	ssyncset.done $0x0  }
0x164: {  	s6 =	rddreg [dreg:$0x1c];
	[sflag:s10] =	ssyncadd.s32 $0xFFFFFE00  }
0x165: {  	[spmem:s6] =	stream.linear.scatter [tilespmem:s12], [sflag:$0x5], $0x190, $0x38;
	[tilespmem:$0x1EDA0] =	vst v63  }
0x166: {  	_ =	swait.ge [sflag:s10], $0x190  }
0x167: {  	[sflag:s10] =	ssyncset.done $0x0  }
0x168: {  	s24 =	rddreg [dreg:$0x1f];
	[sflag:s10] =	ssyncadd.s32 $0xFFFFFE70  }
0x169: {  	[tilespmem:s12], [sflag:$0x5] =	stream.linear.gather [hbm4b:s24+s1], $0x200, $0x38;
	[tilespmem:$0x1EDA0] =	vst v63  }
0x16a: {  	_ =	swait.ge [sflag:s10], $0x200  }
0x16b: {  	[sflag:s10] =	ssyncset.done $0x0  }
0x16c: {  	[sflag:s10] =	ssyncadd.s32 $0xFFFFFE00  }
.LBB2_5:
0x16d: {  	[bflag:$0x0] =	sbarrier.arrive $0xFFFF  }
0x16e: {  	s2 =	sld [smem:$0x7D2];
	_ =	sdelay $0x2  }
0x16f: {  	[tilespmem:s13], [sflag:$0x5] =	stream.linear.gather [hbm4b:s2+s1], $0x2780, $0x38;
	[tilespmem:$0x1EDA0] =	vst v63  }
0x170: {  	_ =	swait.ge [sflag:s10], $0x2780  }
0x171: {  	s24 =	sld [smem:$0x7D3]  }
0x172: {  	[sflag:s10] =	ssyncset.done $0x0  }
0x173: {  	s3 =	simm.s32 $0x2790;
	[sflag:s10] =	ssyncadd.s32 $0xFFFFD880  }
0x174: {  	[tilespmem:s3], [sflag:$0x5] =	stream.linear.gather [hbm4b:s24+s1], $0x2780, $0x38;
	[tilespmem:$0x1EDA0] =	vst v63  }
0x175: {  	_ =	swait.ge [sflag:s10], $0x2780  }
0x176: {  	[sflag:s10] =	ssyncset.done $0x0  }
.Ltmp4:
0x177: {  	[sflag:s10] =	ssyncadd.s32 $0xFFFFD880;
	(pc) =	sbr.rel .LBB2_6-.Ltmp4, $4  }
0x178: {  	[tilespmem:s15], [sflag:$0x1] =	stream.indirect.gather [hbm4b:s19+s14], $0x40, s13, s14, $0xb8;
	[tilespmem:$0x1EDA0] =	vst v63  }
0x179: {  	s4 =	simm.s32 @!p0 $0x7F10;
	s2 =	simm.s32 @!p0 $0x40;
	s3 =	simm.s32 @!p0 $0x10  }
0x17a: {  	[tilespmem:s4], [sflag:$0x3] =	stream.indirect.gather @!p0 [hbm4b:s0+s2], $0x40, s3, s2, $0xb8;
	[tilespmem:$0x1EDA0] =	vst v63  }
0x17b: {  	s3 =	simm.s32 $0x0  }
.LBB2_10:
0x17c: {  	s4 =	sadd.s32 $0x90, s6  }
0x17d: {  	[tilespmem:s15], [sflag:$0x1] =	stream.indirect.gather [hbm4b:s19+s14], $0x40, s4, s14, $0xb8;
	[tilespmem:$0x1EDA0] =	vst v63  }
0x17e: {  	_ =	swait.ge [sflag:s23], $0x1000  }
0x17f: {  	[sflag:s23] =	ssyncset.done $0x0  }
0x180: {  	s24 =	sadd.s32 $0x2790, s24;
	[sflag:s23] =	ssyncadd.s32 $0xFFFFF000  }
0x181: {  	[spmem:s22] =	stream.indirect.scatter.add.f32 [tilespmem:s16], [sflag:$0x6], $0x40, s24, s14, $0xb8;
	[tilespmem:$0x1EDA0] =	vst v63  }
0x182: {  	_ =	swait.ge [sflag:s18], $0x1000  }
0x183: {  	[sflag:s18] =	ssyncset.done $0x0  }
0x184: {  	s3 =	sadd.s32 $0x1, s3;
	[sflag:s18] =	ssyncadd.s32 $0xFFFFF000  }
.LBB2_11:
0x185: {  	p1 =	slt.u32 s3, $0x4F  }
.Ltmp5:
0x186: {  	_ = 	snop;
	(pc) =	sbr.rel @!p1 .LBB2_12-.Ltmp5, $1  }
0x187: {  	_ =	sdelay $0x3  }
.LBB2_6:
0x188: {  	s24 =	sshll.u32 s3, $0x7  }
0x189: {  	s4 =	sor.u32 $0x50, s24  }
0x18a: {  	[tilespmem:s16], [sflag:$0x2] =	stream.indirect.gather [hbm4b:s19+s14], $0x40, s4, s14, $0xb8;
	[tilespmem:$0x1EDA0] =	vst v63  }
0x18b: {  	s5 =	simm.s32 @!p0 $0x8F10  }
0x18c: {  	[tilespmem:s5], [sflag:$0x4] =	stream.indirect.gather @!p0 [hbm4b:s0+s2], $0x40, s4, s2, $0xb8;
	[tilespmem:$0x1EDA0] =	vst v63  }
0x18d: {  	s4 =	sshll.u32 s3, $0x9;
	_ =	swait.ge [sflag:s17], $0x1000  }
0x18e: {  	s6 =	sshrl.u32 s4, $0x2;
	[sflag:s17] =	ssyncset.done $0x0  }
.Ltmp6:
0x18f: {  	s5 =	sadd.s32 $0x2790, s6;
	[sflag:s17] =	ssyncadd.s32 $0xFFFFF000;
	(pc) =	sbr.rel @p0 .LBB2_8-.Ltmp6, $4  }
0x190: {  	[spmem:s22] =	stream.indirect.scatter.add.f32 [tilespmem:s15], [sflag:$0x6], $0x40, s5, s14, $0xb8;
	[tilespmem:$0x1EDA0] =	vst v63  }
0x191: {  	_ =	swait.ge [sflag:s18], $0x1000  }
0x192: {  	[sflag:s18] =	ssyncset.done $0x0  }
0x193: {  	s24 =	sor.u32 $0x40, s24;
	[sflag:s18] =	ssyncadd.s32 $0xFFFFF000  }
0x194: {  	_ =	swait.ge [sflag:s20], $0x1000  }
0x195: {  	[sflag:s20] =	ssyncset.done $0x0  }
0x196: {  	[sflag:s20] =	ssyncadd.s32 $0xFFFFF000  }
0x197: {  	[spmem:s25] =	stream.indirect.scatter.add.f32 [tilespmem:s21], [sflag:$0x6], $0x40, s5, s14, $0xb8;
	[tilespmem:$0x1EDA0] =	vst v63  }
0x198: {  	_ =	swait.ge [sflag:s18], $0x1000  }
0x199: {  	[sflag:s18] =	ssyncset.done $0x0  }
0x19a: {  	[sflag:s18] =	ssyncadd.s32 $0xFFFFF000  }
0x19b: {  	[spmem:s26] =	stream.indirect.scatter.add.f32 [tilespmem:s12], [sflag:$0x6], $0x8, s5, s14, $0xb8;
	[tilespmem:$0x1EDA0] =	vst v63  }
0x19c: {  	p1 =	seq.s32 s3, $0x4E;
	_ =	swait.ge [sflag:s18], $0x200  }
0x19d: {  	s4 =	sshrl.u32 @!p1 s4, $0x2;
	s6 =	simm.s32 @!p1 $0x5F10;
	[sflag:s18] =	ssyncset.done $0x0  }
0x19e: {  	s4 =	sadd.s32 @!p1 $0x90, s4;
	s5 =	simm.s32 @!p1 $0x40;
	[sflag:s18] =	ssyncadd.s32 $0xFFFFFE00  }
0x19f: {  	[tilespmem:s6], [sflag:$0x1] =	stream.indirect.gather @!p1 [hbm4b:s19+s5], $0x40, s4, s5, $0xb8;
	[tilespmem:$0x1EDA0] =	vst v63  }
.Ltmp7:
0x1a0: {  	_ = 	snop;
	(pc) =	sbr.rel .LBB2_9-.Ltmp7, $4  }
0x1a1: {  	s6 =	simm.s32 @!p1 $0x7F10  }
0x1a2: {  	[tilespmem:s6], [sflag:$0x3] =	stream.indirect.gather @!p1 [hbm4b:s0+s5], $0x40, s4, s5, $0xb8;
	[tilespmem:$0x1EDA0] =	vst v63  }
0x1a3: {  	s4 =	sadd.s32 @!p1 $0x1, s3  }
0x1a4: {  	s4 =	simm.s32 @p1 $0x4F  }
.LBB2_8:
0x1a5: {  	p1 =	seq.s32 s3, $0x4E  }
.Ltmp8:
0x1a6: {  	_ = 	snop;
	(pc) =	sbr.rel @!p1 .LBB2_10-.Ltmp8, $2  }
0x1a7: {  	_ =	sdelay $0x2  }
0x1a8: {  	s4 =	simm.s32 $0x4F  }
.LBB2_9:
0x1a9: {  	_ =	swait.ge [sflag:s23], $0x1000  }
0x1aa: {  	[sflag:s23] =	ssyncset.done $0x0  }
0x1ab: {  	s3 =	sadd.s32 $0x2790, s24;
	[sflag:s23] =	ssyncadd.s32 $0xFFFFF000  }
0x1ac: {  	[spmem:s22] =	stream.indirect.scatter.add.f32 [tilespmem:s16], [sflag:$0x6], $0x40, s3, s14, $0xb8;
	[tilespmem:$0x1EDA0] =	vst v63  }
0x1ad: {  	_ =	swait.ge [sflag:s18], $0x1000  }
0x1ae: {  	[sflag:s18] =	ssyncset.done $0x0  }
0x1af: {  	s5 =	simm.s32 @!p0 $0x4;
	[sflag:s18] =	ssyncadd.s32 $0xFFFFF000  }
0x1b0: {  	_ =	swait.ge @!p0 [sflag:s5], $0x1000  }
0x1b1: {  	[sflag:s5] =	ssyncset.done @!p0 $0x0  }
0x1b2: {  	s6 =	simm.s32 @!p0 $0x8F10;
	[sflag:s5] =	ssyncadd.s32 @!p0 $0xFFFFF000;
	s5 =	simm.s32 @!p0 $0x40  }
0x1b3: {  	[spmem:s25] =	stream.indirect.scatter.add.f32 @!p0 [tilespmem:s6], [sflag:$0x6], $0x40, s3, s5, $0xb8;
	[tilespmem:$0x1EDA0] =	vst v63  }
0x1b4: {  	s6 =	simm.s32 @!p0 $0x6  }
0x1b5: {  	_ =	swait.ge @!p0 [sflag:s6], $0x1000  }
0x1b6: {  	[sflag:s6] =	ssyncset.done @!p0 $0x0  }
0x1b7: {  	[sflag:s6] =	ssyncadd.s32 @!p0 $0xFFFFF000;
	s6 =	simm.s32 @!p0 $0x9F10  }
0x1b8: {  	[spmem:s26] =	stream.indirect.scatter.add.f32 @!p0 [tilespmem:s6], [sflag:$0x5], $0x8, s3, s5, $0xb8;
	[tilespmem:$0x1EDA0] =	vst v63  }
.Ltmp9:
0x1b9: {  	_ = 	snop;
	(pc) =	sbr.rel .LBB2_11-.Ltmp9, $4  }
0x1ba: {  	s3 =	simm.s32 @!p0 $0x5  }
0x1bb: {  	_ =	swait.ge @!p0 [sflag:s3], $0x200  }
0x1bc: {  	[sflag:s3] =	ssyncset.done @!p0 $0x0  }
0x1bd: {  	[sflag:s3] =	ssyncadd.s32 @!p0 $0xFFFFFE00;
	s3 =	smov.u32 s4  }
.LBB2_13:
0x1be: {  	_ =	sfence.sel $0x180000  }
0x1bf: {  	[bflag:$0x0] =	sbarrier.arrive $0xFFFF  }
0x1c0: {  	_ =	strace $0x90000047  }
0x1c1: {  	s0 =	stileid.u32;
	[bflag:$0x2] =	sbarrier.arrive $0xFFFF  }
0x1c2: {  	p0 =	sne.s32 s0, $0x0;
	s0 =	rddreg [dreg:$0x5]  }
0x1c3: {  	s0 =	sadd.s32 @!p0 $0x100000, s0  }
0x1c4: {  	[sflag:s0] =	ssyncadd.tile.s32 @!p0 $0x1;
	_ =	shalt  }
.Lfunc_end2:
_tile_overlayer_lowered:
.L_overlay_start_2:
0x1c5: {  	(tag) =	ssettag $0x2  }
0x1c6: {  	s0 =	rddreg [dreg:$0x0];
	s2 =	stileid.u32  }
0x1c7: {  	s1 =	rddreg [dreg:$0x1];
	p0 =	sne.s32 s2, $0x0  }
0x1c8: {  	s3 =	rddreg [dreg:$0x2];
	[bflag:$0x3] =	sbarrier.arrive $0xFFFF;
	s2 =	simm.s32 @!p0 $0x1C05  }
0x1c9: {  	[timem:s3], [sflag:s2] =	dma.local @!p0 [hbm:s0], s1  }
0x1ca: {  	s0 =	simm.s32 @!p0 $0x5  }
0x1cb: {  	_ =	swait.ge @!p0 [sflag:s0], s1  }
0x1cc: {  	s1 =	ssub.s32 @!p0 $0x0, s1;
	[sflag:s0] =	ssyncset.done @!p0 $0x0  }
0x1cd: {  	[sflag:s0] =	ssyncadd.s32 @!p0 s1  }
0x1ce: {  	[bflag:$0x3] =	sbarrier.arrive $0xFFFF  }
0x1cf: {  	_ =	shalt  }

// kernel: kernel.9.cloned.1.call-start
scs
__scs_entry_jumppad:
0x0: {  	(pc) =	sbr.rel $0x88, $3  }
0x1: {  	(tag) =	ssettag $0x0;
	lr =	simm.s32 $0x1  }
0x2: {  	[smem:$0x3F99] =	sst lr;
	_ =	strace $0xD0000000  }
0x3: {  	_ = 	snop  }
0x4: {  	_ = 	snop  }
0x5: {  	_ = 	snop  }
0x6: {  	_ = 	snop  }
0x7: {  	_ = 	snop  }
__scs_overlays_trampoline_lowered:
0x8: {  	[smem:$0x3FA8] =	sst s0  }
0x9: {  	[smem:$0x3FA9] =	sst s1  }
0xa: {  	[smem:$0x3FAA] =	sst s2  }
0xb: {  	[smem:$0x3FAB] =	sst s3  }
0xc: {  	[smem:$0x3FAC] =	sst s4  }
0xd: {  	[smem:$0x3FAD] =	sst s5  }
0xe: {  	[smem:$0x3FAE] =	sst s6  }
0xf: {  	[smem:$0x3FAF] =	sst s7  }
0x10: {  	[smem:$0x3FB0] =	sst s8  }
0x11: {  	[smem:$0x3FB1] =	sst s9;
	s0 =	simm.s32 @!p0 $0x0  }
0x12: {  	s1 =	sld [smem:$0x3F97];
	s0 =	simm.s32 @p0 $0x1  }
0x13: {  	[smem:$0x3FB2] =	sst s0;
	s0 =	simm.s32 @!p1 $0x0  }
0x14: {  	s2 =	sld [smem:$0x3F96];
	s0 =	simm.s32 @p1 $0x1  }
0x15: {  	[smem:$0x3FB3] =	sst s0;
	s0 =	simm.s32 @!p2 $0x0  }
0x16: {  	s3 =	sld [smem:$0x3FDB];
	s0 =	simm.s32 @p2 $0x1  }
0x17: {  	s4 =	simm.s32 $0x1BF5;
	[smem:$0x3FB5] =	sst s0  }
0x18: {  	s0 =	sld [smem:$0x3F98];
	_ =	swait.ge [sflag:s4], $0x0  }
0x19: {  	s7 =	sld [smem:$0x3F99]  }
0x1a: {  	s8 =	sadd.s32 $0xFFFFE003, lr  }
0x1b: {  	s9 =	sadd.s32 $0xFFFFFEF7, lr;
	s5 =	simm.s32 $0xFFFFFFFF;
	p2 =	slt.u32 s8, $0xFFFFF086  }
0x1c: {  	p1 =	slt.u32 s9, $0xF7A;
	s5 =	simm.s32 @!p2 $0x0  }
0x1d: {  	s5 =	simm.s32 @p1 $0x1;
	p0 =	seq.s32 s7, s2  }
0x1e: {  	s7 =	smul.u32 @!p0 $0xF7A, s2;
	p2 =	seq.s32 @!p0 s5, $0x0  }
0x1f: {  	s9 =	smul.u32 $0xF7A, s1;
	s8 =	simm.s32 @!p0 $0x1BF5;
	p2 =	por !p2, p0  }
0x20: {  	[sflag:s8] =	ssyncset.s32 @!p0 $0xFFFFF086;
	s6 =	sadd.s32 @!p0 s3, s7;
	s7 =	simm.s32 @!p0 $0x108  }
0x21: {  	s3 =	sadd.s32 s3, s9;
	s6 =	sadd.s32 @!p0 $0x88, s6;
	s7 =	simm.s32 @p2 $0x1082  }
0x22: {  	[simem:s7], [sflag:s8] =	dma.local @!p0 [hbm:s6], $0xF7A  }
0x23: {  	s9 =	sor.u32 $0xD0000000, s2;
	s6 =	simm.s32 $0x108;
	_ =	swait.ge @!p0 [sflag:s8], $0x0  }
0x24: {  	s3 =	sadd.s32 $0x88, s3;
	s6 =	simm.s32 @!p1 $0x1082;
	[sflag:s4] =	ssyncset.s32 $0xFFFFF086  }
0x25: {  	[simem:s6], [sflag:s4] =	dma.local [hbm:s3], $0xF7A  }
0x26: {  	[smem:$0x3F99] =	sst s1;
	(tag) =	ssettag s2;
	_ =	strace s9  }
0x27: {  	s1 =	sld [smem:$0x3FA9]  }
0x28: {  	s2 =	sld [smem:$0x3FAA]  }
0x29: {  	s4 =	sld [smem:$0x3FAC]  }
0x2a: {  	p0 =	seq.s32 s5, $0x0;
	s5 =	sld [smem:$0x3FAD]  }
0x2b: {  	s6 =	sld [smem:$0x3FAE]  }
0x2c: {  	s7 =	sld [smem:$0x3FAF]  }
0x2d: {  	s3 =	simm.s32 $0x108;
	s8 =	sld [smem:$0x3FB0]  }
0x2e: {  	s3 =	simm.s32 @!p0 $0x1082;
	s9 =	sld [smem:$0x3FB1]  }
0x2f: {  	lr =	sadd.s32 s0, s3;
	s0 =	sld [smem:$0x3FA8]  }
0x30: {  	s3 =	sld [smem:$0x3FAB]  }
0x31: {  	[smem:$0x3FB4] =	sst s10  }
0x32: {  	s10 =	sld [smem:$0x3FB2];
	_ =	sdelay $0x3  }
0x33: {  	p0 =	seq.s32 s10, $0x1;
	s10 =	sld [smem:$0x3FB4];
	_ =	sdelay $0x3  }
0x34: {  	[smem:$0x3FB4] =	sst s10  }
0x35: {  	s10 =	sld [smem:$0x3FB3];
	_ =	sdelay $0x3  }
0x36: {  	p1 =	seq.s32 s10, $0x1;
	s10 =	sld [smem:$0x3FB4];
	_ =	sdelay $0x3  }
0x37: {  	[smem:$0x3FB4] =	sst s10  }
0x38: {  	s10 =	sld [smem:$0x3FB5]  }
0x39: {  	_ = 	snop;
	(pc) =	sbr.ind lr, $3  }
0x3a: {  	_ = 	snop  }
0x3b: {  	_ = 	snop  }
0x3c: {  	p2 =	seq.s32 s10, $0x1;
	s10 =	sld [smem:$0x3FB4]  }
0x3d: {  	_ =	shalt  }
0x3e: {  	_ =	shalt  }
0x3f: {  	_ =	shalt  }
0x40: {  	_ =	shalt  }
0x41: {  	_ =	shalt  }
0x42: {  	_ =	shalt  }
0x43: {  	_ =	shalt  }
0x44: {  	_ =	shalt  }
0x45: {  	_ =	shalt  }
0x46: {  	_ =	shalt  }
0x47: {  	_ =	shalt  }
0x48: {  	_ =	shalt  }
0x49: {  	_ =	shalt  }
0x4a: {  	_ =	shalt  }
0x4b: {  	_ =	shalt  }
0x4c: {  	_ =	shalt  }
0x4d: {  	_ =	shalt  }
0x4e: {  	_ =	shalt  }
0x4f: {  	_ =	shalt  }
0x50: {  	_ =	shalt  }
0x51: {  	_ =	shalt  }
0x52: {  	_ =	shalt  }
0x53: {  	_ =	shalt  }
0x54: {  	_ =	shalt  }
0x55: {  	_ =	shalt  }
0x56: {  	_ =	shalt  }
0x57: {  	_ =	shalt  }
0x58: {  	_ =	shalt  }
0x59: {  	_ =	shalt  }
0x5a: {  	_ =	shalt  }
0x5b: {  	_ =	shalt  }
0x5c: {  	_ =	shalt  }
0x5d: {  	_ =	shalt  }
0x5e: {  	_ =	shalt  }
0x5f: {  	_ =	shalt  }
0x60: {  	_ =	shalt  }
0x61: {  	_ =	shalt  }
0x62: {  	_ =	shalt  }
0x63: {  	_ =	shalt  }
0x64: {  	_ =	shalt  }
0x65: {  	_ =	shalt  }
0x66: {  	_ =	shalt  }
0x67: {  	_ =	shalt  }
0x68: {  	_ =	shalt  }
0x69: {  	_ =	shalt  }
0x6a: {  	_ =	shalt  }
0x6b: {  	_ =	shalt  }
0x6c: {  	_ =	shalt  }
0x6d: {  	_ =	shalt  }
0x6e: {  	_ =	shalt  }
0x6f: {  	_ =	shalt  }
0x70: {  	_ =	shalt  }
0x71: {  	_ =	shalt  }
0x72: {  	_ =	shalt  }
0x73: {  	_ =	shalt  }
0x74: {  	_ =	shalt  }
0x75: {  	_ =	shalt  }
0x76: {  	_ =	shalt  }
0x77: {  	_ =	shalt  }
0x78: {  	_ =	shalt  }
0x79: {  	_ =	shalt  }
0x7a: {  	_ =	shalt  }
0x7b: {  	_ =	shalt  }
0x7c: {  	_ =	shalt  }
0x7d: {  	_ =	shalt  }
0x7e: {  	_ =	shalt  }
0x7f: {  	_ =	shalt  }
0x80: {  	_ =	shalt  }
0x81: {  	_ =	shalt  }
0x82: {  	_ =	shalt  }
0x83: {  	_ =	shalt  }
0x84: {  	_ =	shalt  }
0x85: {  	_ =	shalt  }
0x86: {  	_ =	shalt  }
0x87: {  	_ =	shalt  }
.Lfunc_end0:
.L_simem_size_0:
called_computation.1_lowered:
.L_overlay_start_0:
0x88: {  	s2 =	sld [smem:$0x3FD9]  }
0x89: {  	s3 =	sld [smem:$0x3FFE];
	_ =	sdelay $0x1  }
0x8a: {  	s1 =	srdreg.scid  }
0x8b: {  	s0 =	sand.u32 $0x1, s1  }
0x8c: {  	s17 =	sshll.u32 s0, $0xA;
	s2 =	sadd.s32 s3, s2  }
0x8d: {  	s2 =	sadd.s32 s2, s17  }
0x8e: {  	[smem:$0x3FC0] =	sst s2  }
0x8f: {  	_ = 	snop  }
0x90: {  	s2 =	sld [smem:$0x3FD0];
	(tm) =	ssettm $0x1  }
0x91: {  	s18 =	sld [smem:$0x3FFB];
	_ =	sdelay $0x3  }
0x92: {  	_ =	strace s18  }
0x93: {  	s3 =	sld [smem:$0x3FFC];
	_ =	sdelay $0x3  }
0x94: {  	_ =	strace s3  }
0x95: {  	s3 =	sld [smem:$0x3FFD];
	_ =	sdelay $0x3  }
0x96: {  	_ =	strace s3  }
0x97: {  	_ =	strace $0x8FFFFFFF  }
0x98: {  	s19 =	sld [smem:$0x3FDB];
	_ =	sdelay $0x1  }
0x99: {  	s4 =	simm.s32 $_scs_section_size  }
0x9a: {  	s5 =	simm.s32 $_size__tile_overlayer_lowered;
	s6 =	simm.s32 $_tile_overlayer_lowered  }
0x9b: {  	s22 =	simm.s32 $0x1BFF;
	s21 =	sshll.u32 s6, $0x1;
	s3 =	sadd.s32 s4, s19  }
0x9c: {  	s7 =	simm.s32 $0x0;
	s20 =	sshll.u32 s5, $0x1;
	s5 =	sadd.s32 s21, s3  }
0x9d: {  	[timem:s7], [sflag:s22] =	dma.local [hbm:s5], s20  }
0x9e: {  	_ =	swait.ge [sflag:s22], s20  }
0x9f: {  	s4 =	ssub.s32 $0x0, s20;
	[sflag:s22] =	ssyncset.done $0x0  }
0xa0: {  	[sflag:s22] =	ssyncadd.s32 s4;
	_ =	sdelay $0x1  }
0xa1: {  	s23 =	simm.s32 $0x1B8B  }
0xa2: {  	_ =	swait.ge [sflag:s23], $0x1  }
0xa3: {  	[sflag:s23] =	ssyncset.done $0x0  }
0xa4: {  	s25 =	simm.s32 $0x1B8E;
	s24 =	sld [smem:$0x3FFE];
	[sflag:s23] =	ssyncadd.s32 $0xFFFFFFFF  }
0xa5: {  	s26 =	simm.s32 $execute0_lowered;
	[smem:$0x3FD2] =	sst s25  }
0xa6: {  	s5 =	sshll.u32 s26, $0x1;
	_ =	strace $0x80000049;
	[dreg:$0x1] =	wrdreg $0xFFFFFFFF  }
0xa7: {  	s28 =	simm.s32 $_size_execute0_lowered;
	s3 =	sadd.s32 s3, s5;
	[dreg:$0x0] =	wrdreg $0x0  }
0xa8: {  	s5 =	sshll.u32 s28, $0x1;
	[dreg:$0x2] =	wrdreg s3  }
0xa9: {  	[dreg:$0x3] =	wrdreg s5  }
0xaa: {  	[dreg:$0x4] =	wrdreg $0xC0  }
0xab: {  	_ =	task [dreg:s7], $0x5FFFF  }
0xac: {  	[dreg:$0x1] =	wrdreg $0xFFFFFFFF  }
0xad: {  	[dreg:$0x0] =	wrdreg $0x60  }
0xae: {  	[dreg:$0x2] =	wrdreg s2  }
0xaf: {  	[dreg:$0x3] =	wrdreg s24  }
0xb0: {  	[dreg:$0x4] =	wrdreg $0xA1100  }
0xb1: {  	[dreg:$0x5] =	wrdreg $0x13D900  }
0xb2: {  	[dreg:$0x6] =	wrdreg $0x1DA100  }
0xb3: {  	[dreg:$0x7] =	wrdreg $0x9  }
0xb4: {  	_ =	task.clear_ibuf [dreg:s7], $0x8FFFF;
	_ =	strace $0x90000049  }
0xb5: {  	s29 =	simm.s32 $0x9;
	_ =	strace $0x8000004B  }
0xb6: {  	_ =	swait.ge [sflag:s29], $0x1  }
0xb7: {  	[sflag:s29] =	ssyncadd.s32 $0xFFFFFFFF  }
0xb8: {  	_ =	strace $0x9000004B  }
0xb9: {  	_ =	sfence  }
0xba: {  	s30 =	sld [smem:$0x0];
	_ =	sdelay $0x2  }
0xbb: {  	s31 =	sshll.u32 s1, $0xD;
	s1 =	sshrl.u32 s1, $0x2  }
0xbc: {  	s3 =	sand.u32 $0x4000, s31;
	s1 =	sadd.s32 s1, s30  }
0xbd: {  	s0 =	sor.u32 s3, s0;
	s1 =	sshll.u32 s1, $0x11  }
0xbe: {  	s0 =	sor.u32 s1, s0  }
0xbf: {  	s0 =	sadd.s32 $0x8F2B, s0  }
0xc0: {  	[sflag:s0] =	ssyncadd.remote.s32 $0x1  }
0xc1: {  	_ =	sfence.sel $0xFFFF  }
0xc2: {  	[dreg:$0x0] =	wrdreg $0xFFFFFFFF;
	(pc) =	sbr.abs _section_cstart, $3  }
0xc3: {  	[dreg:$0x1] =	wrdreg $0xFFFFFFFF  }
0xc4: {  	_ =	task.clear_ibuf [dreg:s7], $0x2FFFF;
	_ =	strace $0x9FFFFFFF  }
0xc5: {  	(tm) =	ssettm $0x7FFFFFFF  }
tec
execute0_lowered:
.L_overlay_start_1:
0x0: {  	(tag) =	ssettag $0x1  }
0x1: {  	s0 =	rddreg [dreg:$0x1];
	s28 =	stileid.u32  }
0x2: {  	s1 =	simm.s32 $0x0;
	s2 =	srdreg.scid;
	s3 =	smul.u32 $0x272, s28  }
0x3: {  	[smem:$0x7FF] =	sst s1;
	s4 =	sand.u32 $0x1, s2;
	s16 =	sadd.s32 $0x50E00, s0  }
0x4: {  	s17 =	sadd.s32 $0x29C00, s0;
	s2 =	sshll.u32 s4, $0x4;
	s14 =	smul.u32 $0x9C800, s4  }
0x5: {  	s5 =	ssub.s32 $0x2, s4;
	s19 =	smul.u32 $0x13900, s4;
	s3 =	sadd.s32 $0x240, s3  }
0x6: {  	s15 =	sor.u32 s28, s2;
	s2 =	smul.u32 $0x9C80, s28;
	s10 =	sshll.u32 s3, $0x6  }
0x7: {  	s7 =	sshrl.u32 s5, $0x1;
	s3 =	sshll.u32 s3, $0x3;
	s6 =	sadd.s32 s14, s10  }
0x8: {  	s4 =	sadd.s32 $0x2000, s2;
	s12 =	sadd.s32 s14, s2;
	s8 =	sshrl.u32 s6, $0x3  }
0x9: {  	s6 =	ssub.s32 s5, s7;
	s5 =	sadd.s32 $0x1000, s2;
	s18 =	sshrl.u32 s12, $0x3  }
0xa: {  	s7 =	sadd.s32 $0x5000, s2;
	s9 =	sadd.s32 s16, s8;
	s11 =	sadd.s32 s17, s8  }
0xb: {  	s13 =	sadd.s32 s14, s5;
	s8 =	sadd.s32 $0x4000, s2;
	[dreg:$0x6] =	wrdreg s9  }
0xc: {  	s29 =	sadd.s32 s16, s18;
	s18 =	sadd.s32 s17, s18;
	[dreg:$0x7] =	wrdreg s11  }
0xd: {  	s9 =	sadd.s32 s14, s4;
	s20 =	sshrl.u32 s13, $0x3;
	[dreg:$0x8] =	wrdreg s29  }
0xe: {  	s12 =	sadd.s32 s14, s8;
	s13 =	sadd.s32 s14, s7;
	[dreg:$0x11] =	wrdreg s18  }
0xf: {  	s18 =	rddreg [dreg:$0x0];
	s21 =	sshrl.u32 s9, $0x3;
	s29 =	sadd.s32 s16, s20  }
0x10: {  	s9 =	sadd.s32 $0x3000, s2;
	s20 =	sadd.s32 s17, s20;
	[dreg:$0x9] =	wrdreg s29  }
0x11: {  	s23 =	sshrl.u32 s12, $0x3;
	s29 =	sadd.s32 s16, s21;
	[dreg:$0x12] =	wrdreg s20  }
0x12: {  	s11 =	sadd.s32 s14, s9;
	s21 =	sadd.s32 s17, s21;
	[dreg:$0xa] =	wrdreg s29  }
0x13: {  	s24 =	sshrl.u32 s13, $0x3;
	s22 =	sshrl.u32 s11, $0x3;
	[dreg:$0x13] =	wrdreg s21  }
0x14: {  	s13 =	sadd.s32 $0x6000, s2;
	s21 =	rddreg [dreg:$0x2];
	s29 =	sadd.s32 s16, s22  }
0x15: {  	s12 =	sadd.s32 $0x7000, s2;
	s22 =	sadd.s32 s17, s22;
	[dreg:$0xb] =	wrdreg s29  }
0x16: {  	s25 =	sadd.s32 s14, s13;
	s29 =	sadd.s32 s16, s23;
	[dreg:$0x14] =	wrdreg s22  }
0x17: {  	s26 =	sadd.s32 s14, s12;
	s23 =	sadd.s32 s17, s23;
	[dreg:$0xc] =	wrdreg s29  }
0x18: {  	s20 =	smul.u32 $0x4F0, s15;
	s29 =	sadd.s32 s16, s24;
	[dreg:$0x15] =	wrdreg s23  }
0x19: {  	s11 =	sadd.s32 $0x8000, s2;
	s24 =	sadd.s32 s17, s24;
	[dreg:$0xd] =	wrdreg s29  }
0x1a: {  	s25 =	sshrl.u32 s25, $0x3;
	s26 =	sshrl.u32 s26, $0x3;
	[dreg:$0x16] =	wrdreg s24  }
0x1b: {  	s14 =	sadd.s32 s14, s11;
	s29 =	sadd.s32 s16, s25;
	s24 =	rddreg [dreg:$0x3]  }
0x1c: {  	s30 =	sadd.s32 s10, s21;
	s25 =	sadd.s32 s17, s25;
	[dreg:$0xe] =	wrdreg s29  }
0x1d: {  	s14 =	sshrl.u32 s14, $0x3;
	s29 =	sadd.s32 s16, s26;
	[dreg:$0x17] =	wrdreg s25  }
0x1e: {  	s23 =	smul.u32 $0x27200, s28;
	s16 =	sadd.s32 s16, s14;
	[dreg:$0xf] =	wrdreg s29  }
0x1f: {  	s14 =	sadd.s32 s17, s14;
	s25 =	smul.u32 $0x4E40, s28;
	[dreg:$0x10] =	wrdreg s16  }
0x20: {  	s31 =	sadd.s32 s10, s24;
	s29 =	sadd.s32 s17, s26;
	[dreg:$0x19] =	wrdreg s14  }
0x21: {  	s16 =	smul.u32 $0x1390, s28;
	s26 =	rddreg [dreg:$0x4];
	s14 =	sadd.s32 s20, s0  }
0x22: {  	s17 =	sshrl.u32 s23, $0x2;
	[dreg:$0x18] =	wrdreg s29;
	s3 =	sadd.s32 s3, s26  }
0x23: {  	s20 =	sadd.s32 $0x15E00, s0;
	_ =	strace $0x8000004A;
	[dreg:$0x1c] =	wrdreg s3  }
0x24: {  	s28 =	sadd.s32 s17, s21;
	s23 =	sadd.s32 $0x1FE00, s14;
	[dreg:$0x1e] =	wrdreg s20  }
0x25: {  	s17 =	sadd.s32 s17, s24;
	s29 =	sshrl.u32 s25, $0x2;
	[smem:$0x7D4] =	sst s23  }
0x26: {  	s22 =	sadd.s32 s16, s19;
	s19 =	sadd.s32 $0x2400, s0;
	[dreg:$0x1a] =	wrdreg s17  }
0x27: {  	s10 =	sadd.s32 s29, s26;
	s29 =	sadd.s32 s16, s26;
	[dreg:$0x1d] =	wrdreg s19  }
0x28: {  	s3 =	smax.u32 s6, $0x1;
	[smem:$0x7D6] =	sst s29  }
0x29: {  	s6 =	sadd.s32 s5, s24;
	[smem:$0x7D7] =	sst s3  }
0x2a: {  	s16 =	sadd.s32 s8, s24;
	[smem:$0x7D9] =	sst s6  }
0x2b: {  	[smem:$0x7DC] =	sst s16  }
0x2c: {  	s15 =	sshrl.u32 s22, $0x3;
	s22 =	sadd.s32 $0x16000, s14;
	[dreg:$0x1b] =	wrdreg s10  }
0x2d: {  	s3 =	sadd.s32 s4, s21;
	s4 =	sadd.s32 s4, s24;
	[smem:$0x7D3] =	sst s22  }
0x2e: {  	s14 =	sadd.s32 s9, s24;
	[smem:$0x7DA] =	sst s4  }
0x2f: {  	s19 =	sadd.s32 s7, s21;
	s7 =	sadd.s32 s7, s24;
	[smem:$0x7DB] =	sst s14  }
0x30: {  	s29 =	sadd.s32 s11, s21;
	s11 =	sadd.s32 s11, s24;
	[smem:$0x7DD] =	sst s7  }
0x31: {  	s15 =	sadd.s32 s15, s0;
	s0 =	sadd.s32 $0x15E40, s0;
	[smem:$0x7E0] =	sst s11  }
0x32: {  	s22 =	sadd.s32 s13, s24;
	[dreg:$0x1f] =	wrdreg s0  }
0x33: {  	s20 =	sadd.s32 s13, s21;
	s13 =	sshrl.u32 s3, $0x3;
	[smem:$0x7DE] =	sst s22  }
0x34: {  	s16 =	sshrl.u32 s19, $0x3;
	[smem:$0x7E3] =	sst s13  }
0x35: {  	s23 =	sadd.s32 s12, s21;
	s19 =	sshrl.u32 s20, $0x3;
	[smem:$0x7E6] =	sst s16  }
0x36: {  	s20 =	sshrl.u32 s23, $0x3;
	[smem:$0x7E7] =	sst s19  }
0x37: {  	s23 =	sadd.s32 $0x1000, s28;
	[smem:$0x7E8] =	sst s20  }
0x38: {  	s3 =	sadd.s32 $0x1000, s17;
	[smem:$0x7EA] =	sst s23  }
0x39: {  	s4 =	sadd.s32 s9, s21;
	s9 =	sadd.s32 $0x3000, s17;
	[smem:$0x7EE] =	sst s3  }
0x3a: {  	s11 =	sadd.s32 $0x4000, s17;
	[smem:$0x7F0] =	sst s9  }
0x3b: {  	s25 =	sadd.s32 $0x2600, s15;
	[smem:$0x7F1] =	sst s11  }
0x3c: {  	s0 =	sadd.s32 s2, s21;
	s2 =	sadd.s32 s2, s24;
	[smem:$0x7D5] =	sst s25  }
0x3d: {  	s14 =	sshrl.u32 s4, $0x3;
	[smem:$0x7D8] =	sst s2  }
0x3e: {  	s22 =	sshrl.u32 s29, $0x3;
	[smem:$0x7E4] =	sst s14  }
0x3f: {  	s29 =	sadd.s32 $0x3000, s28;
	[smem:$0x7E9] =	sst s22  }
0x40: {  	s15 =	sadd.s32 s8, s21;
	s8 =	sadd.s32 $0x2000, s17;
	[smem:$0x7EC] =	sst s29  }
0x41: {  	s13 =	sadd.s32 $0x6000, s17;
	[smem:$0x7EF] =	sst s8  }
0x42: {  	s6 =	sadd.s32 $0x7000, s28;
	s16 =	sadd.s32 $0x200, s10;
	[smem:$0x7F3] =	sst s13  }
0x43: {  	s7 =	sadd.s32 $0x8000, s28;
	s19 =	sadd.s32 $0x600, s10;
	[smem:$0x7F6] =	sst s16  }
0x44: {  	s4 =	sadd.s32 $0x5000, s28;
	s20 =	sadd.s32 $0x800, s10;
	[smem:$0x7F8] =	sst s19  }
0x45: {  	s23 =	sadd.s32 $0xC00, s10;
	s9 =	simm.s32 $0x4F10;
	[smem:$0x7F9] =	sst s20  }
0x46: {  	s11 =	simm.s32 $0x10;
	s25 =	sadd.s32 s12, s24;
	[smem:$0x7FB] =	sst s23  }
0x47: {  	s2 =	sadd.s32 s5, s21;
	s0 =	sshrl.u32 s0, $0x3;
	[smem:$0x7DF] =	sst s25  }
0x48: {  	s15 =	sshrl.u32 s15, $0x3;
	s5 =	sadd.s32 $0x6000, s28;
	[smem:$0x7E1] =	sst s0  }
0x49: {  	s14 =	sadd.s32 $0x7000, s17;
	s22 =	sadd.s32 $0xA00, s10;
	[smem:$0x7E5] =	sst s15  }
0x4a: {  	s29 =	sadd.s32 $0x1000, s10;
	s8 =	simm.s32 $0x5;
	[smem:$0x7F4] =	sst s14  }
0x4b: {  	s13 =	simm.s32 $0x5F10;
	s16 =	simm.s32 $0x6;
	[smem:$0x7FA] =	sst s22  }
0x4c: {  	s19 =	simm.s32 $0x7F10;
	s12 =	sshrl.u32 s2, $0x3;
	[smem:$0x7FD] =	sst s29  }
0x4d: {  	s20 =	simm.s32 $0x2;
	s25 =	sadd.s32 $0x2000, s28;
	[smem:$0x7E2] =	sst s12  }
0x4e: {  	s2 =	sadd.s32 $0x4000, s28;
	s15 =	sadd.s32 $0x8000, s17;
	[smem:$0x7EB] =	sst s25  }
.Ltmp0:
0x4f: {  	s14 =	simm.s32 $0x6F10;
	[smem:$0x7ED] =	sst s2;
	(pc) =	sbr.rel .LBB2_1-.Ltmp0, $4  }
0x50: {  	s22 =	simm.s32 $0x0;
	s12 =	sadd.s32 $0x5000, s17;
	[smem:$0x7F5] =	sst s15  }
0x51: {  	s17 =	sadd.s32 $0x400, s10;
	s25 =	sadd.s32 $0xE00, s10;
	[smem:$0x7F2] =	sst s12  }
0x52: {  	s10 =	simm.s32 $0x9F10;
	s15 =	simm.s32 $0x1;
	[smem:$0x7F7] =	sst s17  }
0x53: {  	v0 =	vimm.f32 $0.0e+00;
	[smem:$0x7FC] =	sst s25;
	s12 =	simm.s32 $0x40;
	s17 =	simm.s32 $0x3  }
.LBB2_12:
0x54: {  	[bflag:$0x0] =	sbarrier.arrive $0xFFFF  }
0x55: {  	s0 =	stileid.u32;
	s2 =	sld [smem:$0x7E1]  }
0x56: {  	s0 =	sshll.u32 s0, $0x6  }
0x57: {  	s29 =	rddreg [dreg:$0x8];
	s25 =	sor.u32 $0x1C05, s0  }
0x58: {  	[hbm:s29], [sflag:s25] =	dma.local [spmem:s2], $0x200  }
0x59: {  	_ =	swait.ge [sflag:s8], $0x200  }
0x5a: {  	s3 =	sld [smem:$0x7E2]  }
0x5b: {  	[sflag:s8] =	ssyncset.done $0x0  }
0x5c: {  	s2 =	rddreg [dreg:$0x9];
	[sflag:s8] =	ssyncadd.s32 $0xFFFFFE00  }
0x5d: {  	[hbm:s2], [sflag:s25] =	dma.local [spmem:s3], $0x200  }
0x5e: {  	_ =	swait.ge [sflag:s8], $0x200  }
0x5f: {  	s29 =	sld [smem:$0x7E3]  }
0x60: {  	[sflag:s8] =	ssyncset.done $0x0  }
0x61: {  	s23 =	rddreg [dreg:$0xa];
	[sflag:s8] =	ssyncadd.s32 $0xFFFFFE00  }
0x62: {  	[hbm:s23], [sflag:s25] =	dma.local [spmem:s29], $0x200  }
0x63: {  	_ =	swait.ge [sflag:s8], $0x200  }
0x64: {  	s3 =	sld [smem:$0x7E4]  }
0x65: {  	[sflag:s8] =	ssyncset.done $0x0  }
0x66: {  	s2 =	rddreg [dreg:$0xb];
	[sflag:s8] =	ssyncadd.s32 $0xFFFFFE00  }
0x67: {  	[hbm:s2], [sflag:s25] =	dma.local [spmem:s3], $0x200  }
0x68: {  	_ =	swait.ge [sflag:s8], $0x200  }
0x69: {  	s29 =	sld [smem:$0x7E5]  }
0x6a: {  	[sflag:s8] =	ssyncset.done $0x0  }
0x6b: {  	s23 =	rddreg [dreg:$0xc];
	[sflag:s8] =	ssyncadd.s32 $0xFFFFFE00  }
0x6c: {  	[hbm:s23], [sflag:s25] =	dma.local [spmem:s29], $0x200  }
0x6d: {  	_ =	swait.ge [sflag:s8], $0x200  }
0x6e: {  	s3 =	sld [smem:$0x7E6]  }
0x6f: {  	[sflag:s8] =	ssyncset.done $0x0  }
0x70: {  	s2 =	rddreg [dreg:$0xd];
	[sflag:s8] =	ssyncadd.s32 $0xFFFFFE00  }
0x71: {  	[hbm:s2], [sflag:s25] =	dma.local [spmem:s3], $0x200  }
0x72: {  	_ =	swait.ge [sflag:s8], $0x200  }
0x73: {  	s29 =	sld [smem:$0x7E7]  }
0x74: {  	[sflag:s8] =	ssyncset.done $0x0  }
0x75: {  	s23 =	rddreg [dreg:$0xe];
	[sflag:s8] =	ssyncadd.s32 $0xFFFFFE00  }
0x76: {  	[hbm:s23], [sflag:s25] =	dma.local [spmem:s29], $0x200  }
0x77: {  	_ =	swait.ge [sflag:s8], $0x200  }
0x78: {  	s3 =	sld [smem:$0x7E8]  }
0x79: {  	[sflag:s8] =	ssyncset.done $0x0  }
0x7a: {  	s2 =	rddreg [dreg:$0xf];
	[sflag:s8] =	ssyncadd.s32 $0xFFFFFE00  }
0x7b: {  	[hbm:s2], [sflag:s25] =	dma.local [spmem:s3], $0x200  }
0x7c: {  	_ =	swait.ge [sflag:s8], $0x200  }
0x7d: {  	s29 =	sld [smem:$0x7E9]  }
0x7e: {  	[sflag:s8] =	ssyncset.done $0x0  }
0x7f: {  	s23 =	rddreg [dreg:$0x10];
	[sflag:s8] =	ssyncadd.s32 $0xFFFFFE00  }
0x80: {  	[hbm:s23], [sflag:s25] =	dma.local [spmem:s29], $0x200  }
0x81: {  	_ =	swait.ge [sflag:s8], $0x200  }
0x82: {  	[sflag:s8] =	ssyncset.done $0x0  }
0x83: {  	s3 =	sshrl.u32 s30, $0x3;
	s23 =	rddreg [dreg:$0x6];
	[sflag:s8] =	ssyncadd.s32 $0xFFFFFE00  }
0x84: {  	[hbm:s23], [sflag:s25] =	dma.local [spmem:s3], $0x190  }
0x85: {  	_ =	swait.ge [sflag:s8], $0x190  }
0x86: {  	s0 =	sld [smem:$0x7D8];
	_ =	sdelay $0x1  }
0x87: {  	[sflag:s8] =	ssyncset.done $0x0  }
0x88: {  	s2 =	rddreg [dreg:$0x11];
	[sflag:s8] =	ssyncadd.s32 $0xFFFFFE70;
	s0 =	sshrl.u32 @!p0 s0, $0x3  }
0x89: {  	[hbm:s2], [sflag:s25] =	dma.local @!p0 [spmem:s0], $0x200  }
0x8a: {  	s0 =	simm.s32 @!p0 $0x5  }
0x8b: {  	_ =	swait.ge @!p0 [sflag:s0], $0x200  }
0x8c: {  	s2 =	sld [smem:$0x7D9];
	_ =	sdelay $0x1  }
0x8d: {  	[sflag:s0] =	ssyncset.done @!p0 $0x0  }
0x8e: {  	s3 =	rddreg [dreg:$0x12];
	[sflag:s0] =	ssyncadd.s32 @!p0 $0xFFFFFE00;
	s2 =	sshrl.u32 @!p0 s2, $0x3  }
0x8f: {  	[hbm:s3], [sflag:s25] =	dma.local @!p0 [spmem:s2], $0x200  }
0x90: {  	_ =	swait.ge @!p0 [sflag:s0], $0x200  }
0x91: {  	s2 =	sld [smem:$0x7DA];
	_ =	sdelay $0x1  }
0x92: {  	[sflag:s0] =	ssyncset.done @!p0 $0x0  }
0x93: {  	s3 =	rddreg [dreg:$0x13];
	[sflag:s0] =	ssyncadd.s32 @!p0 $0xFFFFFE00;
	s2 =	sshrl.u32 @!p0 s2, $0x3  }
0x94: {  	[hbm:s3], [sflag:s25] =	dma.local @!p0 [spmem:s2], $0x200  }
0x95: {  	_ =	swait.ge @!p0 [sflag:s0], $0x200  }
0x96: {  	s2 =	sld [smem:$0x7DB];
	_ =	sdelay $0x1  }
0x97: {  	[sflag:s0] =	ssyncset.done @!p0 $0x0  }
0x98: {  	s3 =	rddreg [dreg:$0x14];
	[sflag:s0] =	ssyncadd.s32 @!p0 $0xFFFFFE00;
	s2 =	sshrl.u32 @!p0 s2, $0x3  }
0x99: {  	[hbm:s3], [sflag:s25] =	dma.local @!p0 [spmem:s2], $0x200  }
0x9a: {  	_ =	swait.ge @!p0 [sflag:s0], $0x200  }
0x9b: {  	s2 =	sld [smem:$0x7DC];
	_ =	sdelay $0x1  }
0x9c: {  	[sflag:s0] =	ssyncset.done @!p0 $0x0  }
0x9d: {  	s3 =	rddreg [dreg:$0x15];
	[sflag:s0] =	ssyncadd.s32 @!p0 $0xFFFFFE00;
	s2 =	sshrl.u32 @!p0 s2, $0x3  }
0x9e: {  	[hbm:s3], [sflag:s25] =	dma.local @!p0 [spmem:s2], $0x200  }
0x9f: {  	_ =	swait.ge @!p0 [sflag:s0], $0x200  }
0xa0: {  	s2 =	sld [smem:$0x7DD];
	_ =	sdelay $0x1  }
0xa1: {  	[sflag:s0] =	ssyncset.done @!p0 $0x0  }
0xa2: {  	s3 =	rddreg [dreg:$0x16];
	[sflag:s0] =	ssyncadd.s32 @!p0 $0xFFFFFE00;
	s2 =	sshrl.u32 @!p0 s2, $0x3  }
0xa3: {  	[hbm:s3], [sflag:s25] =	dma.local @!p0 [spmem:s2], $0x200  }
0xa4: {  	_ =	swait.ge @!p0 [sflag:s0], $0x200  }
0xa5: {  	s2 =	sld [smem:$0x7DE];
	_ =	sdelay $0x1  }
0xa6: {  	[sflag:s0] =	ssyncset.done @!p0 $0x0  }
0xa7: {  	s3 =	rddreg [dreg:$0x17];
	[sflag:s0] =	ssyncadd.s32 @!p0 $0xFFFFFE00;
	s2 =	sshrl.u32 @!p0 s2, $0x3  }
0xa8: {  	[hbm:s3], [sflag:s25] =	dma.local @!p0 [spmem:s2], $0x200  }
0xa9: {  	_ =	swait.ge @!p0 [sflag:s0], $0x200  }
0xaa: {  	s2 =	sld [smem:$0x7DF];
	_ =	sdelay $0x1  }
0xab: {  	[sflag:s0] =	ssyncset.done @!p0 $0x0  }
0xac: {  	s3 =	rddreg [dreg:$0x18];
	[sflag:s0] =	ssyncadd.s32 @!p0 $0xFFFFFE00;
	s2 =	sshrl.u32 @!p0 s2, $0x3  }
0xad: {  	[hbm:s3], [sflag:s25] =	dma.local @!p0 [spmem:s2], $0x200  }
0xae: {  	_ =	swait.ge @!p0 [sflag:s0], $0x200  }
0xaf: {  	s2 =	sld [smem:$0x7E0];
	_ =	sdelay $0x1  }
0xb0: {  	[sflag:s0] =	ssyncset.done @!p0 $0x0  }
0xb1: {  	s3 =	rddreg [dreg:$0x19];
	[sflag:s0] =	ssyncadd.s32 @!p0 $0xFFFFFE00;
	s2 =	sshrl.u32 @!p0 s2, $0x3  }
0xb2: {  	[hbm:s3], [sflag:s25] =	dma.local @!p0 [spmem:s2], $0x200  }
0xb3: {  	_ =	swait.ge @!p0 [sflag:s0], $0x200  }
0xb4: {  	[sflag:s0] =	ssyncset.done @!p0 $0x0  }
0xb5: {  	s2 =	sshrl.u32 @!p0 s31, $0x3;
	s3 =	rddreg [dreg:$0x7];
	[sflag:s0] =	ssyncadd.s32 @!p0 $0xFFFFFE00  }
0xb6: {  	[hbm:s3], [sflag:s25] =	dma.local @!p0 [spmem:s2], $0x190  }
0xb7: {  	_ =	swait.ge @!p0 [sflag:s0], $0x190  }
0xb8: {  	s2 =	sld [smem:$0x7D6]  }
0xb9: {  	s3 =	sld [smem:$0x7D5]  }
0xba: {  	[sflag:s0] =	ssyncset.done @!p0 $0x0  }
0xbb: {  	[sflag:s0] =	ssyncadd.s32 @!p0 $0xFFFFFE70;
	s2 =	sshrl.u32 @!p0 s2, $0x3  }
0xbc: {  	[hbm:s3], [sflag:s25] =	dma.local @!p0 [spmem:s2], $0x272  }
0xbd: {  	_ =	swait.ge @!p0 [sflag:s0], $0x272  }
0xbe: {  	s29 =	sld [smem:$0x7D7];
	_ =	sdelay $0x1  }
0xbf: {  	s22 =	sadd.s32 $0x1, s22  }
0xc0: {  	p1 =	sne.s32 s22, s29  }
.Ltmp1:
0xc1: {  	_ = 	snop;
	(pc) =	sbr.rel @!p1 .LBB2_13-.Ltmp1, $3  }
0xc2: {  	_ =	sdelay $0x1  }
0xc3: {  	[sflag:s0] =	ssyncset.done @!p0 $0x0  }
0xc4: {  	[sflag:s0] =	ssyncadd.s32 @!p0 $0xFFFFFD8E  }
.LBB2_1:
0xc5: {  	s0 =	rddreg [dreg:$0x1d]  }
0xc6: {  	[tilespmem:s1], [sflag:$0x5] =	stream.linear.gather [hbm4b:s0+s1], $0x10, $0x38;
	[tilespmem:$0x1EDA0] =	vst v63  }
0xc7: {  	_ =	swait.ge [sflag:s8], $0x10  }
0xc8: {  	s29 =	sand.u32 $0x3F00, s1;
	[sflag:s8] =	ssyncset.done $0x0  }
0xc9: {  	s2 =	sand.u32 $0x30, s1;
	s3 =	sshrl.u32 s29, $0x2;
	[sflag:s8] =	ssyncadd.s32 $0xFFFFFFF0  }
0xca: {  	s0 =	simm.s32 $0x40;
	s3 =	sor.u32 s2, s3;
	s2 =	simm.s32 $0x0;
	v1 =	vld [tilespmem:$0x0]  }
.LBB2_2:
0xcb: {  	p0 =	sne.s32 s0, $0x3FC0  }
0xcc: {  	[tilespmem:s3+$0x4F10] =	vst v0;
	s2 =	sadd.s32 $0x10, s2;
	s3 =	smov.u32 s0;
	s0 =	sadd.s32 $0x40, s0  }
.Ltmp2:
0xcd: {  	(pc) =	sbr.rel @p0 .LBB2_2-.Ltmp2, $4  }
0xce: {  	_ = 	snop  }
0xcf: {  	s3 =	sand.u32 $0x3F00, s3  }
0xd0: {  	s23 =	sand.u32 $0x30, s2;
	s3 =	sshrl.u32 s3, $0x2  }
0xd1: {  	s3 =	sor.u32 s23, s3  }
0xd2: {  	[tilespmem:s3+$0x4F10] =	vst v0  }
0xd3: {  	[spmem:s28] =	stream.linear.scatter [tilespmem:s9], [sflag:$0x5], $0x1000, $0x38;
	[tilespmem:$0x1EDA0] =	vst v63  }
0xd4: {  	_ =	swait.ge [sflag:s8], $0x1000  }
0xd5: {  	s0 =	sld [smem:$0x7EA]  }
0xd6: {  	[sflag:s8] =	ssyncset.done $0x0  }
0xd7: {  	[sflag:s8] =	ssyncadd.s32 $0xFFFFF000  }
0xd8: {  	[spmem:s0] =	stream.linear.scatter [tilespmem:s9], [sflag:$0x5], $0x1000, $0x38;
	[tilespmem:$0x1EDA0] =	vst v63  }
0xd9: {  	_ =	swait.ge [sflag:s8], $0x1000  }
0xda: {  	s3 =	sld [smem:$0x7EB]  }
0xdb: {  	[sflag:s8] =	ssyncset.done $0x0  }
0xdc: {  	[sflag:s8] =	ssyncadd.s32 $0xFFFFF000  }
0xdd: {  	[spmem:s3] =	stream.linear.scatter [tilespmem:s9], [sflag:$0x5], $0x1000, $0x38;
	[tilespmem:$0x1EDA0] =	vst v63  }
0xde: {  	_ =	swait.ge [sflag:s8], $0x1000  }
0xdf: {  	s23 =	sld [smem:$0x7EC]  }
0xe0: {  	[sflag:s8] =	ssyncset.done $0x0  }
0xe1: {  	[sflag:s8] =	ssyncadd.s32 $0xFFFFF000  }
0xe2: {  	[spmem:s23] =	stream.linear.scatter [tilespmem:s9], [sflag:$0x5], $0x1000, $0x38;
	[tilespmem:$0x1EDA0] =	vst v63  }
0xe3: {  	_ =	swait.ge [sflag:s8], $0x1000  }
0xe4: {  	s25 =	sld [smem:$0x7ED]  }
0xe5: {  	[sflag:s8] =	ssyncset.done $0x0  }
0xe6: {  	[sflag:s8] =	ssyncadd.s32 $0xFFFFF000  }
0xe7: {  	[spmem:s25] =	stream.linear.scatter [tilespmem:s9], [sflag:$0x5], $0x1000, $0x38;
	[tilespmem:$0x1EDA0] =	vst v63  }
0xe8: {  	_ =	swait.ge [sflag:s8], $0x1000  }
0xe9: {  	[sflag:s8] =	ssyncset.done $0x0  }
0xea: {  	[sflag:s8] =	ssyncadd.s32 $0xFFFFF000  }
0xeb: {  	[spmem:s4] =	stream.linear.scatter [tilespmem:s9], [sflag:$0x5], $0x1000, $0x38;
	[tilespmem:$0x1EDA0] =	vst v63  }
0xec: {  	_ =	swait.ge [sflag:s8], $0x1000  }
0xed: {  	[sflag:s8] =	ssyncset.done $0x0  }
0xee: {  	[sflag:s8] =	ssyncadd.s32 $0xFFFFF000  }
0xef: {  	[spmem:s5] =	stream.linear.scatter [tilespmem:s9], [sflag:$0x5], $0x1000, $0x38;
	[tilespmem:$0x1EDA0] =	vst v63  }
0xf0: {  	_ =	swait.ge [sflag:s8], $0x1000  }
0xf1: {  	[sflag:s8] =	ssyncset.done $0x0  }
0xf2: {  	[sflag:s8] =	ssyncadd.s32 $0xFFFFF000  }
0xf3: {  	[spmem:s6] =	stream.linear.scatter [tilespmem:s9], [sflag:$0x5], $0x1000, $0x38;
	[tilespmem:$0x1EDA0] =	vst v63  }
0xf4: {  	_ =	swait.ge [sflag:s8], $0x1000  }
0xf5: {  	[sflag:s8] =	ssyncset.done $0x0  }
0xf6: {  	[sflag:s8] =	ssyncadd.s32 $0xFFFFF000  }
0xf7: {  	[spmem:s7] =	stream.linear.scatter [tilespmem:s9], [sflag:$0x5], $0x1000, $0x38;
	[tilespmem:$0x1EDA0] =	vst v63  }
0xf8: {  	_ =	swait.ge [sflag:s8], $0x1000  }
0xf9: {  	(v2sf) =	vpush v1, $0x0;
	_ =	sdelay $0xe  }
0xfa: {  	s29 =	spop (v2sf)  }
0xfb: {  	[sflag:s8] =	ssyncset.done $0x0;
	p0 =	slt.s32 s29, $0x1  }
.Ltmp3:
0xfc: {  	[sflag:s8] =	ssyncadd.s32 $0xFFFFF000;
	(pc) =	sbr.rel @p0 .LBB2_5-.Ltmp3, $4  }
0xfd: {  	[spmem:s30] =	stream.linear.scatter [tilespmem:s9], [sflag:$0x5], $0xC80, $0x38;
	[tilespmem:$0x1EDA0] =	vst v63  }
0xfe: {  	_ =	swait.ge [sflag:s8], $0xC80  }
0xff: {  	[sflag:s8] =	ssyncset.done $0x0  }
0x100: {  	[sflag:s8] =	ssyncadd.s32 $0xFFFFF380  }
0x101: {  	s0 =	rddreg [dreg:$0x1a]  }
0x102: {  	[spmem:s0] =	stream.linear.scatter [tilespmem:s9], [sflag:$0x5], $0x1000, $0x38;
	[tilespmem:$0x1EDA0] =	vst v63  }
0x103: {  	_ =	swait.ge [sflag:s8], $0x1000  }
0x104: {  	s2 =	sld [smem:$0x7EE]  }
0x105: {  	[sflag:s8] =	ssyncset.done $0x0  }
0x106: {  	[sflag:s8] =	ssyncadd.s32 $0xFFFFF000  }
0x107: {  	[spmem:s2] =	stream.linear.scatter [tilespmem:s9], [sflag:$0x5], $0x1000, $0x38;
	[tilespmem:$0x1EDA0] =	vst v63  }
0x108: {  	_ =	swait.ge [sflag:s8], $0x1000  }
0x109: {  	s3 =	sld [smem:$0x7EF]  }
0x10a: {  	[sflag:s8] =	ssyncset.done $0x0  }
0x10b: {  	[sflag:s8] =	ssyncadd.s32 $0xFFFFF000  }
0x10c: {  	[spmem:s3] =	stream.linear.scatter [tilespmem:s9], [sflag:$0x5], $0x1000, $0x38;
	[tilespmem:$0x1EDA0] =	vst v63  }
0x10d: {  	_ =	swait.ge [sflag:s8], $0x1000  }
0x10e: {  	s23 =	sld [smem:$0x7F0]  }
0x10f: {  	[sflag:s8] =	ssyncset.done $0x0  }
0x110: {  	[sflag:s8] =	ssyncadd.s32 $0xFFFFF000  }
0x111: {  	[spmem:s23] =	stream.linear.scatter [tilespmem:s9], [sflag:$0x5], $0x1000, $0x38;
	[tilespmem:$0x1EDA0] =	vst v63  }
0x112: {  	_ =	swait.ge [sflag:s8], $0x1000  }
0x113: {  	s25 =	sld [smem:$0x7F1]  }
0x114: {  	[sflag:s8] =	ssyncset.done $0x0  }
0x115: {  	[sflag:s8] =	ssyncadd.s32 $0xFFFFF000  }
0x116: {  	[spmem:s25] =	stream.linear.scatter [tilespmem:s9], [sflag:$0x5], $0x1000, $0x38;
	[tilespmem:$0x1EDA0] =	vst v63  }
0x117: {  	_ =	swait.ge [sflag:s8], $0x1000  }
0x118: {  	s29 =	sld [smem:$0x7F2]  }
0x119: {  	[sflag:s8] =	ssyncset.done $0x0  }
0x11a: {  	[sflag:s8] =	ssyncadd.s32 $0xFFFFF000  }
0x11b: {  	[spmem:s29] =	stream.linear.scatter [tilespmem:s9], [sflag:$0x5], $0x1000, $0x38;
	[tilespmem:$0x1EDA0] =	vst v63  }
0x11c: {  	_ =	swait.ge [sflag:s8], $0x1000  }
0x11d: {  	s2 =	sld [smem:$0x7F3]  }
0x11e: {  	[sflag:s8] =	ssyncset.done $0x0  }
0x11f: {  	[sflag:s8] =	ssyncadd.s32 $0xFFFFF000  }
0x120: {  	[spmem:s2] =	stream.linear.scatter [tilespmem:s9], [sflag:$0x5], $0x1000, $0x38;
	[tilespmem:$0x1EDA0] =	vst v63  }
0x121: {  	_ =	swait.ge [sflag:s8], $0x1000  }
0x122: {  	s3 =	sld [smem:$0x7F4]  }
0x123: {  	[sflag:s8] =	ssyncset.done $0x0  }
0x124: {  	[sflag:s8] =	ssyncadd.s32 $0xFFFFF000  }
0x125: {  	[spmem:s3] =	stream.linear.scatter [tilespmem:s9], [sflag:$0x5], $0x1000, $0x38;
	[tilespmem:$0x1EDA0] =	vst v63  }
0x126: {  	_ =	swait.ge [sflag:s8], $0x1000  }
0x127: {  	s23 =	sld [smem:$0x7F5]  }
0x128: {  	[sflag:s8] =	ssyncset.done $0x0  }
0x129: {  	[sflag:s8] =	ssyncadd.s32 $0xFFFFF000  }
0x12a: {  	[spmem:s23] =	stream.linear.scatter [tilespmem:s9], [sflag:$0x5], $0x1000, $0x38;
	[tilespmem:$0x1EDA0] =	vst v63  }
0x12b: {  	_ =	swait.ge [sflag:s8], $0x1000  }
0x12c: {  	[sflag:s8] =	ssyncset.done $0x0  }
0x12d: {  	[sflag:s8] =	ssyncadd.s32 $0xFFFFF000  }
0x12e: {  	[spmem:s31] =	stream.linear.scatter [tilespmem:s9], [sflag:$0x5], $0xC80, $0x38;
	[tilespmem:$0x1EDA0] =	vst v63  }
0x12f: {  	_ =	swait.ge [sflag:s8], $0xC80  }
0x130: {  	[sflag:s8] =	ssyncset.done $0x0  }
0x131: {  	s25 =	rddreg [dreg:$0x1e];
	[sflag:s8] =	ssyncadd.s32 $0xFFFFF380  }
0x132: {  	[tilespmem:s10], [sflag:$0x5] =	stream.linear.gather [hbm4b:s25+s1], $0x200, $0x38;
	[tilespmem:$0x1EDA0] =	vst v63  }
0x133: {  	_ =	swait.ge [sflag:s8], $0x200  }
0x134: {  	[sflag:s8] =	ssyncset.done $0x0  }
0x135: {  	s29 =	rddreg [dreg:$0x1b];
	[sflag:s8] =	ssyncadd.s32 $0xFFFFFE00  }
0x136: {  	[spmem:s29] =	stream.linear.scatter [tilespmem:s10], [sflag:$0x5], $0x200, $0x38;
	[tilespmem:$0x1EDA0] =	vst v63  }
0x137: {  	_ =	swait.ge [sflag:s8], $0x200  }
0x138: {  	s2 =	sld [smem:$0x7F6]  }
0x139: {  	[sflag:s8] =	ssyncset.done $0x0  }
0x13a: {  	[sflag:s8] =	ssyncadd.s32 $0xFFFFFE00  }
0x13b: {  	[spmem:s2] =	stream.linear.scatter [tilespmem:s10], [sflag:$0x5], $0x200, $0x38;
	[tilespmem:$0x1EDA0] =	vst v63  }
0x13c: {  	_ =	swait.ge [sflag:s8], $0x200  }
0x13d: {  	s3 =	sld [smem:$0x7F7]  }
0x13e: {  	[sflag:s8] =	ssyncset.done $0x0  }
0x13f: {  	[sflag:s8] =	ssyncadd.s32 $0xFFFFFE00  }
0x140: {  	[spmem:s3] =	stream.linear.scatter [tilespmem:s10], [sflag:$0x5], $0x200, $0x38;
	[tilespmem:$0x1EDA0] =	vst v63  }
0x141: {  	_ =	swait.ge [sflag:s8], $0x200  }
0x142: {  	s23 =	sld [smem:$0x7F8]  }
0x143: {  	[sflag:s8] =	ssyncset.done $0x0  }
0x144: {  	[sflag:s8] =	ssyncadd.s32 $0xFFFFFE00  }
0x145: {  	[spmem:s23] =	stream.linear.scatter [tilespmem:s10], [sflag:$0x5], $0x200, $0x38;
	[tilespmem:$0x1EDA0] =	vst v63  }
0x146: {  	_ =	swait.ge [sflag:s8], $0x200  }
0x147: {  	s25 =	sld [smem:$0x7F9]  }
0x148: {  	[sflag:s8] =	ssyncset.done $0x0  }
0x149: {  	[sflag:s8] =	ssyncadd.s32 $0xFFFFFE00  }
0x14a: {  	[spmem:s25] =	stream.linear.scatter [tilespmem:s10], [sflag:$0x5], $0x200, $0x38;
	[tilespmem:$0x1EDA0] =	vst v63  }
0x14b: {  	_ =	swait.ge [sflag:s8], $0x200  }
0x14c: {  	s29 =	sld [smem:$0x7FA]  }
0x14d: {  	[sflag:s8] =	ssyncset.done $0x0  }
0x14e: {  	[sflag:s8] =	ssyncadd.s32 $0xFFFFFE00  }
0x14f: {  	[spmem:s29] =	stream.linear.scatter [tilespmem:s10], [sflag:$0x5], $0x200, $0x38;
	[tilespmem:$0x1EDA0] =	vst v63  }
0x150: {  	_ =	swait.ge [sflag:s8], $0x200  }
0x151: {  	s2 =	sld [smem:$0x7FB]  }
0x152: {  	[sflag:s8] =	ssyncset.done $0x0  }
0x153: {  	[sflag:s8] =	ssyncadd.s32 $0xFFFFFE00  }
0x154: {  	[spmem:s2] =	stream.linear.scatter [tilespmem:s10], [sflag:$0x5], $0x200, $0x38;
	[tilespmem:$0x1EDA0] =	vst v63  }
0x155: {  	_ =	swait.ge [sflag:s8], $0x200  }
0x156: {  	s3 =	sld [smem:$0x7FC]  }
0x157: {  	[sflag:s8] =	ssyncset.done $0x0  }
0x158: {  	[sflag:s8] =	ssyncadd.s32 $0xFFFFFE00  }
0x159: {  	[spmem:s3] =	stream.linear.scatter [tilespmem:s10], [sflag:$0x5], $0x200, $0x38;
	[tilespmem:$0x1EDA0] =	vst v63  }
0x15a: {  	_ =	swait.ge [sflag:s8], $0x200  }
0x15b: {  	s23 =	sld [smem:$0x7FD]  }
0x15c: {  	[sflag:s8] =	ssyncset.done $0x0  }
0x15d: {  	[sflag:s8] =	ssyncadd.s32 $0xFFFFFE00  }
0x15e: {  	[spmem:s23] =	stream.linear.scatter [tilespmem:s10], [sflag:$0x5], $0x200, $0x38;
	[tilespmem:$0x1EDA0] =	vst v63  }
0x15f: {  	_ =	swait.ge [sflag:s8], $0x200  }
0x160: {  	[sflag:s8] =	ssyncset.done $0x0  }
0x161: {  	s25 =	rddreg [dreg:$0x1c];
	[sflag:s8] =	ssyncadd.s32 $0xFFFFFE00  }
0x162: {  	[spmem:s25] =	stream.linear.scatter [tilespmem:s10], [sflag:$0x5], $0x190, $0x38;
	[tilespmem:$0x1EDA0] =	vst v63  }
0x163: {  	_ =	swait.ge [sflag:s8], $0x190  }
0x164: {  	[sflag:s8] =	ssyncset.done $0x0  }
0x165: {  	s29 =	rddreg [dreg:$0x1f];
	[sflag:s8] =	ssyncadd.s32 $0xFFFFFE70  }
0x166: {  	[tilespmem:s10], [sflag:$0x5] =	stream.linear.gather [hbm4b:s29+s1], $0x200, $0x38;
	[tilespmem:$0x1EDA0] =	vst v63  }
0x167: {  	_ =	swait.ge [sflag:s8], $0x200  }
0x168: {  	[sflag:s8] =	ssyncset.done $0x0  }
0x169: {  	[sflag:s8] =	ssyncadd.s32 $0xFFFFFE00  }
.LBB2_5:
0x16a: {  	[bflag:$0x0] =	sbarrier.arrive $0xFFFF  }
0x16b: {  	s0 =	sld [smem:$0x7D3];
	_ =	sdelay $0x2  }
0x16c: {  	[tilespmem:s11], [sflag:$0x5] =	stream.linear.gather [hbm4b:s0+s1], $0x2780, $0x38;
	[tilespmem:$0x1EDA0] =	vst v63  }
0x16d: {  	_ =	swait.ge [sflag:s8], $0x2780  }
0x16e: {  	s29 =	sld [smem:$0x7D4]  }
0x16f: {  	[sflag:s8] =	ssyncset.done $0x0  }
0x170: {  	s2 =	simm.s32 $0x2790;
	[sflag:s8] =	ssyncadd.s32 $0xFFFFD880  }
0x171: {  	[tilespmem:s2], [sflag:$0x5] =	stream.linear.gather [hbm4b:s29+s1], $0x2780, $0x38;
	[tilespmem:$0x1EDA0] =	vst v63  }
0x172: {  	_ =	swait.ge [sflag:s8], $0x2780  }
0x173: {  	[sflag:s8] =	ssyncset.done $0x0  }
.Ltmp4:
0x174: {  	[sflag:s8] =	ssyncadd.s32 $0xFFFFD880;
	(pc) =	sbr.rel .LBB2_6-.Ltmp4, $4  }
0x175: {  	[tilespmem:s13], [sflag:$0x1] =	stream.indirect.gather [hbm4b:s18+s12], $0x40, s11, s12, $0xb8;
	[tilespmem:$0x1EDA0] =	vst v63  }
0x176: {  	s25 =	simm.s32 @!p0 $0x40;
	s0 =	simm.s32 @!p0 $0x10;
	s2 =	simm.s32 @!p0 $0x7F10  }
0x177: {  	[tilespmem:s2], [sflag:$0x3] =	stream.indirect.gather @!p0 [hbm4b:s18+s25], $0x40, s0, s25, $0xb8;
	[tilespmem:$0x1EDA0] =	vst v63  }
0x178: {  	s0 =	simm.s32 $0x0  }
.LBB2_10:
0x179: {  	s2 =	sadd.s32 $0x90, s3  }
0x17a: {  	[tilespmem:s13], [sflag:$0x1] =	stream.indirect.gather [hbm4b:s18+s12], $0x40, s2, s12, $0xb8;
	[tilespmem:$0x1EDA0] =	vst v63  }
0x17b: {  	_ =	swait.ge [sflag:s20], $0x1000  }
0x17c: {  	[sflag:s20] =	ssyncset.done $0x0  }
0x17d: {  	s29 =	sadd.s32 $0x2790, s29;
	[sflag:s20] =	ssyncadd.s32 $0xFFFFF000  }
0x17e: {  	[spmem:s21] =	stream.indirect.scatter.add.f32 [tilespmem:s14], [sflag:$0x6], $0x40, s29, s12, $0xb8;
	[tilespmem:$0x1EDA0] =	vst v63  }
0x17f: {  	_ =	swait.ge [sflag:s16], $0x1000  }
0x180: {  	[sflag:s16] =	ssyncset.done $0x0  }
0x181: {  	s0 =	sadd.s32 $0x1, s0;
	[sflag:s16] =	ssyncadd.s32 $0xFFFFF000  }
.LBB2_11:
0x182: {  	p1 =	slt.u32 s0, $0x4F  }
.Ltmp5:
0x183: {  	_ = 	snop;
	(pc) =	sbr.rel @!p1 .LBB2_12-.Ltmp5, $1  }
0x184: {  	_ =	sdelay $0x3  }
.LBB2_6:
0x185: {  	s29 =	sshll.u32 s0, $0x7  }
0x186: {  	s2 =	sor.u32 $0x50, s29  }
0x187: {  	[tilespmem:s14], [sflag:$0x2] =	stream.indirect.gather [hbm4b:s18+s12], $0x40, s2, s12, $0xb8;
	[tilespmem:$0x1EDA0] =	vst v63  }
0x188: {  	s3 =	simm.s32 @!p0 $0x8F10  }
0x189: {  	[tilespmem:s3], [sflag:$0x4] =	stream.indirect.gather @!p0 [hbm4b:s18+s25], $0x40, s2, s25, $0xb8;
	[tilespmem:$0x1EDA0] =	vst v63  }
0x18a: {  	s2 =	sshll.u32 s0, $0x9;
	_ =	swait.ge [sflag:s15], $0x1000  }
0x18b: {  	s3 =	sshrl.u32 s2, $0x2;
	[sflag:s15] =	ssyncset.done $0x0  }
.Ltmp6:
0x18c: {  	s23 =	sadd.s32 $0x2790, s3;
	[sflag:s15] =	ssyncadd.s32 $0xFFFFF000;
	(pc) =	sbr.rel @p0 .LBB2_8-.Ltmp6, $4  }
0x18d: {  	[spmem:s21] =	stream.indirect.scatter.add.f32 [tilespmem:s13], [sflag:$0x6], $0x40, s23, s12, $0xb8;
	[tilespmem:$0x1EDA0] =	vst v63  }
0x18e: {  	_ =	swait.ge [sflag:s16], $0x1000  }
0x18f: {  	[sflag:s16] =	ssyncset.done $0x0  }
0x190: {  	s29 =	sor.u32 $0x40, s29;
	[sflag:s16] =	ssyncadd.s32 $0xFFFFF000  }
0x191: {  	_ =	swait.ge [sflag:s17], $0x1000  }
0x192: {  	[sflag:s17] =	ssyncset.done $0x0  }
0x193: {  	[sflag:s17] =	ssyncadd.s32 $0xFFFFF000  }
0x194: {  	[spmem:s24] =	stream.indirect.scatter.add.f32 [tilespmem:s19], [sflag:$0x6], $0x40, s23, s12, $0xb8;
	[tilespmem:$0x1EDA0] =	vst v63  }
0x195: {  	_ =	swait.ge [sflag:s16], $0x1000  }
0x196: {  	[sflag:s16] =	ssyncset.done $0x0  }
0x197: {  	[sflag:s16] =	ssyncadd.s32 $0xFFFFF000  }
0x198: {  	[spmem:s26] =	stream.indirect.scatter.add.f32 [tilespmem:s10], [sflag:$0x6], $0x8, s23, s12, $0xb8;
	[tilespmem:$0x1EDA0] =	vst v63  }
0x199: {  	p1 =	seq.s32 s0, $0x4E;
	_ =	swait.ge [sflag:s16], $0x200  }
0x19a: {  	s2 =	sshrl.u32 @!p1 s2, $0x2;
	s3 =	simm.s32 @!p1 $0x40;
	[sflag:s16] =	ssyncset.done $0x0  }
0x19b: {  	s2 =	sadd.s32 @!p1 $0x90, s2;
	s23 =	simm.s32 @!p1 $0x5F10;
	[sflag:s16] =	ssyncadd.s32 $0xFFFFFE00  }
0x19c: {  	[tilespmem:s23], [sflag:$0x1] =	stream.indirect.gather @!p1 [hbm4b:s18+s3], $0x40, s2, s3, $0xb8;
	[tilespmem:$0x1EDA0] =	vst v63  }
.Ltmp7:
0x19d: {  	_ = 	snop;
	(pc) =	sbr.rel .LBB2_9-.Ltmp7, $4  }
0x19e: {  	s23 =	simm.s32 @!p1 $0x7F10  }
0x19f: {  	[tilespmem:s23], [sflag:$0x3] =	stream.indirect.gather @!p1 [hbm4b:s18+s3], $0x40, s2, s3, $0xb8;
	[tilespmem:$0x1EDA0] =	vst v63  }
0x1a0: {  	s2 =	sadd.s32 @!p1 $0x1, s0  }
0x1a1: {  	s2 =	simm.s32 @p1 $0x4F  }
.LBB2_8:
0x1a2: {  	p1 =	seq.s32 s0, $0x4E  }
.Ltmp8:
0x1a3: {  	_ = 	snop;
	(pc) =	sbr.rel @!p1 .LBB2_10-.Ltmp8, $2  }
0x1a4: {  	_ =	sdelay $0x2  }
0x1a5: {  	s2 =	simm.s32 $0x4F  }
.LBB2_9:
0x1a6: {  	_ =	swait.ge [sflag:s20], $0x1000  }
0x1a7: {  	[sflag:s20] =	ssyncset.done $0x0  }
0x1a8: {  	s0 =	sadd.s32 $0x2790, s29;
	[sflag:s20] =	ssyncadd.s32 $0xFFFFF000  }
0x1a9: {  	[spmem:s21] =	stream.indirect.scatter.add.f32 [tilespmem:s14], [sflag:$0x6], $0x40, s0, s12, $0xb8;
	[tilespmem:$0x1EDA0] =	vst v63  }
0x1aa: {  	_ =	swait.ge [sflag:s16], $0x1000  }
0x1ab: {  	[sflag:s16] =	ssyncset.done $0x0  }
0x1ac: {  	s3 =	simm.s32 @!p0 $0x4;
	[sflag:s16] =	ssyncadd.s32 $0xFFFFF000  }
0x1ad: {  	_ =	swait.ge @!p0 [sflag:s3], $0x1000  }
0x1ae: {  	[sflag:s3] =	ssyncset.done @!p0 $0x0  }
0x1af: {  	s23 =	simm.s32 @!p0 $0x8F10;
	[sflag:s3] =	ssyncadd.s32 @!p0 $0xFFFFF000;
	s3 =	simm.s32 @!p0 $0x40  }
0x1b0: {  	[spmem:s24] =	stream.indirect.scatter.add.f32 @!p0 [tilespmem:s23], [sflag:$0x6], $0x40, s0, s3, $0xb8;
	[tilespmem:$0x1EDA0] =	vst v63  }
0x1b1: {  	s23 =	simm.s32 @!p0 $0x6  }
0x1b2: {  	_ =	swait.ge @!p0 [sflag:s23], $0x1000  }
0x1b3: {  	[sflag:s23] =	ssyncset.done @!p0 $0x0  }
0x1b4: {  	[sflag:s23] =	ssyncadd.s32 @!p0 $0xFFFFF000;
	s23 =	simm.s32 @!p0 $0x9F10  }
0x1b5: {  	[spmem:s26] =	stream.indirect.scatter.add.f32 @!p0 [tilespmem:s23], [sflag:$0x5], $0x8, s0, s3, $0xb8;
	[tilespmem:$0x1EDA0] =	vst v63  }
.Ltmp9:
0x1b6: {  	_ = 	snop;
	(pc) =	sbr.rel .LBB2_11-.Ltmp9, $4  }
0x1b7: {  	s0 =	simm.s32 @!p0 $0x5  }
0x1b8: {  	_ =	swait.ge @!p0 [sflag:s0], $0x200  }
0x1b9: {  	[sflag:s0] =	ssyncset.done @!p0 $0x0  }
0x1ba: {  	[sflag:s0] =	ssyncadd.s32 @!p0 $0xFFFFFE00;
	s0 =	smov.u32 s2  }
.LBB2_13:
0x1bb: {  	_ =	sfence.sel $0x180000  }
0x1bc: {  	[bflag:$0x0] =	sbarrier.arrive $0xFFFF  }
0x1bd: {  	_ =	strace $0x9000004A  }
0x1be: {  	s0 =	stileid.u32;
	[bflag:$0x2] =	sbarrier.arrive $0xFFFF  }
0x1bf: {  	p0 =	sne.s32 s0, $0x0;
	s0 =	rddreg [dreg:$0x5]  }
0x1c0: {  	s0 =	sadd.s32 @!p0 $0x100000, s0  }
0x1c1: {  	[sflag:s0] =	ssyncadd.tile.s32 @!p0 $0x1;
	_ =	shalt  }
.Lfunc_end2:
_tile_overlayer_lowered:
.L_overlay_start_2:
0x1c2: {  	(tag) =	ssettag $0x2  }
0x1c3: {  	s0 =	rddreg [dreg:$0x0];
	s2 =	stileid.u32  }
0x1c4: {  	s1 =	rddreg [dreg:$0x1];
	p0 =	sne.s32 s2, $0x0  }
0x1c5: {  	s3 =	rddreg [dreg:$0x2];
	[bflag:$0x3] =	sbarrier.arrive $0xFFFF;
	s2 =	simm.s32 @!p0 $0x1C05  }
0x1c6: {  	[timem:s3], [sflag:s2] =	dma.local @!p0 [hbm:s0], s1  }
0x1c7: {  	s0 =	simm.s32 @!p0 $0x5  }
0x1c8: {  	_ =	swait.ge @!p0 [sflag:s0], s1  }
0x1c9: {  	s1 =	ssub.s32 @!p0 $0x0, s1;
	[sflag:s0] =	ssyncset.done @!p0 $0x0  }
0x1ca: {  	[sflag:s0] =	ssyncadd.s32 @!p0 s1  }
0x1cb: {  	[bflag:$0x3] =	sbarrier.arrive $0xFFFF  }
0x1cc: {  	_ =	shalt  }

</sc_bundles>
